<compile_context>
chip_gen: v7x
topology: tpu7x:2x2x1
jax: 0.10.2.dev20260603
libtpu: 0.0.44.dev20260713+nightly
codegen_flags: <defaults>
</compile_context>

<pallas_src>
import functools

import jax
import jax.numpy as jnp
from jax import lax
from jax.experimental import pallas as pl
from jax.experimental.pallas import tpu as pltpu
from jax.experimental.pallas import tpu_sc as plsc

N = 10000
E = 320000
HID = 128
NPAD = 10240
EPAD = 327680
CW = 16
NC = 2
NS = 16
NW = NC * NS
EPT = EPAD // NW
CH = 64
NCHUNK = EPT // CH
RPT = NPAD // NS

_f32 = jnp.float32


def _silu(x):
    return x / (1.0 + jnp.exp(-x))



def _prep_body(h_ref, t_ref, WaT, WbT, WtT, be1, A_ref, B_ref):
    h = h_ref[...]
    A_ref[...] = (jnp.dot(h, WaT[...], preferred_element_type=_f32)
                  + jnp.dot(t_ref[...], WtT[...], preferred_element_type=_f32)
                  + be1[...])
    B_ref[...] = jnp.dot(h, WbT[...], preferred_element_type=_f32)


def _prep_call(hp, tp, WaT, WbT, WtT, be1):
    blk = 2048
    grid = NPAD // blk
    w_spec = pl.BlockSpec((HID, HID), lambda i: (0, 0))
    b_spec = pl.BlockSpec((1, HID), lambda i: (0, 0))
    r_spec = pl.BlockSpec((blk, HID), lambda i: (i, 0))
    return pl.pallas_call(
        _prep_body,
        grid=(grid,),
        in_specs=[r_spec, r_spec, w_spec, w_spec, w_spec, b_spec],
        out_specs=[r_spec, r_spec],
        out_shape=[jax.ShapeDtypeStruct((NPAD, HID), _f32),
                   jax.ShapeDtypeStruct((NPAD, HID), _f32)],
    )(hp, tp, WaT, WbT, WtT, be1)



GCH = 128
GNCH = EPT // GCH


def _gather_sc(A, B, px, py, pz, row3, col3,
               G, dxo, dyo, dzo,
               pxt, pyt, pzt, rowf, colf,
               bufA0, bufA1, bufB0, bufB1,
               dxb0, dxb1, dyb0, dyb1, dzb0, dzb1,
               semA0, semA1, semB0, semB1, semO0, semO1):
    cid = lax.axis_index("c")
    sid = lax.axis_index("s")
    wid = cid * NS + sid
    tbase = pl.multiple_of(wid * EPT, GCH)
    pltpu.sync_copy(px, pxt)
    pltpu.sync_copy(py, pyt)
    pltpu.sync_copy(pz, pzt)
    pltpu.sync_copy(row3.at[wid], rowf)
    pltpu.sync_copy(col3.at[wid], colf)

    bufA = (bufA0, bufA1)
    bufB = (bufB0, bufB1)
    dxb = (dxb0, dxb1)
    dyb = (dyb0, dyb1)
    dzb = (dzb0, dzb1)
    semA = (semA0, semA1)
    semB = (semB0, semB1)
    semO = (semO0, semO1)

    def out_descs(k, b):
        base = tbase + k * GCH
        return (
            pltpu.make_async_copy(bufA[b], G.at[pl.ds(base, GCH)], semO[b]),
            pltpu.make_async_copy(dxb[b], dxo.at[pl.ds(base, GCH)], semO[b]),
            pltpu.make_async_copy(dyb[b], dyo.at[pl.ds(base, GCH)], semO[b]),
            pltpu.make_async_copy(dzb[b], dzo.at[pl.ds(base, GCH)], semO[b]),
        )

    def issue_in(k, b):
        pltpu.make_async_copy(A.at[rowf.at[k]], bufA[b], semA[b]).start()
        pltpu.make_async_copy(B.at[colf.at[k]], bufB[b], semB[b]).start()

    def wait_in(k, b):
        pltpu.make_async_copy(A.at[rowf.at[k]], bufA[b], semA[b]).wait()
        pltpu.make_async_copy(B.at[colf.at[k]], bufB[b], semB[b]).wait()

    def drain_out(k, b):
        for d in out_descs(k, b):
            d.wait()

    issue_in(0, 0)

    def body(i, carry):
        for b in (0, 1):
            k = 2 * i + b
            wait_in(k, b)
            if b == 0:
                @pl.when(i >= 1)
                def _():
                    drain_out(k - 1, 1)
                issue_in(k + 1, 1)
            else:
                drain_out(k - 1, 0)

                @pl.when(i < GNCH // 2 - 1)
                def _():
                    issue_in(k + 1, 0)
            for j in range(GCH // 16):
                r = rowf[k, pl.ds(j * 16, 16)]
                c = colf[k, pl.ds(j * 16, 16)]
                o = pl.ds(j * 16, 16)
                dxb[b][o] = (plsc.load_gather(pxt, [r])
                             - plsc.load_gather(pxt, [c]))
                dyb[b][o] = (plsc.load_gather(pyt, [r])
                             - plsc.load_gather(pyt, [c]))
                dzb[b][o] = (plsc.load_gather(pzt, [r])
                             - plsc.load_gather(pzt, [c]))

            def addrow(i2, c2):
                for j2 in range(HID // 16):
                    s2 = pl.ds(j2 * 16, 16)
                    bufA[b][i2, s2] = bufA[b][i2, s2] + bufB[b][i2, s2]
                return c2

            lax.fori_loop(0, GCH, addrow, 0)
            for d in out_descs(k, b):
                d.start()
        return carry

    lax.fori_loop(0, GNCH // 2, body, 0)
    drain_out(GNCH - 1, 1)


def _gather_call(A, B, px, py, pz, row3, col3):
    mesh = plsc.VectorSubcoreMesh(core_axis_name="c", subcore_axis_name="s",
                                  num_cores=NC, num_subcores=NS)
    f = functools.partial(
        pl.kernel,
        out_type=[jax.ShapeDtypeStruct((EPAD, HID), _f32),
                  jax.ShapeDtypeStruct((EPAD,), _f32),
                  jax.ShapeDtypeStruct((EPAD,), _f32),
                  jax.ShapeDtypeStruct((EPAD,), _f32)],
        mesh=mesh,
        scratch_types=[
            pltpu.VMEM((NPAD,), _f32),
            pltpu.VMEM((NPAD,), _f32),
            pltpu.VMEM((NPAD,), _f32),
            pltpu.VMEM((GNCH, GCH), jnp.int32),
            pltpu.VMEM((GNCH, GCH), jnp.int32),
            pltpu.VMEM((GCH, HID), _f32),
            pltpu.VMEM((GCH, HID), _f32),
            pltpu.VMEM((GCH, HID), _f32),
            pltpu.VMEM((GCH, HID), _f32),
            pltpu.VMEM((GCH,), _f32),
            pltpu.VMEM((GCH,), _f32),
            pltpu.VMEM((GCH,), _f32),
            pltpu.VMEM((GCH,), _f32),
            pltpu.VMEM((GCH,), _f32),
            pltpu.VMEM((GCH,), _f32),
            pltpu.SemaphoreType.DMA,
            pltpu.SemaphoreType.DMA,
            pltpu.SemaphoreType.DMA,
            pltpu.SemaphoreType.DMA,
            pltpu.SemaphoreType.DMA,
            pltpu.SemaphoreType.DMA,
        ],
        compiler_params=pltpu.CompilerParams(needs_layout_passes=False),
    )(_gather_sc)
    return f(A, B, px, py, pz, row3, col3)



def _edge_body(G, dx, dy, dz, We2T, be2, Wc1T, bc1, Wc2T, wd,
               mij_o, cwx_o, cwy_o, cwz_o):
    dxv = dx[...]
    dyv = dy[...]
    dzv = dz[...]
    d2 = dxv * dxv + dyv * dyv + dzv * dzv + 1e-8
    dist = jnp.sqrt(d2)
    pre = G[...] + dist * wd[...]
    m = _silu(pre)
    mij = _silu(jnp.dot(m, We2T[...], preferred_element_type=_f32) + be2[...])
    cwv = _silu(jnp.dot(mij, Wc1T[...], preferred_element_type=_f32)
                + bc1[...])
    cw = jnp.dot(cwv, Wc2T[...], preferred_element_type=_f32)
    s = cw / (dist + 1e-8)
    mij_o[...] = mij
    cwx_o[...] = s * dxv
    cwy_o[...] = s * dyv
    cwz_o[...] = s * dzv


def _edge_call(G, dx, dy, dz, We2T, be2, Wc1T, bc1, Wc2T, wd):
    blk = 1024
    grid = EPAD // blk
    g_spec = pl.BlockSpec((blk, HID), lambda i: (i, 0))
    c_spec = pl.BlockSpec((blk, 1), lambda i: (i, 0))
    w_spec = pl.BlockSpec((HID, HID), lambda i: (0, 0))
    b_spec = pl.BlockSpec((1, HID), lambda i: (0, 0))
    w2_spec = pl.BlockSpec((HID, 1), lambda i: (0, 0))
    return pl.pallas_call(
        _edge_body,
        grid=(grid,),
        in_specs=[g_spec, c_spec, c_spec, c_spec, w_spec, b_spec,
                  w_spec, b_spec, w2_spec, b_spec],
        out_specs=[g_spec, c_spec, c_spec, c_spec],
        out_shape=[jax.ShapeDtypeStruct((EPAD, HID), _f32),
                   jax.ShapeDtypeStruct((EPAD, 1), _f32),
                   jax.ShapeDtypeStruct((EPAD, 1), _f32),
                   jax.ShapeDtypeStruct((EPAD, 1), _f32)],
    )(G, dx, dy, dz, We2T, be2, Wc1T, bc1, Wc2T, wd)



def _msg_scatter_sc(row3, mij, z2d, mpart, macc, rowf, mbuf):
    cid = lax.axis_index("c")
    sid = lax.axis_index("s")
    wid = cid * NS + sid
    pltpu.sync_copy(z2d.at[pl.ds(sid * RPT, RPT)],
                    macc.at[pl.ds(sid * RPT, RPT)])
    pltpu.sync_copy(row3.at[wid], rowf)
    plsc.subcore_barrier()

    def chunk(k, carry):
        base = pl.multiple_of(wid * EPT, CH) + k * CH
        pltpu.sync_copy(mij.at[pl.ds(base, CH)], mbuf)
        pltpu.sync_copy(mbuf, macc.at[rowf.at[k]], add=True)
        return carry

    lax.fori_loop(0, NCHUNK, chunk, 0)
    plsc.subcore_barrier()
    pltpu.sync_copy(macc.at[pl.ds(sid * RPT, RPT)],
                    mpart.at[cid, pl.ds(sid * RPT, RPT)])


def _msg_scatter_call(row3, mij, z2d):
    mesh = plsc.VectorSubcoreMesh(core_axis_name="c", subcore_axis_name="s",
                                  num_cores=NC, num_subcores=NS)
    f = functools.partial(
        pl.kernel,
        out_type=[jax.ShapeDtypeStruct((NC, NPAD, HID), _f32)],
        mesh=mesh,
        scratch_types=[
            pltpu.MemorySpace.VMEM_SHARED((NPAD, HID), _f32),
            pltpu.VMEM((NCHUNK, CH), jnp.int32),
            pltpu.VMEM((CH, HID), _f32),
        ],
        compiler_params=pltpu.CompilerParams(needs_layout_passes=False),
    )(_msg_scatter_sc)
    [mpart] = f(row3, mij, z2d)
    return mpart



def _coord_scatter_sc(row3, cwx, cwy, cwz, cpart,
                      acc3, rowf, cxb, cyb, czb):
    cid = lax.axis_index("c")
    sid = lax.axis_index("s")
    wid = cid * NS + sid

    def zinit(i, c2):
        o = pl.ds(i * 16, 16)
        z = jnp.zeros((16,), _f32)
        acc3[0, o] = z
        acc3[1, o] = z
        acc3[2, o] = z
        return c2

    lax.fori_loop(0, NPAD // 16, zinit, 0)
    tbase = pl.multiple_of(wid * EPT, CH)
    pltpu.sync_copy(row3.at[wid], rowf)
    pltpu.sync_copy(cwx.at[pl.ds(tbase, EPT)], cxb)
    pltpu.sync_copy(cwy.at[pl.ds(tbase, EPT)], cyb)
    pltpu.sync_copy(cwz.at[pl.ds(tbase, EPT)], czb)
    d0 = jnp.zeros((16,), jnp.int32)
    d1 = jnp.ones((16,), jnp.int32)
    d2 = jnp.full((16,), 2, jnp.int32)

    def chunk(k, carry):
        def vec(i, c2):
            o = pl.ds(k * CH + i * 16, 16)
            r = rowf[k, pl.ds(i * 16, 16)]
            plsc.addupdate_scatter(acc3, [d0, r], cxb[o])
            plsc.addupdate_scatter(acc3, [d1, r], cyb[o])
            plsc.addupdate_scatter(acc3, [d2, r], czb[o])
            return c2

        return lax.fori_loop(0, CH // 16, vec, carry)

    lax.fori_loop(0, NCHUNK, chunk, 0)
    pltpu.sync_copy(acc3, cpart.at[wid, pl.ds(0, 3)])


def _coord_scatter_call(row3, cwx, cwy, cwz):
    mesh = plsc.VectorSubcoreMesh(core_axis_name="c", subcore_axis_name="s",
                                  num_cores=NC, num_subcores=NS)
    f = functools.partial(
        pl.kernel,
        out_type=[jax.ShapeDtypeStruct((NW, 8, NPAD), _f32)],
        mesh=mesh,
        scratch_types=[
            pltpu.VMEM((3, NPAD), _f32),
            pltpu.VMEM((NCHUNK, CH), jnp.int32),
            pltpu.VMEM((EPT,), _f32),
            pltpu.VMEM((EPT,), _f32),
            pltpu.VMEM((EPT,), _f32),
        ],
        compiler_params=pltpu.CompilerParams(needs_layout_passes=False),
    )(_coord_scatter_sc)
    [cpart] = f(row3, cwx, cwy, cwz)
    return cpart



def _node_body(h_ref, t_ref, p0, p1, WhT, WmT, Wt2T, bn1, Wn2T, bn2, gam, bet,
               out):
    msg = p0[0] + p1[0]
    hv = h_ref[...]
    hm = _silu(jnp.dot(hv, WhT[...], preferred_element_type=_f32)
               + jnp.dot(msg, WmT[...], preferred_element_type=_f32)
               + jnp.dot(t_ref[...], Wt2T[...], preferred_element_type=_f32)
               + bn1[...])
    y = hv + jnp.dot(hm, Wn2T[...], preferred_element_type=_f32) + bn2[...]
    mu = jnp.mean(y, axis=1, keepdims=True)
    var = jnp.mean((y - mu) ** 2, axis=1, keepdims=True)
    out[...] = (y - mu) * lax.rsqrt(var + 1e-5) * gam[...] + bet[...]


def _node_call(h, t_emb, mpart, WhT, WmT, Wt2T, bn1, Wn2T, bn2, gam, bet):
    blk = 2000
    grid = N // blk
    r_spec = pl.BlockSpec((blk, HID), lambda i: (i, 0))
    p0_spec = pl.BlockSpec((1, blk, HID), lambda i: (0, i, 0))
    p1_spec = pl.BlockSpec((1, blk, HID), lambda i: (1, i, 0))
    w_spec = pl.BlockSpec((HID, HID), lambda i: (0, 0))
    b_spec = pl.BlockSpec((1, HID), lambda i: (0, 0))
    return pl.pallas_call(
        _node_body,
        grid=(grid,),
        in_specs=[r_spec, r_spec, p0_spec, p1_spec, w_spec, w_spec, w_spec,
                  b_spec, w_spec, b_spec, b_spec, b_spec],
        out_specs=r_spec,
        out_shape=jax.ShapeDtypeStruct((N, HID), _f32),
    )(h, t_emb, mpart, mpart, WhT, WmT, Wt2T, bn1, Wn2T, bn2, gam, bet)



def _pos_body(pos8, cp, out):
    out[...] = pos8[...] + jnp.sum(cp[...], axis=0)


def _pos_call(pos8, cpart):
    return pl.pallas_call(
        _pos_body,
        in_specs=[pl.BlockSpec((8, NPAD), lambda: (0, 0)),
                  pl.BlockSpec((NW, 8, NPAD), lambda: (0, 0, 0))],
        out_specs=pl.BlockSpec((8, NPAD), lambda: (0, 0)),
        out_shape=jax.ShapeDtypeStruct((8, NPAD), _f32),
    )(pos8, cpart)



def kernel(h, pos, edge_index, t_emb, W_e1, b_e1, W_e2, b_e2, W_n1, b_n1,
           W_n2, b_n2, W_c1, b_c1, W_c2, gamma, beta):
    row = edge_index[0].astype(jnp.int32)
    col = edge_index[1].astype(jnp.int32)
    pad_idx = jnp.full((EPAD - E,), N, jnp.int32)
    rowp = jnp.concatenate([row, pad_idx])
    colp = jnp.concatenate([col, pad_idx])
    row3 = rowp.reshape(NW, NCHUNK, CH)
    row3g = rowp.reshape(NW, GNCH, GCH)
    col3g = colp.reshape(NW, GNCH, GCH)

    hp = jnp.pad(h, ((0, NPAD - N), (0, 0)))
    tp = jnp.pad(t_emb, ((0, NPAD - N), (0, 0)))
    posTp = jnp.pad(pos.T, ((0, 0), (0, NPAD - N)))
    px, py, pz = posTp[0], posTp[1], posTp[2]

    WaT = W_e1[:, :HID].T
    WbT = W_e1[:, HID:2 * HID].T
    wd = W_e1[:, 2 * HID].reshape(1, HID)
    WtT = W_e1[:, 2 * HID + 1:].T

    A, B = _prep_call(hp, tp, WaT, WbT, WtT, b_e1.reshape(1, HID))
    G, dx, dy, dz = _gather_call(A, B, px, py, pz, row3g, col3g)
    mij, cwx, cwy, cwz = _edge_call(
        G, dx.reshape(EPAD, 1), dy.reshape(EPAD, 1), dz.reshape(EPAD, 1),
        W_e2.T, b_e2.reshape(1, HID), W_c1.T, b_c1.reshape(1, HID),
        W_c2.T, wd)
    mpart = _msg_scatter_call(row3, mij, jnp.zeros((NPAD, HID), _f32))
    cpart = _coord_scatter_call(
        row3, cwx.reshape(EPAD), cwy.reshape(EPAD), cwz.reshape(EPAD))

    h_final = _node_call(
        h, t_emb, mpart,
        W_n1[:, :HID].T, W_n1[:, HID:2 * HID].T, W_n1[:, 2 * HID:].T,
        b_n1.reshape(1, HID), W_n2.T, b_n2.reshape(1, HID),
        gamma.reshape(1, HID), beta.reshape(1, HID))

    pos8 = jnp.pad(posTp, ((0, 8 - 3), (0, 0)))
    out8 = _pos_call(pos8, cpart)
    pos_out = out8[:3, :N].T
    return h_final, pos_out

# --- scband reference (transcript-rebuilt; emitter-appended) ---
"""Pipeline reference for scband-equivariant-denoising-block-28741921145123 (READ-ONLY COPY).

The authoritative reference and input builder live on the scoring server;
editing this copy changes nothing except your own understanding.
"""

import jax, jax.numpy as jnp
import numpy as np

N = 10000
E = 320000
HID = 128
TDIM = 128


def _lin(x, W, b=None):
    y = x @ W.T
    if b is not None:
        y = y + b
    return y


def _layernorm(x, gamma, beta, eps=1e-5):
    mu = jnp.mean(x, axis=-1, keepdims=True)
    var = jnp.mean((x - mu) ** 2, axis=-1, keepdims=True)
    xn = (x - mu) / jnp.sqrt(var + eps)
    return xn * gamma + beta


def setup_inputs(seed: int = 0):
    key = jax.random.key(seed)
    ks = jax.random.split(key, 20)
    h = jax.random.normal(ks[0], (N, HID), dtype=jnp.float32)
    pos = jax.random.normal(ks[1], (N, 3), dtype=jnp.float32)
    edge_index = jax.random.randint(ks[2], (2, E), 0, N)
    t_emb = jax.random.normal(ks[3], (N, TDIM), dtype=jnp.float32)
    s = 0.05
    W_e1 = jax.random.normal(ks[4], (HID, 2 * HID + 1 + TDIM), dtype=jnp.float32) * s
    b_e1 = jnp.zeros((HID,), dtype=jnp.float32)
    W_e2 = jax.random.normal(ks[5], (HID, HID), dtype=jnp.float32) * s
    b_e2 = jnp.zeros((HID,), dtype=jnp.float32)
    W_n1 = jax.random.normal(ks[6], (HID, 2 * HID + TDIM), dtype=jnp.float32) * s
    b_n1 = jnp.zeros((HID,), dtype=jnp.float32)
    W_n2 = jax.random.normal(ks[7], (HID, HID), dtype=jnp.float32) * s
    b_n2 = jnp.zeros((HID,), dtype=jnp.float32)
    W_c1 = jax.random.normal(ks[8], (HID, HID), dtype=jnp.float32) * s
    b_c1 = jnp.zeros((HID,), dtype=jnp.float32)
    W_c2 = jax.random.normal(ks[9], (1, HID), dtype=jnp.float32) * s
    gamma = jnp.ones((HID,), dtype=jnp.float32)
    beta = jnp.zeros((HID,), dtype=jnp.float32)
    return {"h": h, "pos": pos, "edge_index": edge_index, "t_emb": t_emb,
            "W_e1": W_e1, "b_e1": b_e1, "W_e2": W_e2, "b_e2": b_e2,
            "W_n1": W_n1, "b_n1": b_n1, "W_n2": W_n2, "b_n2": b_n2,
            "W_c1": W_c1, "b_c1": b_c1, "W_c2": W_c2,
            "gamma": gamma, "beta": beta}


def reference(h, pos, edge_index, t_emb, W_e1, b_e1, W_e2, b_e2, W_n1, b_n1, W_n2, b_n2, W_c1, b_c1, W_c2, gamma, beta):
    row = edge_index[0]
    col = edge_index[1]
    diff = pos[row] - pos[col]
    dist = jnp.sqrt(jnp.sum(diff ** 2, axis=-1, keepdims=True) + 1e-08)
    t_row = t_emb[row]
    edge_feat = jnp.concatenate([h[row], h[col], dist, t_row], axis=-1)
    m = jax.nn.silu(_lin(edge_feat, W_e1, b_e1))
    m_ij = jax.nn.silu(_lin(m, W_e2, b_e2))
    cw = jax.nn.silu(_lin(m_ij, W_c1, b_c1))
    coord_w = _lin(cw, W_c2)
    unit = diff / (dist + 1e-08)
    coord_agg = jnp.zeros_like(pos).at[row].add(coord_w * unit)
    pos_out = pos + coord_agg
    msg_agg = jnp.zeros_like(h).at[row].add(m_ij)
    nf = jnp.concatenate([h, msg_agg, t_emb], axis=-1)
    h_mid = jax.nn.silu(_lin(nf, W_n1, b_n1))
    h_out = _lin(h_mid, W_n2, b_n2)
    h_final = _layernorm(h + h_out, gamma, beta)
    return (h_final, pos_out)

if __name__ == "__main__":
    import jax
    _d = setup_inputs()
    print(jax.jit(kernel)(*tuple(_d.values())))

</pallas_src>

<mosaic_0001>
#map = affine_map<(d0, d1) -> (0, 0, 0)>
#map1 = affine_map<(d0, d1) -> (0)>
module attributes {stable_mosaic.version = 14 : i64} {
  func.func @_coord_scatter_sc(%arg0: i32, %arg1: i32, %arg2: memref<32x160x64xi32, #tpu.memory_space<hbm>>, %arg3: memref<327680xf32, #tpu.memory_space<hbm>>, %arg4: memref<327680xf32, #tpu.memory_space<hbm>>, %arg5: memref<327680xf32, #tpu.memory_space<hbm>>, %arg6: memref<32x8x10240xf32, #tpu.memory_space<hbm>>, %arg7: memref<3x10240xf32, #tpu.memory_space<vmem>>, %arg8: memref<160x64xi32, #tpu.memory_space<vmem>>, %arg9: memref<10240xf32, #tpu.memory_space<vmem>>, %arg10: memref<10240xf32, #tpu.memory_space<vmem>>, %arg11: memref<10240xf32, #tpu.memory_space<vmem>>) attributes {dimension_semantics = [#tpu.dimension_semantics<core_parallel>, #tpu.dimension_semantics<subcore_parallel>], iteration_bounds = array<i64: 2, 16>, scalar_prefetch = 0 : i64, scratch_operands = 5 : i64, tpu.core_type = #tpu.core_type<sc_vector_subcore>, window_params = [{transform_indices = #map}, {transform_indices = #map1}, {transform_indices = #map1}, {transform_indices = #map1}, {transform_indices = #map}]} {
    %mul3A = arith.constant 16 : i32
    %mul3A_0 = arith.muli %arg0, %mul3A : i32
    %add3A = arith.addi %mul3A_0, %arg1 : i32
    %scan3A = arith.constant 0 : i32
    %scan3A_1 = arith.constant 0 : i32
    %scan3A_2 = arith.constant 640 : i32
    %scan3A_3 = arith.addi %scan3A_1, %scan3A_2 : i32
    %scan3A_4 = arith.constant 1 : i32
    scf.for %scan3A_19 = %scan3A_1 to %scan3A_3 step %scan3A_4  : i32 {
      %mul3A_20 = arith.constant 16 : i32
      %mul3A_21 = arith.muli %scan3A_19, %mul3A_20 : i32
      %broadcast_in_dim3A_22 = arith.constant 0.000000e+00 : f32
      %broadcast_in_dim3A_23 = vector.broadcast %broadcast_in_dim3A_22 : f32 to vector<16xf32>
      %swap3A = arith.constant 0 : i32
      %swap3A_24 = arith.index_cast %swap3A : i32 to index
      %swap3A_25 = arith.index_cast %mul3A_21 : i32 to index
      %swap3A_26 = tpu.vector_load %arg7[%swap3A_24, %swap3A_25] {strides = array<i32>} : memref<3x10240xf32, #tpu.memory_space<vmem>>, vector<16xf32>,
      tpu.vector_store %arg7[%swap3A_24, %swap3A_25], %broadcast_in_dim3A_23 {strides = array<i32>} : memref<3x10240xf32, #tpu.memory_space<vmem>>, vector<16xf32>,
      %swap3A_27 = arith.constant 1 : i32
      %swap3A_28 = arith.index_cast %swap3A_27 : i32 to index
      %swap3A_29 = arith.index_cast %mul3A_21 : i32 to index
      %swap3A_30 = tpu.vector_load %arg7[%swap3A_28, %swap3A_29] {strides = array<i32>} : memref<3x10240xf32, #tpu.memory_space<vmem>>, vector<16xf32>,
      tpu.vector_store %arg7[%swap3A_28, %swap3A_29], %broadcast_in_dim3A_23 {strides = array<i32>} : memref<3x10240xf32, #tpu.memory_space<vmem>>, vector<16xf32>,
      %swap3A_31 = arith.constant 2 : i32
      %swap3A_32 = arith.index_cast %swap3A_31 : i32 to index
      %swap3A_33 = arith.index_cast %mul3A_21 : i32 to index
      %swap3A_34 = tpu.vector_load %arg7[%swap3A_32, %swap3A_33] {strides = array<i32>} : memref<3x10240xf32, #tpu.memory_space<vmem>>, vector<16xf32>,
      tpu.vector_store %arg7[%swap3A_32, %swap3A_33], %broadcast_in_dim3A_23 {strides = array<i32>} : memref<3x10240xf32, #tpu.memory_space<vmem>>, vector<16xf32>,
    }
    %scan3A_5 = arith.constant 640 : i32
    %mul3A_6 = arith.constant 10240 : i32
    %mul3A_7 = arith.muli %add3A, %mul3A_6 : i32
    %multiple_of3A = tpu.assume_multiple %mul3A_7, 64 : i32
    "tpu.region"() ({
      %run_scoped3A = tpu.sem_alloc : memref<!tpu.dma_semaphore, #tpu.memory_space<semaphore_mem>>
      %dma_start3A = arith.constant 0 : i32
      %dma_start3A_19 = arith.constant 0 : i32
      %dma_start3A_20 = tpu.memref_slice %arg2[%add3A, %dma_start3A, %dma_start3A_19] : memref<32x160x64xi32, #tpu.memory_space<hbm>> -> memref<1x160x64xi32, #tpu.memory_space<hbm>>
      %dma_start3A_21 = tpu.memref_squeeze %dma_start3A_20 : memref<1x160x64xi32, #tpu.memory_space<hbm>> -> memref<160x64xi32, #tpu.memory_space<hbm>>
      %dma_start3A_22 = arith.constant 0 : i32
      %dma_start3A_23 = arith.constant 0 : i32
      %dma_start3A_24 = tpu.memref_slice %arg2[%add3A, %dma_start3A_22, %dma_start3A_23] : memref<32x160x64xi32, #tpu.memory_space<hbm>> -> memref<1x160x64xi32, #tpu.memory_space<hbm>>
      %dma_start3A_25 = tpu.memref_squeeze %dma_start3A_24 : memref<1x160x64xi32, #tpu.memory_space<hbm>> -> memref<160x64xi32, #tpu.memory_space<hbm>>
      tpu.enqueue_dma source(%dma_start3A_25 : memref<160x64xi32, #tpu.memory_space<hbm>>) target(%arg8 : memref<160x64xi32, #tpu.memory_space<vmem>>) target_semaphore(%run_scoped3A : memref<!tpu.dma_semaphore, #tpu.memory_space<semaphore_mem>>)
      %dma_wait3A = arith.constant 0 : i32
      %dma_wait3A_26 = arith.constant 0 : i32
      %dma_wait3A_27 = tpu.memref_slice %arg2[%add3A, %dma_wait3A, %dma_wait3A_26] : memref<32x160x64xi32, #tpu.memory_space<hbm>> -> memref<1x160x64xi32, #tpu.memory_space<hbm>>
      %dma_wait3A_28 = tpu.memref_squeeze %dma_wait3A_27 : memref<1x160x64xi32, #tpu.memory_space<hbm>> -> memref<160x64xi32, #tpu.memory_space<hbm>>
      %dma_wait3A_29 = arith.constant 0 : i32
      %dma_wait3A_30 = arith.constant 0 : i32
      %dma_wait3A_31 = tpu.memref_slice %arg2[%add3A, %dma_wait3A_29, %dma_wait3A_30] : memref<32x160x64xi32, #tpu.memory_space<hbm>> -> memref<1x160x64xi32, #tpu.memory_space<hbm>>
      %dma_wait3A_32 = tpu.memref_squeeze %dma_wait3A_31 : memref<1x160x64xi32, #tpu.memory_space<hbm>> -> memref<160x64xi32, #tpu.memory_space<hbm>>
      tpu.wait_dma2 semaphore(%run_scoped3A : memref<!tpu.dma_semaphore, #tpu.memory_space<semaphore_mem>>) src(%dma_wait3A_32 : memref<160x64xi32, #tpu.memory_space<hbm>>) dst(%arg8 : memref<160x64xi32, #tpu.memory_space<vmem>>)
      tpu.yield
    }) : () -> ()
    "tpu.region"() ({
      %run_scoped3A = tpu.sem_alloc : memref<!tpu.dma_semaphore, #tpu.memory_space<semaphore_mem>>
      %dma_start3A = tpu.memref_slice %arg3[%multiple_of3A] : memref<327680xf32, #tpu.memory_space<hbm>> -> memref<10240xf32, #tpu.memory_space<hbm>>
      %dma_start3A_19 = tpu.memref_slice %arg3[%multiple_of3A] : memref<327680xf32, #tpu.memory_space<hbm>> -> memref<10240xf32, #tpu.memory_space<hbm>>
      tpu.enqueue_dma source(%dma_start3A_19 : memref<10240xf32, #tpu.memory_space<hbm>>) target(%arg9 : memref<10240xf32, #tpu.memory_space<vmem>>) target_semaphore(%run_scoped3A : memref<!tpu.dma_semaphore, #tpu.memory_space<semaphore_mem>>)
      %dma_wait3A = tpu.memref_slice %arg3[%multiple_of3A] : memref<327680xf32, #tpu.memory_space<hbm>> -> memref<10240xf32, #tpu.memory_space<hbm>>
      %dma_wait3A_20 = tpu.memref_slice %arg3[%multiple_of3A] : memref<327680xf32, #tpu.memory_space<hbm>> -> memref<10240xf32, #tpu.memory_space<hbm>>
      tpu.wait_dma2 semaphore(%run_scoped3A : memref<!tpu.dma_semaphore, #tpu.memory_space<semaphore_mem>>) src(%dma_wait3A_20 : memref<10240xf32, #tpu.memory_space<hbm>>) dst(%arg9 : memref<10240xf32, #tpu.memory_space<vmem>>)
      tpu.yield
    }) : () -> ()
    "tpu.region"() ({
      %run_scoped3A = tpu.sem_alloc : memref<!tpu.dma_semaphore, #tpu.memory_space<semaphore_mem>>
      %dma_start3A = tpu.memref_slice %arg4[%multiple_of3A] : memref<327680xf32, #tpu.memory_space<hbm>> -> memref<10240xf32, #tpu.memory_space<hbm>>
      %dma_start3A_19 = tpu.memref_slice %arg4[%multiple_of3A] : memref<327680xf32, #tpu.memory_space<hbm>> -> memref<10240xf32, #tpu.memory_space<hbm>>
      tpu.enqueue_dma source(%dma_start3A_19 : memref<10240xf32, #tpu.memory_space<hbm>>) target(%arg10 : memref<10240xf32, #tpu.memory_space<vmem>>) target_semaphore(%run_scoped3A : memref<!tpu.dma_semaphore, #tpu.memory_space<semaphore_mem>>)
      %dma_wait3A = tpu.memref_slice %arg4[%multiple_of3A] : memref<327680xf32, #tpu.memory_space<hbm>> -> memref<10240xf32, #tpu.memory_space<hbm>>
      %dma_wait3A_20 = tpu.memref_slice %arg4[%multiple_of3A] : memref<327680xf32, #tpu.memory_space<hbm>> -> memref<10240xf32, #tpu.memory_space<hbm>>
      tpu.wait_dma2 semaphore(%run_scoped3A : memref<!tpu.dma_semaphore, #tpu.memory_space<semaphore_mem>>) src(%dma_wait3A_20 : memref<10240xf32, #tpu.memory_space<hbm>>) dst(%arg10 : memref<10240xf32, #tpu.memory_space<vmem>>)
      tpu.yield
    }) : () -> ()
    "tpu.region"() ({
      %run_scoped3A = tpu.sem_alloc : memref<!tpu.dma_semaphore, #tpu.memory_space<semaphore_mem>>
      %dma_start3A = tpu.memref_slice %arg5[%multiple_of3A] : memref<327680xf32, #tpu.memory_space<hbm>> -> memref<10240xf32, #tpu.memory_space<hbm>>
      %dma_start3A_19 = tpu.memref_slice %arg5[%multiple_of3A] : memref<327680xf32, #tpu.memory_space<hbm>> -> memref<10240xf32, #tpu.memory_space<hbm>>
      tpu.enqueue_dma source(%dma_start3A_19 : memref<10240xf32, #tpu.memory_space<hbm>>) target(%arg11 : memref<10240xf32, #tpu.memory_space<vmem>>) target_semaphore(%run_scoped3A : memref<!tpu.dma_semaphore, #tpu.memory_space<semaphore_mem>>)
      %dma_wait3A = tpu.memref_slice %arg5[%multiple_of3A] : memref<327680xf32, #tpu.memory_space<hbm>> -> memref<10240xf32, #tpu.memory_space<hbm>>
      %dma_wait3A_20 = tpu.memref_slice %arg5[%multiple_of3A] : memref<327680xf32, #tpu.memory_space<hbm>> -> memref<10240xf32, #tpu.memory_space<hbm>>
      tpu.wait_dma2 semaphore(%run_scoped3A : memref<!tpu.dma_semaphore, #tpu.memory_space<semaphore_mem>>) src(%dma_wait3A_20 : memref<10240xf32, #tpu.memory_space<hbm>>) dst(%arg11 : memref<10240xf32, #tpu.memory_space<vmem>>)
      tpu.yield
    }) : () -> ()
    %broadcast_in_dim3A = arith.constant 0 : i32
    %broadcast_in_dim3A_8 = vector.broadcast %broadcast_in_dim3A : i32 to vector<16xi32>
    %broadcast_in_dim3A_9 = arith.constant 1 : i32
    %broadcast_in_dim3A_10 = vector.broadcast %broadcast_in_dim3A_9 : i32 to vector<16xi32>
    %broadcast_in_dim3A_11 = arith.constant 2 : i32
    %broadcast_in_dim3A_12 = vector.broadcast %broadcast_in_dim3A_11 : i32 to vector<16xi32>
    %scan3A_13 = arith.constant 0 : i32
    %scan3A_14 = arith.constant 0 : i32
    %scan3A_15 = arith.constant 160 : i32
    %scan3A_16 = arith.addi %scan3A_14, %scan3A_15 : i32
    %scan3A_17 = arith.constant 1 : i32
    scf.for %scan3A_19 = %scan3A_14 to %scan3A_16 step %scan3A_17  : i32 {
      %scan3A_20 = arith.constant 0 : i32
      %scan3A_21 = arith.constant 4 : i32
      %scan3A_22 = arith.addi %scan3A_20, %scan3A_21 : i32
      %scan3A_23 = arith.constant 1 : i32
      scf.for %scan3A_25 = %scan3A_20 to %scan3A_22 step %scan3A_23  : i32 {
        %mul3A_26 = arith.constant 64 : i32
        %mul3A_27 = arith.muli %scan3A_19, %mul3A_26 : i32
        %mul3A_28 = arith.constant 16 : i32
        %mul3A_29 = arith.muli %scan3A_25, %mul3A_28 : i32
        %add3A_30 = arith.addi %mul3A_27, %mul3A_29 : i32
        %mul3A_31 = arith.constant 16 : i32
        %mul3A_32 = arith.muli %scan3A_25, %mul3A_31 : i32
        %get3A = arith.index_cast %scan3A_19 : i32 to index
        %get3A_33 = arith.index_cast %mul3A_32 : i32 to index
        %get3A_34 = tpu.vector_load %arg8[%get3A, %get3A_33] {strides = array<i32>} : memref<160x64xi32, #tpu.memory_space<vmem>>, vector<16xi32>,
        %get3A_35 = arith.index_cast %add3A_30 : i32 to index
        %get3A_36 = tpu.vector_load %arg9[%get3A_35] {strides = array<i32>} : memref<10240xf32, #tpu.memory_space<vmem>>, vector<16xf32>,
        tpu.vector_store_idx %arg7[%broadcast_in_dim3A_8, %get3A_34], %get3A_36 {add = true} : memref<3x10240xf32, #tpu.memory_space<vmem>>[vector<16xi32>, vector<16xi32>], vector<16xf32>,
        %get3A_37 = arith.index_cast %add3A_30 : i32 to index
        %get3A_38 = tpu.vector_load %arg10[%get3A_37] {strides = array<i32>} : memref<10240xf32, #tpu.memory_space<vmem>>, vector<16xf32>,
        tpu.vector_store_idx %arg7[%broadcast_in_dim3A_10, %get3A_34], %get3A_38 {add = true} : memref<3x10240xf32, #tpu.memory_space<vmem>>[vector<16xi32>, vector<16xi32>], vector<16xf32>,
        %get3A_39 = arith.index_cast %add3A_30 : i32 to index
        %get3A_40 = tpu.vector_load %arg11[%get3A_39] {strides = array<i32>} : memref<10240xf32, #tpu.memory_space<vmem>>, vector<16xf32>,
        tpu.vector_store_idx %arg7[%broadcast_in_dim3A_12, %get3A_34], %get3A_40 {add = true} : memref<3x10240xf32, #tpu.memory_space<vmem>>[vector<16xi32>, vector<16xi32>], vector<16xf32>,
      }
      %scan3A_24 = arith.constant 4 : i32
    }
    %scan3A_18 = arith.constant 160 : i32
    "tpu.region"() ({
      %run_scoped3A = tpu.sem_alloc : memref<!tpu.dma_semaphore, #tpu.memory_space<semaphore_mem>>
      %dma_start3A = arith.constant 0 : i32
      %dma_start3A_19 = arith.constant 0 : i32
      %dma_start3A_20 = tpu.memref_slice %arg6[%add3A, %dma_start3A, %dma_start3A_19] : memref<32x8x10240xf32, #tpu.memory_space<hbm>> -> memref<1x3x10240xf32, #tpu.memory_space<hbm>>
      %dma_start3A_21 = tpu.memref_squeeze %dma_start3A_20 : memref<1x3x10240xf32, #tpu.memory_space<hbm>> -> memref<3x10240xf32, #tpu.memory_space<hbm>>
      %dma_start3A_22 = arith.constant 0 : i32
      %dma_start3A_23 = arith.constant 0 : i32
      %dma_start3A_24 = tpu.memref_slice %arg6[%add3A, %dma_start3A_22, %dma_start3A_23] : memref<32x8x10240xf32, #tpu.memory_space<hbm>> -> memref<1x3x10240xf32, #tpu.memory_space<hbm>>
      %dma_start3A_25 = tpu.memref_squeeze %dma_start3A_24 : memref<1x3x10240xf32, #tpu.memory_space<hbm>> -> memref<3x10240xf32, #tpu.memory_space<hbm>>
      tpu.enqueue_dma source(%arg7 : memref<3x10240xf32, #tpu.memory_space<vmem>>) target(%dma_start3A_25 : memref<3x10240xf32, #tpu.memory_space<hbm>>) target_semaphore(%run_scoped3A : memref<!tpu.dma_semaphore, #tpu.memory_space<semaphore_mem>>)
      %dma_wait3A = arith.constant 0 : i32
      %dma_wait3A_26 = arith.constant 0 : i32
      %dma_wait3A_27 = tpu.memref_slice %arg6[%add3A, %dma_wait3A, %dma_wait3A_26] : memref<32x8x10240xf32, #tpu.memory_space<hbm>> -> memref<1x3x10240xf32, #tpu.memory_space<hbm>>
      %dma_wait3A_28 = tpu.memref_squeeze %dma_wait3A_27 : memref<1x3x10240xf32, #tpu.memory_space<hbm>> -> memref<3x10240xf32, #tpu.memory_space<hbm>>
      %dma_wait3A_29 = arith.constant 0 : i32
      %dma_wait3A_30 = arith.constant 0 : i32
      %dma_wait3A_31 = tpu.memref_slice %arg6[%add3A, %dma_wait3A_29, %dma_wait3A_30] : memref<32x8x10240xf32, #tpu.memory_space<hbm>> -> memref<1x3x10240xf32, #tpu.memory_space<hbm>>
      %dma_wait3A_32 = tpu.memref_squeeze %dma_wait3A_31 : memref<1x3x10240xf32, #tpu.memory_space<hbm>> -> memref<3x10240xf32, #tpu.memory_space<hbm>>
      tpu.wait_dma2 semaphore(%run_scoped3A : memref<!tpu.dma_semaphore, #tpu.memory_space<semaphore_mem>>) src(%arg7 : memref<3x10240xf32, #tpu.memory_space<vmem>>) dst(%dma_wait3A_32 : memref<3x10240xf32, #tpu.memory_space<hbm>>)
      tpu.yield
    }) : () -> ()
    return
  }
}

#map = affine_map<(d0, d1) -> (0, 0)>
#map1 = affine_map<(d0, d1) -> (0)>
#map2 = affine_map<(d0, d1) -> (0, 0, 0)>
module attributes {stable_mosaic.version = 14 : i64} {
  func.func @_gather_sc(%arg0: i32, %arg1: i32, %arg2: memref<10240x128xf32, #tpu.memory_space<hbm>>, %arg3: memref<10240x128xf32, #tpu.memory_space<hbm>>, %arg4: memref<10240xf32, #tpu.memory_space<hbm>>, %arg5: memref<10240xf32, #tpu.memory_space<hbm>>, %arg6: memref<10240xf32, #tpu.memory_space<hbm>>, %arg7: memref<32x80x128xi32, #tpu.memory_space<hbm>>, %arg8: memref<32x80x128xi32, #tpu.memory_space<hbm>>, %arg9: memref<327680x128xf32, #tpu.memory_space<hbm>>, %arg10: memref<327680xf32, #tpu.memory_space<hbm>>, %arg11: memref<327680xf32, #tpu.memory_space<hbm>>, %arg12: memref<327680xf32, #tpu.memory_space<hbm>>, %arg13: memref<10240xf32, #tpu.memory_space<vmem>>, %arg14: memref<10240xf32, #tpu.memory_space<vmem>>, %arg15: memref<10240xf32, #tpu.memory_space<vmem>>, %arg16: memref<80x128xi32, #tpu.memory_space<vmem>>, %arg17: memref<80x128xi32, #tpu.memory_space<vmem>>, %arg18: memref<128x128xf32, #tpu.memory_space<vmem>>, %arg19: memref<128x128xf32, #tpu.memory_space<vmem>>, %arg20: memref<128x128xf32, #tpu.memory_space<vmem>>, %arg21: memref<128x128xf32, #tpu.memory_space<vmem>>, %arg22: memref<128xf32, #tpu.memory_space<vmem>>, %arg23: memref<128xf32, #tpu.memory_space<vmem>>, %arg24: memref<128xf32, #tpu.memory_space<vmem>>, %arg25: memref<128xf32, #tpu.memory_space<vmem>>, %arg26: memref<128xf32, #tpu.memory_space<vmem>>, %arg27: memref<128xf32, #tpu.memory_space<vmem>>, %arg28: memref<!tpu.dma_semaphore, #tpu.memory_space<semaphore_mem>>, %arg29: memref<!tpu.dma_semaphore, #tpu.memory_space<semaphore_mem>>, %arg30: memref<!tpu.dma_semaphore, #tpu.memory_space<semaphore_mem>>, %arg31: memref<!tpu.dma_semaphore, #tpu.memory_space<semaphore_mem>>, %arg32: memref<!tpu.dma_semaphore, #tpu.memory_space<semaphore_mem>>, %arg33: memref<!tpu.dma_semaphore, #tpu.memory_space<semaphore_mem>>) attributes {dimension_semantics = [#tpu.dimension_semantics<core_parallel>, #tpu.dimension_semantics<subcore_parallel>], iteration_bounds = array<i64: 2, 16>, scalar_prefetch = 0 : i64, scratch_operands = 21 : i64, tpu.core_type = #tpu.core_type<sc_vector_subcore>, window_params = [{transform_indices = #map}, {transform_indices = #map}, {transform_indices = #map1}, {transform_indices = #map1}, {transform_indices = #map1}, {transform_indices = #map2}, {transform_indices = #map2}, {transform_indices = #map}, {transform_indices = #map1}, {transform_indices = #map1}, {transform_indices = #map1}]} {
    %mul3A = arith.constant 16 : i32
    %mul3A_0 = arith.muli %arg0, %mul3A : i32
    %add3A = arith.addi %mul3A_0, %arg1 : i32
    %mul3A_1 = arith.constant 10240 : i32
    %mul3A_2 = arith.muli %add3A, %mul3A_1 : i32
    %multiple_of3A = tpu.assume_multiple %mul3A_2, 128 : i32
    "tpu.region"() ({
      %run_scoped3A = tpu.sem_alloc : memref<!tpu.dma_semaphore, #tpu.memory_space<semaphore_mem>>
      tpu.enqueue_dma source(%arg4 : memref<10240xf32, #tpu.memory_space<hbm>>) target(%arg13 : memref<10240xf32, #tpu.memory_space<vmem>>) target_semaphore(%run_scoped3A : memref<!tpu.dma_semaphore, #tpu.memory_space<semaphore_mem>>)
      tpu.wait_dma2 semaphore(%run_scoped3A : memref<!tpu.dma_semaphore, #tpu.memory_space<semaphore_mem>>) src(%arg4 : memref<10240xf32, #tpu.memory_space<hbm>>) dst(%arg13 : memref<10240xf32, #tpu.memory_space<vmem>>)
      tpu.yield
    }) : () -> ()
    "tpu.region"() ({
      %run_scoped3A = tpu.sem_alloc : memref<!tpu.dma_semaphore, #tpu.memory_space<semaphore_mem>>
      tpu.enqueue_dma source(%arg5 : memref<10240xf32, #tpu.memory_space<hbm>>) target(%arg14 : memref<10240xf32, #tpu.memory_space<vmem>>) target_semaphore(%run_scoped3A : memref<!tpu.dma_semaphore, #tpu.memory_space<semaphore_mem>>)
      tpu.wait_dma2 semaphore(%run_scoped3A : memref<!tpu.dma_semaphore, #tpu.memory_space<semaphore_mem>>) src(%arg5 : memref<10240xf32, #tpu.memory_space<hbm>>) dst(%arg14 : memref<10240xf32, #tpu.memory_space<vmem>>)
      tpu.yield
    }) : () -> ()
    "tpu.region"() ({
      %run_scoped3A = tpu.sem_alloc : memref<!tpu.dma_semaphore, #tpu.memory_space<semaphore_mem>>
      tpu.enqueue_dma source(%arg6 : memref<10240xf32, #tpu.memory_space<hbm>>) target(%arg15 : memref<10240xf32, #tpu.memory_space<vmem>>) target_semaphore(%run_scoped3A : memref<!tpu.dma_semaphore, #tpu.memory_space<semaphore_mem>>)
      tpu.wait_dma2 semaphore(%run_scoped3A : memref<!tpu.dma_semaphore, #tpu.memory_space<semaphore_mem>>) src(%arg6 : memref<10240xf32, #tpu.memory_space<hbm>>) dst(%arg15 : memref<10240xf32, #tpu.memory_space<vmem>>)
      tpu.yield
    }) : () -> ()
    "tpu.region"() ({
      %run_scoped3A = tpu.sem_alloc : memref<!tpu.dma_semaphore, #tpu.memory_space<semaphore_mem>>
      %dma_start3A_32 = arith.constant 0 : i32
      %dma_start3A_33 = arith.constant 0 : i32
      %dma_start3A_34 = tpu.memref_slice %arg7[%add3A, %dma_start3A_32, %dma_start3A_33] : memref<32x80x128xi32, #tpu.memory_space<hbm>> -> memref<1x80x128xi32, #tpu.memory_space<hbm>>
      %dma_start3A_35 = tpu.memref_squeeze %dma_start3A_34 : memref<1x80x128xi32, #tpu.memory_space<hbm>> -> memref<80x128xi32, #tpu.memory_space<hbm>>
      %dma_start3A_36 = arith.constant 0 : i32
      %dma_start3A_37 = arith.constant 0 : i32
      %dma_start3A_38 = tpu.memref_slice %arg7[%add3A, %dma_start3A_36, %dma_start3A_37] : memref<32x80x128xi32, #tpu.memory_space<hbm>> -> memref<1x80x128xi32, #tpu.memory_space<hbm>>
      %dma_start3A_39 = tpu.memref_squeeze %dma_start3A_38 : memref<1x80x128xi32, #tpu.memory_space<hbm>> -> memref<80x128xi32, #tpu.memory_space<hbm>>
      tpu.enqueue_dma source(%dma_start3A_39 : memref<80x128xi32, #tpu.memory_space<hbm>>) target(%arg16 : memref<80x128xi32, #tpu.memory_space<vmem>>) target_semaphore(%run_scoped3A : memref<!tpu.dma_semaphore, #tpu.memory_space<semaphore_mem>>)
      %dma_wait3A_40 = arith.constant 0 : i32
      %dma_wait3A_41 = arith.constant 0 : i32
      %dma_wait3A_42 = tpu.memref_slice %arg7[%add3A, %dma_wait3A_40, %dma_wait3A_41] : memref<32x80x128xi32, #tpu.memory_space<hbm>> -> memref<1x80x128xi32, #tpu.memory_space<hbm>>
      %dma_wait3A_43 = tpu.memref_squeeze %dma_wait3A_42 : memref<1x80x128xi32, #tpu.memory_space<hbm>> -> memref<80x128xi32, #tpu.memory_space<hbm>>
      %dma_wait3A_44 = arith.constant 0 : i32
      %dma_wait3A_45 = arith.constant 0 : i32
      %dma_wait3A_46 = tpu.memref_slice %arg7[%add3A, %dma_wait3A_44, %dma_wait3A_45] : memref<32x80x128xi32, #tpu.memory_space<hbm>> -> memref<1x80x128xi32, #tpu.memory_space<hbm>>
      %dma_wait3A_47 = tpu.memref_squeeze %dma_wait3A_46 : memref<1x80x128xi32, #tpu.memory_space<hbm>> -> memref<80x128xi32, #tpu.memory_space<hbm>>
      tpu.wait_dma2 semaphore(%run_scoped3A : memref<!tpu.dma_semaphore, #tpu.memory_space<semaphore_mem>>) src(%dma_wait3A_47 : memref<80x128xi32, #tpu.memory_space<hbm>>) dst(%arg16 : memref<80x128xi32, #tpu.memory_space<vmem>>)
      tpu.yield
    }) : () -> ()
    "tpu.region"() ({
      %run_scoped3A = tpu.sem_alloc : memref<!tpu.dma_semaphore, #tpu.memory_space<semaphore_mem>>
      %dma_start3A_32 = arith.constant 0 : i32
      %dma_start3A_33 = arith.constant 0 : i32
      %dma_start3A_34 = tpu.memref_slice %arg8[%add3A, %dma_start3A_32, %dma_start3A_33] : memref<32x80x128xi32, #tpu.memory_space<hbm>> -> memref<1x80x128xi32, #tpu.memory_space<hbm>>
      %dma_start3A_35 = tpu.memref_squeeze %dma_start3A_34 : memref<1x80x128xi32, #tpu.memory_space<hbm>> -> memref<80x128xi32, #tpu.memory_space<hbm>>
      %dma_start3A_36 = arith.constant 0 : i32
      %dma_start3A_37 = arith.constant 0 : i32
      %dma_start3A_38 = tpu.memref_slice %arg8[%add3A, %dma_start3A_36, %dma_start3A_37] : memref<32x80x128xi32, #tpu.memory_space<hbm>> -> memref<1x80x128xi32, #tpu.memory_space<hbm>>
      %dma_start3A_39 = tpu.memref_squeeze %dma_start3A_38 : memref<1x80x128xi32, #tpu.memory_space<hbm>> -> memref<80x128xi32, #tpu.memory_space<hbm>>
      tpu.enqueue_dma source(%dma_start3A_39 : memref<80x128xi32, #tpu.memory_space<hbm>>) target(%arg17 : memref<80x128xi32, #tpu.memory_space<vmem>>) target_semaphore(%run_scoped3A : memref<!tpu.dma_semaphore, #tpu.memory_space<semaphore_mem>>)
      %dma_wait3A_40 = arith.constant 0 : i32
      %dma_wait3A_41 = arith.constant 0 : i32
      %dma_wait3A_42 = tpu.memref_slice %arg8[%add3A, %dma_wait3A_40, %dma_wait3A_41] : memref<32x80x128xi32, #tpu.memory_space<hbm>> -> memref<1x80x128xi32, #tpu.memory_space<hbm>>
      %dma_wait3A_43 = tpu.memref_squeeze %dma_wait3A_42 : memref<1x80x128xi32, #tpu.memory_space<hbm>> -> memref<80x128xi32, #tpu.memory_space<hbm>>
      %dma_wait3A_44 = arith.constant 0 : i32
      %dma_wait3A_45 = arith.constant 0 : i32
      %dma_wait3A_46 = tpu.memref_slice %arg8[%add3A, %dma_wait3A_44, %dma_wait3A_45] : memref<32x80x128xi32, #tpu.memory_space<hbm>> -> memref<1x80x128xi32, #tpu.memory_space<hbm>>
      %dma_wait3A_47 = tpu.memref_squeeze %dma_wait3A_46 : memref<1x80x128xi32, #tpu.memory_space<hbm>> -> memref<80x128xi32, #tpu.memory_space<hbm>>
      tpu.wait_dma2 semaphore(%run_scoped3A : memref<!tpu.dma_semaphore, #tpu.memory_space<semaphore_mem>>) src(%dma_wait3A_47 : memref<80x128xi32, #tpu.memory_space<hbm>>) dst(%arg17 : memref<80x128xi32, #tpu.memory_space<vmem>>)
      tpu.yield
    }) : () -> ()
    %dma_start3A = arith.constant 0 : i32
    %dma_start3A_3 = arith.constant 0 : i32
    %dma_start3A_4 = tpu.memref_slice %arg16[%dma_start3A, %dma_start3A_3] : memref<80x128xi32, #tpu.memory_space<vmem>> -> memref<1x128xi32, #tpu.memory_space<vmem>>
    %dma_start3A_5 = tpu.memref_squeeze %dma_start3A_4 : memref<1x128xi32, #tpu.memory_space<vmem>> -> memref<128xi32, #tpu.memory_space<vmem>>
    %dma_start3A_6 = arith.constant 0 : i32
    %dma_start3A_7 = arith.constant 0 : i32
    %dma_start3A_8 = tpu.memref_slice %arg2[%dma_start3A_6, %dma_start3A_7] : memref<10240x128xf32, #tpu.memory_space<hbm>> -> memref<10240x128xf32, #tpu.memory_space<hbm>>
    tpu.enqueue_indirect_dma source(%dma_start3A_8 : memref<10240x128xf32, #tpu.memory_space<hbm>>) target(%arg18 : memref<128x128xf32, #tpu.memory_space<vmem>>) offsets(%dma_start3A_5 : memref<128xi32, #tpu.memory_space<vmem>>) semaphore(%arg28 : memref<!tpu.dma_semaphore, #tpu.memory_space<semaphore_mem>>)
    %dma_start3A_9 = arith.constant 0 : i32
    %dma_start3A_10 = arith.constant 0 : i32
    %dma_start3A_11 = tpu.memref_slice %arg17[%dma_start3A_9, %dma_start3A_10] : memref<80x128xi32, #tpu.memory_space<vmem>> -> memref<1x128xi32, #tpu.memory_space<vmem>>
    %dma_start3A_12 = tpu.memref_squeeze %dma_start3A_11 : memref<1x128xi32, #tpu.memory_space<vmem>> -> memref<128xi32, #tpu.memory_space<vmem>>
    %dma_start3A_13 = arith.constant 0 : i32
    %dma_start3A_14 = arith.constant 0 : i32
    %dma_start3A_15 = tpu.memref_slice %arg3[%dma_start3A_13, %dma_start3A_14] : memref<10240x128xf32, #tpu.memory_space<hbm>> -> memref<10240x128xf32, #tpu.memory_space<hbm>>
    tpu.enqueue_indirect_dma source(%dma_start3A_15 : memref<10240x128xf32, #tpu.memory_space<hbm>>) target(%arg20 : memref<128x128xf32, #tpu.memory_space<vmem>>) offsets(%dma_start3A_12 : memref<128xi32, #tpu.memory_space<vmem>>) semaphore(%arg30 : memref<!tpu.dma_semaphore, #tpu.memory_space<semaphore_mem>>)
    %scan3A = arith.constant 0 : i32
    %scan3A_16 = arith.constant 0 : i32
    %scan3A_17 = arith.constant 40 : i32
    %scan3A_18 = arith.addi %scan3A_16, %scan3A_17 : i32
    %scan3A_19 = arith.constant 1 : i32
    scf.for %scan3A_32 = %scan3A_16 to %scan3A_18 step %scan3A_19  : i32 {
      %mul3A_33 = arith.constant 2 : i32
      %mul3A_34 = arith.muli %mul3A_33, %scan3A_32 : i32
      %add3A_35 = arith.constant 0 : i32
      %add3A_36 = arith.addi %mul3A_34, %add3A_35 : i32
      %dma_wait3A_37 = arith.constant 0 : i32
      %dma_wait3A_38 = tpu.memref_slice %arg16[%add3A_36, %dma_wait3A_37] : memref<80x128xi32, #tpu.memory_space<vmem>> -> memref<1x128xi32, #tpu.memory_space<vmem>>
      %dma_wait3A_39 = tpu.memref_squeeze %dma_wait3A_38 : memref<1x128xi32, #tpu.memory_space<vmem>> -> memref<128xi32, #tpu.memory_space<vmem>>
      %dma_wait3A_40 = arith.constant 0 : i32
      %dma_wait3A_41 = arith.constant 0 : i32
      %dma_wait3A_42 = tpu.memref_slice %arg2[%dma_wait3A_40, %dma_wait3A_41] : memref<10240x128xf32, #tpu.memory_space<hbm>> -> memref<10240x128xf32, #tpu.memory_space<hbm>>
      tpu.wait_indirect_dma semaphore(%arg28 : memref<!tpu.dma_semaphore, #tpu.memory_space<semaphore_mem>>) src(%dma_wait3A_42 : memref<10240x128xf32, #tpu.memory_space<hbm>>) dst(%arg18 : memref<128x128xf32, #tpu.memory_space<vmem>>)
      %dma_wait3A_43 = arith.constant 0 : i32
      %dma_wait3A_44 = tpu.memref_slice %arg17[%add3A_36, %dma_wait3A_43] : memref<80x128xi32, #tpu.memory_space<vmem>> -> memref<1x128xi32, #tpu.memory_space<vmem>>
      %dma_wait3A_45 = tpu.memref_squeeze %dma_wait3A_44 : memref<1x128xi32, #tpu.memory_space<vmem>> -> memref<128xi32, #tpu.memory_space<vmem>>
      %dma_wait3A_46 = arith.constant 0 : i32
      %dma_wait3A_47 = arith.constant 0 : i32
      %dma_wait3A_48 = tpu.memref_slice %arg3[%dma_wait3A_46, %dma_wait3A_47] : memref<10240x128xf32, #tpu.memory_space<hbm>> -> memref<10240x128xf32, #tpu.memory_space<hbm>>
      tpu.wait_indirect_dma semaphore(%arg30 : memref<!tpu.dma_semaphore, #tpu.memory_space<semaphore_mem>>) src(%dma_wait3A_48 : memref<10240x128xf32, #tpu.memory_space<hbm>>) dst(%arg20 : memref<128x128xf32, #tpu.memory_space<vmem>>)
      %ge3A = arith.constant 1 : i32
      %ge3A_49 = arith.cmpi sge, %scan3A_32, %ge3A : i32
      %convert_element_type3A = arith.extui %ge3A_49 : i1 to i32
      %cond3A = arith.constant 0 : i32
      %cond3A_50 = arith.cmpi ne, %convert_element_type3A, %cond3A : i32
      scf.if %cond3A_50 {
        %sub3A_470 = arith.constant 1 : i32
        %sub3A_471 = arith.subi %add3A_36, %sub3A_470 : i32
        %mul3A_472 = arith.constant 128 : i32
        %mul3A_473 = arith.muli %sub3A_471, %mul3A_472 : i32
        %add3A_474 = arith.addi %multiple_of3A, %mul3A_473 : i32
        %dma_wait3A_475 = arith.constant 0 : i32
        %dma_wait3A_476 = tpu.memref_slice %arg9[%add3A_474, %dma_wait3A_475] : memref<327680x128xf32, #tpu.memory_space<hbm>> -> memref<128x128xf32, #tpu.memory_space<hbm>>
        %dma_wait3A_477 = arith.constant 0 : i32
        %dma_wait3A_478 = tpu.memref_slice %arg9[%add3A_474, %dma_wait3A_477] : memref<327680x128xf32, #tpu.memory_space<hbm>> -> memref<128x128xf32, #tpu.memory_space<hbm>>
        tpu.wait_dma2 semaphore(%arg33 : memref<!tpu.dma_semaphore, #tpu.memory_space<semaphore_mem>>) src(%arg19 : memref<128x128xf32, #tpu.memory_space<vmem>>) dst(%dma_wait3A_478 : memref<128x128xf32, #tpu.memory_space<hbm>>)
        %dma_wait3A_479 = tpu.memref_slice %arg10[%add3A_474] : memref<327680xf32, #tpu.memory_space<hbm>> -> memref<128xf32, #tpu.memory_space<hbm>>
        %dma_wait3A_480 = tpu.memref_slice %arg10[%add3A_474] : memref<327680xf32, #tpu.memory_space<hbm>> -> memref<128xf32, #tpu.memory_space<hbm>>
        tpu.wait_dma2 semaphore(%arg33 : memref<!tpu.dma_semaphore, #tpu.memory_space<semaphore_mem>>) src(%arg23 : memref<128xf32, #tpu.memory_space<vmem>>) dst(%dma_wait3A_480 : memref<128xf32, #tpu.memory_space<hbm>>)
        %dma_wait3A_481 = tpu.memref_slice %arg11[%add3A_474] : memref<327680xf32, #tpu.memory_space<hbm>> -> memref<128xf32, #tpu.memory_space<hbm>>
        %dma_wait3A_482 = tpu.memref_slice %arg11[%add3A_474] : memref<327680xf32, #tpu.memory_space<hbm>> -> memref<128xf32, #tpu.memory_space<hbm>>
        tpu.wait_dma2 semaphore(%arg33 : memref<!tpu.dma_semaphore, #tpu.memory_space<semaphore_mem>>) src(%arg25 : memref<128xf32, #tpu.memory_space<vmem>>) dst(%dma_wait3A_482 : memref<128xf32, #tpu.memory_space<hbm>>)
        %dma_wait3A_483 = tpu.memref_slice %arg12[%add3A_474] : memref<327680xf32, #tpu.memory_space<hbm>> -> memref<128xf32, #tpu.memory_space<hbm>>
        %dma_wait3A_484 = tpu.memref_slice %arg12[%add3A_474] : memref<327680xf32, #tpu.memory_space<hbm>> -> memref<128xf32, #tpu.memory_space<hbm>>
        tpu.wait_dma2 semaphore(%arg33 : memref<!tpu.dma_semaphore, #tpu.memory_space<semaphore_mem>>) src(%arg27 : memref<128xf32, #tpu.memory_space<vmem>>) dst(%dma_wait3A_484 : memref<128xf32, #tpu.memory_space<hbm>>)
      } else {
      }
      %add3A_51 = arith.constant 1 : i32
      %add3A_52 = arith.addi %add3A_36, %add3A_51 : i32
      %dma_start3A_53 = arith.constant 0 : i32
      %dma_start3A_54 = tpu.memref_slice %arg16[%add3A_52, %dma_start3A_53] : memref<80x128xi32, #tpu.memory_space<vmem>> -> memref<1x128xi32, #tpu.memory_space<vmem>>
      %dma_start3A_55 = tpu.memref_squeeze %dma_start3A_54 : memref<1x128xi32, #tpu.memory_space<vmem>> -> memref<128xi32, #tpu.memory_space<vmem>>
      %dma_start3A_56 = arith.constant 0 : i32
      %dma_start3A_57 = arith.constant 0 : i32
      %dma_start3A_58 = tpu.memref_slice %arg2[%dma_start3A_56, %dma_start3A_57] : memref<10240x128xf32, #tpu.memory_space<hbm>> -> memref<10240x128xf32, #tpu.memory_space<hbm>>
      tpu.enqueue_indirect_dma source(%dma_start3A_58 : memref<10240x128xf32, #tpu.memory_space<hbm>>) target(%arg19 : memref<128x128xf32, #tpu.memory_space<vmem>>) offsets(%dma_start3A_55 : memref<128xi32, #tpu.memory_space<vmem>>) semaphore(%arg29 : memref<!tpu.dma_semaphore, #tpu.memory_space<semaphore_mem>>)
      %dma_start3A_59 = arith.constant 0 : i32
      %dma_start3A_60 = tpu.memref_slice %arg17[%add3A_52, %dma_start3A_59] : memref<80x128xi32, #tpu.memory_space<vmem>> -> memref<1x128xi32, #tpu.memory_space<vmem>>
      %dma_start3A_61 = tpu.memref_squeeze %dma_start3A_60 : memref<1x128xi32, #tpu.memory_space<vmem>> -> memref<128xi32, #tpu.memory_space<vmem>>
      %dma_start3A_62 = arith.constant 0 : i32
      %dma_start3A_63 = arith.constant 0 : i32
      %dma_start3A_64 = tpu.memref_slice %arg3[%dma_start3A_62, %dma_start3A_63] : memref<10240x128xf32, #tpu.memory_space<hbm>> -> memref<10240x128xf32, #tpu.memory_space<hbm>>
      tpu.enqueue_indirect_dma source(%dma_start3A_64 : memref<10240x128xf32, #tpu.memory_space<hbm>>) target(%arg21 : memref<128x128xf32, #tpu.memory_space<vmem>>) offsets(%dma_start3A_61 : memref<128xi32, #tpu.memory_space<vmem>>) semaphore(%arg31 : memref<!tpu.dma_semaphore, #tpu.memory_space<semaphore_mem>>)
      %get3A = arith.index_cast %add3A_36 : i32 to index
      %get3A_65 = arith.constant 0 : index
      %get3A_66 = tpu.vector_load %arg16[%get3A, %get3A_65] {strides = array<i32>} : memref<80x128xi32, #tpu.memory_space<vmem>>, vector<16xi32>,
      %get3A_67 = arith.index_cast %add3A_36 : i32 to index
      %get3A_68 = arith.constant 0 : index
      %get3A_69 = tpu.vector_load %arg17[%get3A_67, %get3A_68] {strides = array<i32>} : memref<80x128xi32, #tpu.memory_space<vmem>>, vector<16xi32>,
      %gather3A = tpu.vector_load_idx %arg13[%get3A_66] : memref<10240xf32, #tpu.memory_space<vmem>>[vector<16xi32>], vector<16xf32>,
      %gather3A_70 = tpu.vector_load_idx %arg13[%get3A_69] : memref<10240xf32, #tpu.memory_space<vmem>>[vector<16xi32>], vector<16xf32>,
      %sub3A = arith.subf %gather3A, %gather3A_70 : vector<16xf32>
      %swap3A = arith.constant 0 : index
      %swap3A_71 = tpu.vector_load %arg22[%swap3A] {strides = array<i32>} : memref<128xf32, #tpu.memory_space<vmem>>, vector<16xf32>,
      tpu.vector_store %arg22[%swap3A], %sub3A {strides = array<i32>} : memref<128xf32, #tpu.memory_space<vmem>>, vector<16xf32>,
      %gather3A_72 = tpu.vector_load_idx %arg14[%get3A_66] : memref<10240xf32, #tpu.memory_space<vmem>>[vector<16xi32>], vector<16xf32>,
      %gather3A_73 = tpu.vector_load_idx %arg14[%get3A_69] : memref<10240xf32, #tpu.memory_space<vmem>>[vector<16xi32>], vector<16xf32>,
      %sub3A_74 = arith.subf %gather3A_72, %gather3A_73 : vector<16xf32>
      %swap3A_75 = arith.constant 0 : index
      %swap3A_76 = tpu.vector_load %arg24[%swap3A_75] {strides = array<i32>} : memref<128xf32, #tpu.memory_space<vmem>>, vector<16xf32>,
      tpu.vector_store %arg24[%swap3A_75], %sub3A_74 {strides = array<i32>} : memref<128xf32, #tpu.memory_space<vmem>>, vector<16xf32>,
      %gather3A_77 = tpu.vector_load_idx %arg15[%get3A_66] : memref<10240xf32, #tpu.memory_space<vmem>>[vector<16xi32>], vector<16xf32>,
      %gather3A_78 = tpu.vector_load_idx %arg15[%get3A_69] : memref<10240xf32, #tpu.memory_space<vmem>>[vector<16xi32>], vector<16xf32>,
      %sub3A_79 = arith.subf %gather3A_77, %gather3A_78 : vector<16xf32>
      %swap3A_80 = arith.constant 0 : index
      %swap3A_81 = tpu.vector_load %arg26[%swap3A_80] {strides = array<i32>} : memref<128xf32, #tpu.memory_space<vmem>>, vector<16xf32>,
      tpu.vector_store %arg26[%swap3A_80], %sub3A_79 {strides = array<i32>} : memref<128xf32, #tpu.memory_space<vmem>>, vector<16xf32>,
      %get3A_82 = arith.index_cast %add3A_36 : i32 to index
      %get3A_83 = arith.constant 16 : index
      %get3A_84 = tpu.vector_load %arg16[%get3A_82, %get3A_83] {strides = array<i32>} : memref<80x128xi32, #tpu.memory_space<vmem>>, vector<16xi32>,
      %get3A_85 = arith.index_cast %add3A_36 : i32 to index
      %get3A_86 = arith.constant 16 : index
      %get3A_87 = tpu.vector_load %arg17[%get3A_85, %get3A_86] {strides = array<i32>} : memref<80x128xi32, #tpu.memory_space<vmem>>, vector<16xi32>,
      %gather3A_88 = tpu.vector_load_idx %arg13[%get3A_84] : memref<10240xf32, #tpu.memory_space<vmem>>[vector<16xi32>], vector<16xf32>,
      %gather3A_89 = tpu.vector_load_idx %arg13[%get3A_87] : memref<10240xf32, #tpu.memory_space<vmem>>[vector<16xi32>], vector<16xf32>,
      %sub3A_90 = arith.subf %gather3A_88, %gather3A_89 : vector<16xf32>
      %swap3A_91 = arith.constant 16 : index
      %swap3A_92 = tpu.vector_load %arg22[%swap3A_91] {strides = array<i32>} : memref<128xf32, #tpu.memory_space<vmem>>, vector<16xf32>,
      tpu.vector_store %arg22[%swap3A_91], %sub3A_90 {strides = array<i32>} : memref<128xf32, #tpu.memory_space<vmem>>, vector<16xf32>,
      %gather3A_93 = tpu.vector_load_idx %arg14[%get3A_84] : memref<10240xf32, #tpu.memory_space<vmem>>[vector<16xi32>], vector<16xf32>,
      %gather3A_94 = tpu.vector_load_idx %arg14[%get3A_87] : memref<10240xf32, #tpu.memory_space<vmem>>[vector<16xi32>], vector<16xf32>,
      %sub3A_95 = arith.subf %gather3A_93, %gather3A_94 : vector<16xf32>
      %swap3A_96 = arith.constant 16 : index
      %swap3A_97 = tpu.vector_load %arg24[%swap3A_96] {strides = array<i32>} : memref<128xf32, #tpu.memory_space<vmem>>, vector<16xf32>,
      tpu.vector_store %arg24[%swap3A_96], %sub3A_95 {strides = array<i32>} : memref<128xf32, #tpu.memory_space<vmem>>, vector<16xf32>,
      %gather3A_98 = tpu.vector_load_idx %arg15[%get3A_84] : memref<10240xf32, #tpu.memory_space<vmem>>[vector<16xi32>], vector<16xf32>,
      %gather3A_99 = tpu.vector_load_idx %arg15[%get3A_87] : memref<10240xf32, #tpu.memory_space<vmem>>[vector<16xi32>], vector<16xf32>,
      %sub3A_100 = arith.subf %gather3A_98, %gather3A_99 : vector<16xf32>
      %swap3A_101 = arith.constant 16 : index
      %swap3A_102 = tpu.vector_load %arg26[%swap3A_101] {strides = array<i32>} : memref<128xf32, #tpu.memory_space<vmem>>, vector<16xf32>,
      tpu.vector_store %arg26[%swap3A_101], %sub3A_100 {strides = array<i32>} : memref<128xf32, #tpu.memory_space<vmem>>, vector<16xf32>,
      %get3A_103 = arith.index_cast %add3A_36 : i32 to index
      %get3A_104 = arith.constant 32 : index
      %get3A_105 = tpu.vector_load %arg16[%get3A_103, %get3A_104] {strides = array<i32>} : memref<80x128xi32, #tpu.memory_space<vmem>>, vector<16xi32>,
      %get3A_106 = arith.index_cast %add3A_36 : i32 to index
      %get3A_107 = arith.constant 32 : index
      %get3A_108 = tpu.vector_load %arg17[%get3A_106, %get3A_107] {strides = array<i32>} : memref<80x128xi32, #tpu.memory_space<vmem>>, vector<16xi32>,
      %gather3A_109 = tpu.vector_load_idx %arg13[%get3A_105] : memref<10240xf32, #tpu.memory_space<vmem>>[vector<16xi32>], vector<16xf32>,
      %gather3A_110 = tpu.vector_load_idx %arg13[%get3A_108] : memref<10240xf32, #tpu.memory_space<vmem>>[vector<16xi32>], vector<16xf32>,
      %sub3A_111 = arith.subf %gather3A_109, %gather3A_110 : vector<16xf32>
      %swap3A_112 = arith.constant 32 : index
      %swap3A_113 = tpu.vector_load %arg22[%swap3A_112] {strides = array<i32>} : memref<128xf32, #tpu.memory_space<vmem>>, vector<16xf32>,
      tpu.vector_store %arg22[%swap3A_112], %sub3A_111 {strides = array<i32>} : memref<128xf32, #tpu.memory_space<vmem>>, vector<16xf32>,
      %gather3A_114 = tpu.vector_load_idx %arg14[%get3A_105] : memref<10240xf32, #tpu.memory_space<vmem>>[vector<16xi32>], vector<16xf32>,
      %gather3A_115 = tpu.vector_load_idx %arg14[%get3A_108] : memref<10240xf32, #tpu.memory_space<vmem>>[vector<16xi32>], vector<16xf32>,
      %sub3A_116 = arith.subf %gather3A_114, %gather3A_115 : vector<16xf32>
      %swap3A_117 = arith.constant 32 : index
      %swap3A_118 = tpu.vector_load %arg24[%swap3A_117] {strides = array<i32>} : memref<128xf32, #tpu.memory_space<vmem>>, vector<16xf32>,
      tpu.vector_store %arg24[%swap3A_117], %sub3A_116 {strides = array<i32>} : memref<128xf32, #tpu.memory_space<vmem>>, vector<16xf32>,
      %gather3A_119 = tpu.vector_load_idx %arg15[%get3A_105] : memref<10240xf32, #tpu.memory_space<vmem>>[vector<16xi32>], vector<16xf32>,
      %gather3A_120 = tpu.vector_load_idx %arg15[%get3A_108] : memref<10240xf32, #tpu.memory_space<vmem>>[vector<16xi32>], vector<16xf32>,
      %sub3A_121 = arith.subf %gather3A_119, %gather3A_120 : vector<16xf32>
      %swap3A_122 = arith.constant 32 : index
      %swap3A_123 = tpu.vector_load %arg26[%swap3A_122] {strides = array<i32>} : memref<128xf32, #tpu.memory_space<vmem>>, vector<16xf32>,
      tpu.vector_store %arg26[%swap3A_122], %sub3A_121 {strides = array<i32>} : memref<128xf32, #tpu.memory_space<vmem>>, vector<16xf32>,
      %get3A_124 = arith.index_cast %add3A_36 : i32 to index
      %get3A_125 = arith.constant 48 : index
      %get3A_126 = tpu.vector_load %arg16[%get3A_124, %get3A_125] {strides = array<i32>} : memref<80x128xi32, #tpu.memory_space<vmem>>, vector<16xi32>,
      %get3A_127 = arith.index_cast %add3A_36 : i32 to index
      %get3A_128 = arith.constant 48 : index
      %get3A_129 = tpu.vector_load %arg17[%get3A_127, %get3A_128] {strides = array<i32>} : memref<80x128xi32, #tpu.memory_space<vmem>>, vector<16xi32>,
      %gather3A_130 = tpu.vector_load_idx %arg13[%get3A_126] : memref<10240xf32, #tpu.memory_space<vmem>>[vector<16xi32>], vector<16xf32>,
      %gather3A_131 = tpu.vector_load_idx %arg13[%get3A_129] : memref<10240xf32, #tpu.memory_space<vmem>>[vector<16xi32>], vector<16xf32>,
      %sub3A_132 = arith.subf %gather3A_130, %gather3A_131 : vector<16xf32>
      %swap3A_133 = arith.constant 48 : index
      %swap3A_134 = tpu.vector_load %arg22[%swap3A_133] {strides = array<i32>} : memref<128xf32, #tpu.memory_space<vmem>>, vector<16xf32>,
      tpu.vector_store %arg22[%swap3A_133], %sub3A_132 {strides = array<i32>} : memref<128xf32, #tpu.memory_space<vmem>>, vector<16xf32>,
      %gather3A_135 = tpu.vector_load_idx %arg14[%get3A_126] : memref<10240xf32, #tpu.memory_space<vmem>>[vector<16xi32>], vector<16xf32>,
      %gather3A_136 = tpu.vector_load_idx %arg14[%get3A_129] : memref<10240xf32, #tpu.memory_space<vmem>>[vector<16xi32>], vector<16xf32>,
      %sub3A_137 = arith.subf %gather3A_135, %gather3A_136 : vector<16xf32>
      %swap3A_138 = arith.constant 48 : index
      %swap3A_139 = tpu.vector_load %arg24[%swap3A_138] {strides = array<i32>} : memref<128xf32, #tpu.memory_space<vmem>>, vector<16xf32>,
      tpu.vector_store %arg24[%swap3A_138], %sub3A_137 {strides = array<i32>} : memref<128xf32, #tpu.memory_space<vmem>>, vector<16xf32>,
      %gather3A_140 = tpu.vector_load_idx %arg15[%get3A_126] : memref<10240xf32, #tpu.memory_space<vmem>>[vector<16xi32>], vector<16xf32>,
      %gather3A_141 = tpu.vector_load_idx %arg15[%get3A_129] : memref<10240xf32, #tpu.memory_space<vmem>>[vector<16xi32>], vector<16xf32>,
      %sub3A_142 = arith.subf %gather3A_140, %gather3A_141 : vector<16xf32>
      %swap3A_143 = arith.constant 48 : index
      %swap3A_144 = tpu.vector_load %arg26[%swap3A_143] {strides = array<i32>} : memref<128xf32, #tpu.memory_space<vmem>>, vector<16xf32>,
      tpu.vector_store %arg26[%swap3A_143], %sub3A_142 {strides = array<i32>} : memref<128xf32, #tpu.memory_space<vmem>>, vector<16xf32>,
      %get3A_145 = arith.index_cast %add3A_36 : i32 to index
      %get3A_146 = arith.constant 64 : index
      %get3A_147 = tpu.vector_load %arg16[%get3A_145, %get3A_146] {strides = array<i32>} : memref<80x128xi32, #tpu.memory_space<vmem>>, vector<16xi32>,
      %get3A_148 = arith.index_cast %add3A_36 : i32 to index
      %get3A_149 = arith.constant 64 : index
      %get3A_150 = tpu.vector_load %arg17[%get3A_148, %get3A_149] {strides = array<i32>} : memref<80x128xi32, #tpu.memory_space<vmem>>, vector<16xi32>,
      %gather3A_151 = tpu.vector_load_idx %arg13[%get3A_147] : memref<10240xf32, #tpu.memory_space<vmem>>[vector<16xi32>], vector<16xf32>,
      %gather3A_152 = tpu.vector_load_idx %arg13[%get3A_150] : memref<10240xf32, #tpu.memory_space<vmem>>[vector<16xi32>], vector<16xf32>,
      %sub3A_153 = arith.subf %gather3A_151, %gather3A_152 : vector<16xf32>
      %swap3A_154 = arith.constant 64 : index
      %swap3A_155 = tpu.vector_load %arg22[%swap3A_154] {strides = array<i32>} : memref<128xf32, #tpu.memory_space<vmem>>, vector<16xf32>,
      tpu.vector_store %arg22[%swap3A_154], %sub3A_153 {strides = array<i32>} : memref<128xf32, #tpu.memory_space<vmem>>, vector<16xf32>,
      %gather3A_156 = tpu.vector_load_idx %arg14[%get3A_147] : memref<10240xf32, #tpu.memory_space<vmem>>[vector<16xi32>], vector<16xf32>,
      %gather3A_157 = tpu.vector_load_idx %arg14[%get3A_150] : memref<10240xf32, #tpu.memory_space<vmem>>[vector<16xi32>], vector<16xf32>,
      %sub3A_158 = arith.subf %gather3A_156, %gather3A_157 : vector<16xf32>
      %swap3A_159 = arith.constant 64 : index
      %swap3A_160 = tpu.vector_load %arg24[%swap3A_159] {strides = array<i32>} : memref<128xf32, #tpu.memory_space<vmem>>, vector<16xf32>,
      tpu.vector_store %arg24[%swap3A_159], %sub3A_158 {strides = array<i32>} : memref<128xf32, #tpu.memory_space<vmem>>, vector<16xf32>,
      %gather3A_161 = tpu.vector_load_idx %arg15[%get3A_147] : memref<10240xf32, #tpu.memory_space<vmem>>[vector<16xi32>], vector<16xf32>,
      %gather3A_162 = tpu.vector_load_idx %arg15[%get3A_150] : memref<10240xf32, #tpu.memory_space<vmem>>[vector<16xi32>], vector<16xf32>,
      %sub3A_163 = arith.subf %gather3A_161, %gather3A_162 : vector<16xf32>
      %swap3A_164 = arith.constant 64 : index
      %swap3A_165 = tpu.vector_load %arg26[%swap3A_164] {strides = array<i32>} : memref<128xf32, #tpu.memory_space<vmem>>, vector<16xf32>,
      tpu.vector_store %arg26[%swap3A_164], %sub3A_163 {strides = array<i32>} : memref<128xf32, #tpu.memory_space<vmem>>, vector<16xf32>,
      %get3A_166 = arith.index_cast %add3A_36 : i32 to index
      %get3A_167 = arith.constant 80 : index
      %get3A_168 = tpu.vector_load %arg16[%get3A_166, %get3A_167] {strides = array<i32>} : memref<80x128xi32, #tpu.memory_space<vmem>>, vector<16xi32>,
      %get3A_169 = arith.index_cast %add3A_36 : i32 to index
      %get3A_170 = arith.constant 80 : index
      %get3A_171 = tpu.vector_load %arg17[%get3A_169, %get3A_170] {strides = array<i32>} : memref<80x128xi32, #tpu.memory_space<vmem>>, vector<16xi32>,
      %gather3A_172 = tpu.vector_load_idx %arg13[%get3A_168] : memref<10240xf32, #tpu.memory_space<vmem>>[vector<16xi32>], vector<16xf32>,
      %gather3A_173 = tpu.vector_load_idx %arg13[%get3A_171] : memref<10240xf32, #tpu.memory_space<vmem>>[vector<16xi32>], vector<16xf32>,
      %sub3A_174 = arith.subf %gather3A_172, %gather3A_173 : vector<16xf32>
      %swap3A_175 = arith.constant 80 : index
      %swap3A_176 = tpu.vector_load %arg22[%swap3A_175] {strides = array<i32>} : memref<128xf32, #tpu.memory_space<vmem>>, vector<16xf32>,
      tpu.vector_store %arg22[%swap3A_175], %sub3A_174 {strides = array<i32>} : memref<128xf32, #tpu.memory_space<vmem>>, vector<16xf32>,
      %gather3A_177 = tpu.vector_load_idx %arg14[%get3A_168] : memref<10240xf32, #tpu.memory_space<vmem>>[vector<16xi32>], vector<16xf32>,
      %gather3A_178 = tpu.vector_load_idx %arg14[%get3A_171] : memref<10240xf32, #tpu.memory_space<vmem>>[vector<16xi32>], vector<16xf32>,
      %sub3A_179 = arith.subf %gather3A_177, %gather3A_178 : vector<16xf32>
      %swap3A_180 = arith.constant 80 : index
      %swap3A_181 = tpu.vector_load %arg24[%swap3A_180] {strides = array<i32>} : memref<128xf32, #tpu.memory_space<vmem>>, vector<16xf32>,
      tpu.vector_store %arg24[%swap3A_180], %sub3A_179 {strides = array<i32>} : memref<128xf32, #tpu.memory_space<vmem>>, vector<16xf32>,
      %gather3A_182 = tpu.vector_load_idx %arg15[%get3A_168] : memref<10240xf32, #tpu.memory_space<vmem>>[vector<16xi32>], vector<16xf32>,
      %gather3A_183 = tpu.vector_load_idx %arg15[%get3A_171] : memref<10240xf32, #tpu.memory_space<vmem>>[vector<16xi32>], vector<16xf32>,
      %sub3A_184 = arith.subf %gather3A_182, %gather3A_183 : vector<16xf32>
      %swap3A_185 = arith.constant 80 : index
      %swap3A_186 = tpu.vector_load %arg26[%swap3A_185] {strides = array<i32>} : memref<128xf32, #tpu.memory_space<vmem>>, vector<16xf32>,
      tpu.vector_store %arg26[%swap3A_185], %sub3A_184 {strides = array<i32>} : memref<128xf32, #tpu.memory_space<vmem>>, vector<16xf32>,
      %get3A_187 = arith.index_cast %add3A_36 : i32 to index
      %get3A_188 = arith.constant 96 : index
      %get3A_189 = tpu.vector_load %arg16[%get3A_187, %get3A_188] {strides = array<i32>} : memref<80x128xi32, #tpu.memory_space<vmem>>, vector<16xi32>,
      %get3A_190 = arith.index_cast %add3A_36 : i32 to index
      %get3A_191 = arith.constant 96 : index
      %get3A_192 = tpu.vector_load %arg17[%get3A_190, %get3A_191] {strides = array<i32>} : memref<80x128xi32, #tpu.memory_space<vmem>>, vector<16xi32>,
      %gather3A_193 = tpu.vector_load_idx %arg13[%get3A_189] : memref<10240xf32, #tpu.memory_space<vmem>>[vector<16xi32>], vector<16xf32>,
      %gather3A_194 = tpu.vector_load_idx %arg13[%get3A_192] : memref<10240xf32, #tpu.memory_space<vmem>>[vector<16xi32>], vector<16xf32>,
      %sub3A_195 = arith.subf %gather3A_193, %gather3A_194 : vector<16xf32>
      %swap3A_196 = arith.constant 96 : index
      %swap3A_197 = tpu.vector_load %arg22[%swap3A_196] {strides = array<i32>} : memref<128xf32, #tpu.memory_space<vmem>>, vector<16xf32>,
      tpu.vector_store %arg22[%swap3A_196], %sub3A_195 {strides = array<i32>} : memref<128xf32, #tpu.memory_space<vmem>>, vector<16xf32>,
      %gather3A_198 = tpu.vector_load_idx %arg14[%get3A_189] : memref<10240xf32, #tpu.memory_space<vmem>>[vector<16xi32>], vector<16xf32>,
      %gather3A_199 = tpu.vector_load_idx %arg14[%get3A_192] : memref<10240xf32, #tpu.memory_space<vmem>>[vector<16xi32>], vector<16xf32>,
      %sub3A_200 = arith.subf %gather3A_198, %gather3A_199 : vector<16xf32>
      %swap3A_201 = arith.constant 96 : index
      %swap3A_202 = tpu.vector_load %arg24[%swap3A_201] {strides = array<i32>} : memref<128xf32, #tpu.memory_space<vmem>>, vector<16xf32>,
      tpu.vector_store %arg24[%swap3A_201], %sub3A_200 {strides = array<i32>} : memref<128xf32, #tpu.memory_space<vmem>>, vector<16xf32>,
      %gather3A_203 = tpu.vector_load_idx %arg15[%get3A_189] : memref<10240xf32, #tpu.memory_space<vmem>>[vector<16xi32>], vector<16xf32>,
      %gather3A_204 = tpu.vector_load_idx %arg15[%get3A_192] : memref<10240xf32, #tpu.memory_space<vmem>>[vector<16xi32>], vector<16xf32>,
      %sub3A_205 = arith.subf %gather3A_203, %gather3A_204 : vector<16xf32>
      %swap3A_206 = arith.constant 96 : index
      %swap3A_207 = tpu.vector_load %arg26[%swap3A_206] {strides = array<i32>} : memref<128xf32, #tpu.memory_space<vmem>>, vector<16xf32>,
      tpu.vector_store %arg26[%swap3A_206], %sub3A_205 {strides = array<i32>} : memref<128xf32, #tpu.memory_space<vmem>>, vector<16xf32>,
      %get3A_208 = arith.index_cast %add3A_36 : i32 to index
      %get3A_209 = arith.constant 112 : index
      %get3A_210 = tpu.vector_load %arg16[%get3A_208, %get3A_209] {strides = array<i32>} : memref<80x128xi32, #tpu.memory_space<vmem>>, vector<16xi32>,
      %get3A_211 = arith.index_cast %add3A_36 : i32 to index
      %get3A_212 = arith.constant 112 : index
      %get3A_213 = tpu.vector_load %arg17[%get3A_211, %get3A_212] {strides = array<i32>} : memref<80x128xi32, #tpu.memory_space<vmem>>, vector<16xi32>,
      %gather3A_214 = tpu.vector_load_idx %arg13[%get3A_210] : memref<10240xf32, #tpu.memory_space<vmem>>[vector<16xi32>], vector<16xf32>,
      %gather3A_215 = tpu.vector_load_idx %arg13[%get3A_213] : memref<10240xf32, #tpu.memory_space<vmem>>[vector<16xi32>], vector<16xf32>,
      %sub3A_216 = arith.subf %gather3A_214, %gather3A_215 : vector<16xf32>
      %swap3A_217 = arith.constant 112 : index
      %swap3A_218 = tpu.vector_load %arg22[%swap3A_217] {strides = array<i32>} : memref<128xf32, #tpu.memory_space<vmem>>, vector<16xf32>,
      tpu.vector_store %arg22[%swap3A_217], %sub3A_216 {strides = array<i32>} : memref<128xf32, #tpu.memory_space<vmem>>, vector<16xf32>,
      %gather3A_219 = tpu.vector_load_idx %arg14[%get3A_210] : memref<10240xf32, #tpu.memory_space<vmem>>[vector<16xi32>], vector<16xf32>,
      %gather3A_220 = tpu.vector_load_idx %arg14[%get3A_213] : memref<10240xf32, #tpu.memory_space<vmem>>[vector<16xi32>], vector<16xf32>,
      %sub3A_221 = arith.subf %gather3A_219, %gather3A_220 : vector<16xf32>
      %swap3A_222 = arith.constant 112 : index
      %swap3A_223 = tpu.vector_load %arg24[%swap3A_222] {strides = array<i32>} : memref<128xf32, #tpu.memory_space<vmem>>, vector<16xf32>,
      tpu.vector_store %arg24[%swap3A_222], %sub3A_221 {strides = array<i32>} : memref<128xf32, #tpu.memory_space<vmem>>, vector<16xf32>,
      %gather3A_224 = tpu.vector_load_idx %arg15[%get3A_210] : memref<10240xf32, #tpu.memory_space<vmem>>[vector<16xi32>], vector<16xf32>,
      %gather3A_225 = tpu.vector_load_idx %arg15[%get3A_213] : memref<10240xf32, #tpu.memory_space<vmem>>[vector<16xi32>], vector<16xf32>,
      %sub3A_226 = arith.subf %gather3A_224, %gather3A_225 : vector<16xf32>
      %swap3A_227 = arith.constant 112 : index
      %swap3A_228 = tpu.vector_load %arg26[%swap3A_227] {strides = array<i32>} : memref<128xf32, #tpu.memory_space<vmem>>, vector<16xf32>,
      tpu.vector_store %arg26[%swap3A_227], %sub3A_226 {strides = array<i32>} : memref<128xf32, #tpu.memory_space<vmem>>, vector<16xf32>,
      %scan3A_229 = arith.constant 0 : i32
      %scan3A_230 = arith.constant 0 : i32
      %scan3A_231 = arith.constant 128 : i32
      %scan3A_232 = arith.addi %scan3A_230, %scan3A_231 : i32
      %scan3A_233 = arith.constant 1 : i32
      scf.for %scan3A_470 = %scan3A_230 to %scan3A_232 step %scan3A_233  : i32 {
        %get3A_471 = arith.index_cast %scan3A_470 : i32 to index
        %get3A_472 = arith.constant 0 : index
        %get3A_473 = tpu.vector_load %arg18[%get3A_471, %get3A_472] {strides = array<i32>} : memref<128x128xf32, #tpu.memory_space<vmem>>, vector<16xf32>,
        %get3A_474 = arith.index_cast %scan3A_470 : i32 to index
        %get3A_475 = arith.constant 0 : index
        %get3A_476 = tpu.vector_load %arg20[%get3A_474, %get3A_475] {strides = array<i32>} : memref<128x128xf32, #tpu.memory_space<vmem>>, vector<16xf32>,
        %add3A_477 = arith.addf %get3A_473, %get3A_476 : vector<16xf32>
        %swap3A_478 = arith.index_cast %scan3A_470 : i32 to index
        %swap3A_479 = arith.constant 0 : index
        %swap3A_480 = tpu.vector_load %arg18[%swap3A_478, %swap3A_479] {strides = array<i32>} : memref<128x128xf32, #tpu.memory_space<vmem>>, vector<16xf32>,
        tpu.vector_store %arg18[%swap3A_478, %swap3A_479], %add3A_477 {strides = array<i32>} : memref<128x128xf32, #tpu.memory_space<vmem>>, vector<16xf32>,
        %get3A_481 = arith.index_cast %scan3A_470 : i32 to index
        %get3A_482 = arith.constant 16 : index
        %get3A_483 = tpu.vector_load %arg18[%get3A_481, %get3A_482] {strides = array<i32>} : memref<128x128xf32, #tpu.memory_space<vmem>>, vector<16xf32>,
        %get3A_484 = arith.index_cast %scan3A_470 : i32 to index
        %get3A_485 = arith.constant 16 : index
        %get3A_486 = tpu.vector_load %arg20[%get3A_484, %get3A_485] {strides = array<i32>} : memref<128x128xf32, #tpu.memory_space<vmem>>, vector<16xf32>,
        %add3A_487 = arith.addf %get3A_483, %get3A_486 : vector<16xf32>
        %swap3A_488 = arith.index_cast %scan3A_470 : i32 to index
        %swap3A_489 = arith.constant 16 : index
        %swap3A_490 = tpu.vector_load %arg18[%swap3A_488, %swap3A_489] {strides = array<i32>} : memref<128x128xf32, #tpu.memory_space<vmem>>, vector<16xf32>,
        tpu.vector_store %arg18[%swap3A_488, %swap3A_489], %add3A_487 {strides = array<i32>} : memref<128x128xf32, #tpu.memory_space<vmem>>, vector<16xf32>,
        %get3A_491 = arith.index_cast %scan3A_470 : i32 to index
        %get3A_492 = arith.constant 32 : index
        %get3A_493 = tpu.vector_load %arg18[%get3A_491, %get3A_492] {strides = array<i32>} : memref<128x128xf32, #tpu.memory_space<vmem>>, vector<16xf32>,
        %get3A_494 = arith.index_cast %scan3A_470 : i32 to index
        %get3A_495 = arith.constant 32 : index
        %get3A_496 = tpu.vector_load %arg20[%get3A_494, %get3A_495] {strides = array<i32>} : memref<128x128xf32, #tpu.memory_space<vmem>>, vector<16xf32>,
        %add3A_497 = arith.addf %get3A_493, %get3A_496 : vector<16xf32>
        %swap3A_498 = arith.index_cast %scan3A_470 : i32 to index
        %swap3A_499 = arith.constant 32 : index
        %swap3A_500 = tpu.vector_load %arg18[%swap3A_498, %swap3A_499] {strides = array<i32>} : memref<128x128xf32, #tpu.memory_space<vmem>>, vector<16xf32>,
        tpu.vector_store %arg18[%swap3A_498, %swap3A_499], %add3A_497 {strides = array<i32>} : memref<128x128xf32, #tpu.memory_space<vmem>>, vector<16xf32>,
        %get3A_501 = arith.index_cast %scan3A_470 : i32 to index
        %get3A_502 = arith.constant 48 : index
        %get3A_503 = tpu.vector_load %arg18[%get3A_501, %get3A_502] {strides = array<i32>} : memref<128x128xf32, #tpu.memory_space<vmem>>, vector<16xf32>,
        %get3A_504 = arith.index_cast %scan3A_470 : i32 to index
        %get3A_505 = arith.constant 48 : index
        %get3A_506 = tpu.vector_load %arg20[%get3A_504, %get3A_505] {strides = array<i32>} : memref<128x128xf32, #tpu.memory_space<vmem>>, vector<16xf32>,
        %add3A_507 = arith.addf %get3A_503, %get3A_506 : vector<16xf32>
        %swap3A_508 = arith.index_cast %scan3A_470 : i32 to index
        %swap3A_509 = arith.constant 48 : index
        %swap3A_510 = tpu.vector_load %arg18[%swap3A_508, %swap3A_509] {strides = array<i32>} : memref<128x128xf32, #tpu.memory_space<vmem>>, vector<16xf32>,
        tpu.vector_store %arg18[%swap3A_508, %swap3A_509], %add3A_507 {strides = array<i32>} : memref<128x128xf32, #tpu.memory_space<vmem>>, vector<16xf32>,
        %get3A_511 = arith.index_cast %scan3A_470 : i32 to index
        %get3A_512 = arith.constant 64 : index
        %get3A_513 = tpu.vector_load %arg18[%get3A_511, %get3A_512] {strides = array<i32>} : memref<128x128xf32, #tpu.memory_space<vmem>>, vector<16xf32>,
        %get3A_514 = arith.index_cast %scan3A_470 : i32 to index
        %get3A_515 = arith.constant 64 : index
        %get3A_516 = tpu.vector_load %arg20[%get3A_514, %get3A_515] {strides = array<i32>} : memref<128x128xf32, #tpu.memory_space<vmem>>, vector<16xf32>,
        %add3A_517 = arith.addf %get3A_513, %get3A_516 : vector<16xf32>
        %swap3A_518 = arith.index_cast %scan3A_470 : i32 to index
        %swap3A_519 = arith.constant 64 : index
        %swap3A_520 = tpu.vector_load %arg18[%swap3A_518, %swap3A_519] {strides = array<i32>} : memref<128x128xf32, #tpu.memory_space<vmem>>, vector<16xf32>,
        tpu.vector_store %arg18[%swap3A_518, %swap3A_519], %add3A_517 {strides = array<i32>} : memref<128x128xf32, #tpu.memory_space<vmem>>, vector<16xf32>,
        %get3A_521 = arith.index_cast %scan3A_470 : i32 to index
        %get3A_522 = arith.constant 80 : index
        %get3A_523 = tpu.vector_load %arg18[%get3A_521, %get3A_522] {strides = array<i32>} : memref<128x128xf32, #tpu.memory_space<vmem>>, vector<16xf32>,
        %get3A_524 = arith.index_cast %scan3A_470 : i32 to index
        %get3A_525 = arith.constant 80 : index
        %get3A_526 = tpu.vector_load %arg20[%get3A_524, %get3A_525] {strides = array<i32>} : memref<128x128xf32, #tpu.memory_space<vmem>>, vector<16xf32>,
        %add3A_527 = arith.addf %get3A_523, %get3A_526 : vector<16xf32>
        %swap3A_528 = arith.index_cast %scan3A_470 : i32 to index
        %swap3A_529 = arith.constant 80 : index
        %swap3A_530 = tpu.vector_load %arg18[%swap3A_528, %swap3A_529] {strides = array<i32>} : memref<128x128xf32, #tpu.memory_space<vmem>>, vector<16xf32>,
        tpu.vector_store %arg18[%swap3A_528, %swap3A_529], %add3A_527 {strides = array<i32>} : memref<128x128xf32, #tpu.memory_space<vmem>>, vector<16xf32>,
        %get3A_531 = arith.index_cast %scan3A_470 : i32 to index
        %get3A_532 = arith.constant 96 : index
        %get3A_533 = tpu.vector_load %arg18[%get3A_531, %get3A_532] {strides = array<i32>} : memref<128x128xf32, #tpu.memory_space<vmem>>, vector<16xf32>,
        %get3A_534 = arith.index_cast %scan3A_470 : i32 to index
        %get3A_535 = arith.constant 96 : index
        %get3A_536 = tpu.vector_load %arg20[%get3A_534, %get3A_535] {strides = array<i32>} : memref<128x128xf32, #tpu.memory_space<vmem>>, vector<16xf32>,
        %add3A_537 = arith.addf %get3A_533, %get3A_536 : vector<16xf32>
        %swap3A_538 = arith.index_cast %scan3A_470 : i32 to index
        %swap3A_539 = arith.constant 96 : index
        %swap3A_540 = tpu.vector_load %arg18[%swap3A_538, %swap3A_539] {strides = array<i32>} : memref<128x128xf32, #tpu.memory_space<vmem>>, vector<16xf32>,
        tpu.vector_store %arg18[%swap3A_538, %swap3A_539], %add3A_537 {strides = array<i32>} : memref<128x128xf32, #tpu.memory_space<vmem>>, vector<16xf32>,
        %get3A_541 = arith.index_cast %scan3A_470 : i32 to index
        %get3A_542 = arith.constant 112 : index
        %get3A_543 = tpu.vector_load %arg18[%get3A_541, %get3A_542] {strides = array<i32>} : memref<128x128xf32, #tpu.memory_space<vmem>>, vector<16xf32>,
        %get3A_544 = arith.index_cast %scan3A_470 : i32 to index
        %get3A_545 = arith.constant 112 : index
        %get3A_546 = tpu.vector_load %arg20[%get3A_544, %get3A_545] {strides = array<i32>} : memref<128x128xf32, #tpu.memory_space<vmem>>, vector<16xf32>,
        %add3A_547 = arith.addf %get3A_543, %get3A_546 : vector<16xf32>
        %swap3A_548 = arith.index_cast %scan3A_470 : i32 to index
        %swap3A_549 = arith.constant 112 : index
        %swap3A_550 = tpu.vector_load %arg18[%swap3A_548, %swap3A_549] {strides = array<i32>} : memref<128x128xf32, #tpu.memory_space<vmem>>, vector<16xf32>,
        tpu.vector_store %arg18[%swap3A_548, %swap3A_549], %add3A_547 {strides = array<i32>} : memref<128x128xf32, #tpu.memory_space<vmem>>, vector<16xf32>,
      }
      %scan3A_234 = arith.constant 128 : i32
      %mul3A_235 = arith.constant 128 : i32
      %mul3A_236 = arith.muli %add3A_36, %mul3A_235 : i32
      %add3A_237 = arith.addi %multiple_of3A, %mul3A_236 : i32
      %dma_start3A_238 = arith.constant 0 : i32
      %dma_start3A_239 = tpu.memref_slice %arg9[%add3A_237, %dma_start3A_238] : memref<327680x128xf32, #tpu.memory_space<hbm>> -> memref<128x128xf32, #tpu.memory_space<hbm>>
      %dma_start3A_240 = arith.constant 0 : i32
      %dma_start3A_241 = tpu.memref_slice %arg9[%add3A_237, %dma_start3A_240] : memref<327680x128xf32, #tpu.memory_space<hbm>> -> memref<128x128xf32, #tpu.memory_space<hbm>>
      tpu.enqueue_dma source(%arg18 : memref<128x128xf32, #tpu.memory_space<vmem>>) target(%dma_start3A_241 : memref<128x128xf32, #tpu.memory_space<hbm>>) target_semaphore(%arg32 : memref<!tpu.dma_semaphore, #tpu.memory_space<semaphore_mem>>)
      %dma_start3A_242 = tpu.memref_slice %arg10[%add3A_237] : memref<327680xf32, #tpu.memory_space<hbm>> -> memref<128xf32, #tpu.memory_space<hbm>>
      %dma_start3A_243 = tpu.memref_slice %arg10[%add3A_237] : memref<327680xf32, #tpu.memory_space<hbm>> -> memref<128xf32, #tpu.memory_space<hbm>>
      tpu.enqueue_dma source(%arg22 : memref<128xf32, #tpu.memory_space<vmem>>) target(%dma_start3A_243 : memref<128xf32, #tpu.memory_space<hbm>>) target_semaphore(%arg32 : memref<!tpu.dma_semaphore, #tpu.memory_space<semaphore_mem>>)
      %dma_start3A_244 = tpu.memref_slice %arg11[%add3A_237] : memref<327680xf32, #tpu.memory_space<hbm>> -> memref<128xf32, #tpu.memory_space<hbm>>
      %dma_start3A_245 = tpu.memref_slice %arg11[%add3A_237] : memref<327680xf32, #tpu.memory_space<hbm>> -> memref<128xf32, #tpu.memory_space<hbm>>
      tpu.enqueue_dma source(%arg24 : memref<128xf32, #tpu.memory_space<vmem>>) target(%dma_start3A_245 : memref<128xf32, #tpu.memory_space<hbm>>) target_semaphore(%arg32 : memref<!tpu.dma_semaphore, #tpu.memory_space<semaphore_mem>>)
      %dma_start3A_246 = tpu.memref_slice %arg12[%add3A_237] : memref<327680xf32, #tpu.memory_space<hbm>> -> memref<128xf32, #tpu.memory_space<hbm>>
      %dma_start3A_247 = tpu.memref_slice %arg12[%add3A_237] : memref<327680xf32, #tpu.memory_space<hbm>> -> memref<128xf32, #tpu.memory_space<hbm>>
      tpu.enqueue_dma source(%arg26 : memref<128xf32, #tpu.memory_space<vmem>>) target(%dma_start3A_247 : memref<128xf32, #tpu.memory_space<hbm>>) target_semaphore(%arg32 : memref<!tpu.dma_semaphore, #tpu.memory_space<semaphore_mem>>)
      %mul3A_248 = arith.constant 2 : i32
      %mul3A_249 = arith.muli %mul3A_248, %scan3A_32 : i32
      %add3A_250 = arith.constant 1 : i32
      %add3A_251 = arith.addi %mul3A_249, %add3A_250 : i32
      %dma_wait3A_252 = arith.constant 0 : i32
      %dma_wait3A_253 = tpu.memref_slice %arg16[%add3A_251, %dma_wait3A_252] : memref<80x128xi32, #tpu.memory_space<vmem>> -> memref<1x128xi32, #tpu.memory_space<vmem>>
      %dma_wait3A_254 = tpu.memref_squeeze %dma_wait3A_253 : memref<1x128xi32, #tpu.memory_space<vmem>> -> memref<128xi32, #tpu.memory_space<vmem>>
      %dma_wait3A_255 = arith.constant 0 : i32
      %dma_wait3A_256 = arith.constant 0 : i32
      %dma_wait3A_257 = tpu.memref_slice %arg2[%dma_wait3A_255, %dma_wait3A_256] : memref<10240x128xf32, #tpu.memory_space<hbm>> -> memref<10240x128xf32, #tpu.memory_space<hbm>>
      tpu.wait_indirect_dma semaphore(%arg29 : memref<!tpu.dma_semaphore, #tpu.memory_space<semaphore_mem>>) src(%dma_wait3A_257 : memref<10240x128xf32, #tpu.memory_space<hbm>>) dst(%arg19 : memref<128x128xf32, #tpu.memory_space<vmem>>)
      %dma_wait3A_258 = arith.constant 0 : i32
      %dma_wait3A_259 = tpu.memref_slice %arg17[%add3A_251, %dma_wait3A_258] : memref<80x128xi32, #tpu.memory_space<vmem>> -> memref<1x128xi32, #tpu.memory_space<vmem>>
      %dma_wait3A_260 = tpu.memref_squeeze %dma_wait3A_259 : memref<1x128xi32, #tpu.memory_space<vmem>> -> memref<128xi32, #tpu.memory_space<vmem>>
      %dma_wait3A_261 = arith.constant 0 : i32
      %dma_wait3A_262 = arith.constant 0 : i32
      %dma_wait3A_263 = tpu.memref_slice %arg3[%dma_wait3A_261, %dma_wait3A_262] : memref<10240x128xf32, #tpu.memory_space<hbm>> -> memref<10240x128xf32, #tpu.memory_space<hbm>>
      tpu.wait_indirect_dma semaphore(%arg31 : memref<!tpu.dma_semaphore, #tpu.memory_space<semaphore_mem>>) src(%dma_wait3A_263 : memref<10240x128xf32, #tpu.memory_space<hbm>>) dst(%arg21 : memref<128x128xf32, #tpu.memory_space<vmem>>)
      %sub3A_264 = arith.constant 1 : i32
      %sub3A_265 = arith.subi %add3A_251, %sub3A_264 : i32
      %mul3A_266 = arith.constant 128 : i32
      %mul3A_267 = arith.muli %sub3A_265, %mul3A_266 : i32
      %add3A_268 = arith.addi %multiple_of3A, %mul3A_267 : i32
      %dma_wait3A_269 = arith.constant 0 : i32
      %dma_wait3A_270 = tpu.memref_slice %arg9[%add3A_268, %dma_wait3A_269] : memref<327680x128xf32, #tpu.memory_space<hbm>> -> memref<128x128xf32, #tpu.memory_space<hbm>>
      %dma_wait3A_271 = arith.constant 0 : i32
      %dma_wait3A_272 = tpu.memref_slice %arg9[%add3A_268, %dma_wait3A_271] : memref<327680x128xf32, #tpu.memory_space<hbm>> -> memref<128x128xf32, #tpu.memory_space<hbm>>
      tpu.wait_dma2 semaphore(%arg32 : memref<!tpu.dma_semaphore, #tpu.memory_space<semaphore_mem>>) src(%arg18 : memref<128x128xf32, #tpu.memory_space<vmem>>) dst(%dma_wait3A_272 : memref<128x128xf32, #tpu.memory_space<hbm>>)
      %dma_wait3A_273 = tpu.memref_slice %arg10[%add3A_268] : memref<327680xf32, #tpu.memory_space<hbm>> -> memref<128xf32, #tpu.memory_space<hbm>>
      %dma_wait3A_274 = tpu.memref_slice %arg10[%add3A_268] : memref<327680xf32, #tpu.memory_space<hbm>> -> memref<128xf32, #tpu.memory_space<hbm>>
      tpu.wait_dma2 semaphore(%arg32 : memref<!tpu.dma_semaphore, #tpu.memory_space<semaphore_mem>>) src(%arg22 : memref<128xf32, #tpu.memory_space<vmem>>) dst(%dma_wait3A_274 : memref<128xf32, #tpu.memory_space<hbm>>)
      %dma_wait3A_275 = tpu.memref_slice %arg11[%add3A_268] : memref<327680xf32, #tpu.memory_space<hbm>> -> memref<128xf32, #tpu.memory_space<hbm>>
      %dma_wait3A_276 = tpu.memref_slice %arg11[%add3A_268] : memref<327680xf32, #tpu.memory_space<hbm>> -> memref<128xf32, #tpu.memory_space<hbm>>
      tpu.wait_dma2 semaphore(%arg32 : memref<!tpu.dma_semaphore, #tpu.memory_space<semaphore_mem>>) src(%arg24 : memref<128xf32, #tpu.memory_space<vmem>>) dst(%dma_wait3A_276 : memref<128xf32, #tpu.memory_space<hbm>>)
      %dma_wait3A_277 = tpu.memref_slice %arg12[%add3A_268] : memref<327680xf32, #tpu.memory_space<hbm>> -> memref<128xf32, #tpu.memory_space<hbm>>
      %dma_wait3A_278 = tpu.memref_slice %arg12[%add3A_268] : memref<327680xf32, #tpu.memory_space<hbm>> -> memref<128xf32, #tpu.memory_space<hbm>>
      tpu.wait_dma2 semaphore(%arg32 : memref<!tpu.dma_semaphore, #tpu.memory_space<semaphore_mem>>) src(%arg26 : memref<128xf32, #tpu.memory_space<vmem>>) dst(%dma_wait3A_278 : memref<128xf32, #tpu.memory_space<hbm>>)
      %lt3A = arith.constant 39 : i32
      %lt3A_279 = arith.cmpi slt, %scan3A_32, %lt3A : i32
      %convert_element_type3A_280 = arith.extui %lt3A_279 : i1 to i32
      %cond3A_281 = arith.constant 0 : i32
      %cond3A_282 = arith.cmpi ne, %convert_element_type3A_280, %cond3A_281 : i32
      scf.if %cond3A_282 {
        %add3A_470 = arith.constant 1 : i32
        %add3A_471 = arith.addi %add3A_251, %add3A_470 : i32
        %dma_start3A_472 = arith.constant 0 : i32
        %dma_start3A_473 = tpu.memref_slice %arg16[%add3A_471, %dma_start3A_472] : memref<80x128xi32, #tpu.memory_space<vmem>> -> memref<1x128xi32, #tpu.memory_space<vmem>>
        %dma_start3A_474 = tpu.memref_squeeze %dma_start3A_473 : memref<1x128xi32, #tpu.memory_space<vmem>> -> memref<128xi32, #tpu.memory_space<vmem>>
        %dma_start3A_475 = arith.constant 0 : i32
        %dma_start3A_476 = arith.constant 0 : i32
        %dma_start3A_477 = tpu.memref_slice %arg2[%dma_start3A_475, %dma_start3A_476] : memref<10240x128xf32, #tpu.memory_space<hbm>> -> memref<10240x128xf32, #tpu.memory_space<hbm>>
        tpu.enqueue_indirect_dma source(%dma_start3A_477 : memref<10240x128xf32, #tpu.memory_space<hbm>>) target(%arg18 : memref<128x128xf32, #tpu.memory_space<vmem>>) offsets(%dma_start3A_474 : memref<128xi32, #tpu.memory_space<vmem>>) semaphore(%arg28 : memref<!tpu.dma_semaphore, #tpu.memory_space<semaphore_mem>>)
        %dma_start3A_478 = arith.constant 0 : i32
        %dma_start3A_479 = tpu.memref_slice %arg17[%add3A_471, %dma_start3A_478] : memref<80x128xi32, #tpu.memory_space<vmem>> -> memref<1x128xi32, #tpu.memory_space<vmem>>
        %dma_start3A_480 = tpu.memref_squeeze %dma_start3A_479 : memref<1x128xi32, #tpu.memory_space<vmem>> -> memref<128xi32, #tpu.memory_space<vmem>>
        %dma_start3A_481 = arith.constant 0 : i32
        %dma_start3A_482 = arith.constant 0 : i32
        %dma_start3A_483 = tpu.memref_slice %arg3[%dma_start3A_481, %dma_start3A_482] : memref<10240x128xf32, #tpu.memory_space<hbm>> -> memref<10240x128xf32, #tpu.memory_space<hbm>>
        tpu.enqueue_indirect_dma source(%dma_start3A_483 : memref<10240x128xf32, #tpu.memory_space<hbm>>) target(%arg20 : memref<128x128xf32, #tpu.memory_space<vmem>>) offsets(%dma_start3A_480 : memref<128xi32, #tpu.memory_space<vmem>>) semaphore(%arg30 : memref<!tpu.dma_semaphore, #tpu.memory_space<semaphore_mem>>)
      } else {
      }
      %get3A_283 = arith.index_cast %add3A_251 : i32 to index
      %get3A_284 = arith.constant 0 : index
      %get3A_285 = tpu.vector_load %arg16[%get3A_283, %get3A_284] {strides = array<i32>} : memref<80x128xi32, #tpu.memory_space<vmem>>, vector<16xi32>,
      %get3A_286 = arith.index_cast %add3A_251 : i32 to index
      %get3A_287 = arith.constant 0 : index
      %get3A_288 = tpu.vector_load %arg17[%get3A_286, %get3A_287] {strides = array<i32>} : memref<80x128xi32, #tpu.memory_space<vmem>>, vector<16xi32>,
      %gather3A_289 = tpu.vector_load_idx %arg13[%get3A_285] : memref<10240xf32, #tpu.memory_space<vmem>>[vector<16xi32>], vector<16xf32>,
      %gather3A_290 = tpu.vector_load_idx %arg13[%get3A_288] : memref<10240xf32, #tpu.memory_space<vmem>>[vector<16xi32>], vector<16xf32>,
      %sub3A_291 = arith.subf %gather3A_289, %gather3A_290 : vector<16xf32>
      %swap3A_292 = arith.constant 0 : index
      %swap3A_293 = tpu.vector_load %arg23[%swap3A_292] {strides = array<i32>} : memref<128xf32, #tpu.memory_space<vmem>>, vector<16xf32>,
      tpu.vector_store %arg23[%swap3A_292], %sub3A_291 {strides = array<i32>} : memref<128xf32, #tpu.memory_space<vmem>>, vector<16xf32>,
      %gather3A_294 = tpu.vector_load_idx %arg14[%get3A_285] : memref<10240xf32, #tpu.memory_space<vmem>>[vector<16xi32>], vector<16xf32>,
      %gather3A_295 = tpu.vector_load_idx %arg14[%get3A_288] : memref<10240xf32, #tpu.memory_space<vmem>>[vector<16xi32>], vector<16xf32>,
      %sub3A_296 = arith.subf %gather3A_294, %gather3A_295 : vector<16xf32>
      %swap3A_297 = arith.constant 0 : index
      %swap3A_298 = tpu.vector_load %arg25[%swap3A_297] {strides = array<i32>} : memref<128xf32, #tpu.memory_space<vmem>>, vector<16xf32>,
      tpu.vector_store %arg25[%swap3A_297], %sub3A_296 {strides = array<i32>} : memref<128xf32, #tpu.memory_space<vmem>>, vector<16xf32>,
      %gather3A_299 = tpu.vector_load_idx %arg15[%get3A_285] : memref<10240xf32, #tpu.memory_space<vmem>>[vector<16xi32>], vector<16xf32>,
      %gather3A_300 = tpu.vector_load_idx %arg15[%get3A_288] : memref<10240xf32, #tpu.memory_space<vmem>>[vector<16xi32>], vector<16xf32>,
      %sub3A_301 = arith.subf %gather3A_299, %gather3A_300 : vector<16xf32>
      %swap3A_302 = arith.constant 0 : index
      %swap3A_303 = tpu.vector_load %arg27[%swap3A_302] {strides = array<i32>} : memref<128xf32, #tpu.memory_space<vmem>>, vector<16xf32>,
      tpu.vector_store %arg27[%swap3A_302], %sub3A_301 {strides = array<i32>} : memref<128xf32, #tpu.memory_space<vmem>>, vector<16xf32>,
      %get3A_304 = arith.index_cast %add3A_251 : i32 to index
      %get3A_305 = arith.constant 16 : index
      %get3A_306 = tpu.vector_load %arg16[%get3A_304, %get3A_305] {strides = array<i32>} : memref<80x128xi32, #tpu.memory_space<vmem>>, vector<16xi32>,
      %get3A_307 = arith.index_cast %add3A_251 : i32 to index
      %get3A_308 = arith.constant 16 : index
      %get3A_309 = tpu.vector_load %arg17[%get3A_307, %get3A_308] {strides = array<i32>} : memref<80x128xi32, #tpu.memory_space<vmem>>, vector<16xi32>,
      %gather3A_310 = tpu.vector_load_idx %arg13[%get3A_306] : memref<10240xf32, #tpu.memory_space<vmem>>[vector<16xi32>], vector<16xf32>,
      %gather3A_311 = tpu.vector_load_idx %arg13[%get3A_309] : memref<10240xf32, #tpu.memory_space<vmem>>[vector<16xi32>], vector<16xf32>,
      %sub3A_312 = arith.subf %gather3A_310, %gather3A_311 : vector<16xf32>
      %swap3A_313 = arith.constant 16 : index
      %swap3A_314 = tpu.vector_load %arg23[%swap3A_313] {strides = array<i32>} : memref<128xf32, #tpu.memory_space<vmem>>, vector<16xf32>,
      tpu.vector_store %arg23[%swap3A_313], %sub3A_312 {strides = array<i32>} : memref<128xf32, #tpu.memory_space<vmem>>, vector<16xf32>,
      %gather3A_315 = tpu.vector_load_idx %arg14[%get3A_306] : memref<10240xf32, #tpu.memory_space<vmem>>[vector<16xi32>], vector<16xf32>,
      %gather3A_316 = tpu.vector_load_idx %arg14[%get3A_309] : memref<10240xf32, #tpu.memory_space<vmem>>[vector<16xi32>], vector<16xf32>,
      %sub3A_317 = arith.subf %gather3A_315, %gather3A_316 : vector<16xf32>
      %swap3A_318 = arith.constant 16 : index
      %swap3A_319 = tpu.vector_load %arg25[%swap3A_318] {strides = array<i32>} : memref<128xf32, #tpu.memory_space<vmem>>, vector<16xf32>,
      tpu.vector_store %arg25[%swap3A_318], %sub3A_317 {strides = array<i32>} : memref<128xf32, #tpu.memory_space<vmem>>, vector<16xf32>,
      %gather3A_320 = tpu.vector_load_idx %arg15[%get3A_306] : memref<10240xf32, #tpu.memory_space<vmem>>[vector<16xi32>], vector<16xf32>,
      %gather3A_321 = tpu.vector_load_idx %arg15[%get3A_309] : memref<10240xf32, #tpu.memory_space<vmem>>[vector<16xi32>], vector<16xf32>,
      %sub3A_322 = arith.subf %gather3A_320, %gather3A_321 : vector<16xf32>
      %swap3A_323 = arith.constant 16 : index
      %swap3A_324 = tpu.vector_load %arg27[%swap3A_323] {strides = array<i32>} : memref<128xf32, #tpu.memory_space<vmem>>, vector<16xf32>,
      tpu.vector_store %arg27[%swap3A_323], %sub3A_322 {strides = array<i32>} : memref<128xf32, #tpu.memory_space<vmem>>, vector<16xf32>,
      %get3A_325 = arith.index_cast %add3A_251 : i32 to index
      %get3A_326 = arith.constant 32 : index
      %get3A_327 = tpu.vector_load %arg16[%get3A_325, %get3A_326] {strides = array<i32>} : memref<80x128xi32, #tpu.memory_space<vmem>>, vector<16xi32>,
      %get3A_328 = arith.index_cast %add3A_251 : i32 to index
      %get3A_329 = arith.constant 32 : index
      %get3A_330 = tpu.vector_load %arg17[%get3A_328, %get3A_329] {strides = array<i32>} : memref<80x128xi32, #tpu.memory_space<vmem>>, vector<16xi32>,
      %gather3A_331 = tpu.vector_load_idx %arg13[%get3A_327] : memref<10240xf32, #tpu.memory_space<vmem>>[vector<16xi32>], vector<16xf32>,
      %gather3A_332 = tpu.vector_load_idx %arg13[%get3A_330] : memref<10240xf32, #tpu.memory_space<vmem>>[vector<16xi32>], vector<16xf32>,
      %sub3A_333 = arith.subf %gather3A_331, %gather3A_332 : vector<16xf32>
      %swap3A_334 = arith.constant 32 : index
      %swap3A_335 = tpu.vector_load %arg23[%swap3A_334] {strides = array<i32>} : memref<128xf32, #tpu.memory_space<vmem>>, vector<16xf32>,
      tpu.vector_store %arg23[%swap3A_334], %sub3A_333 {strides = array<i32>} : memref<128xf32, #tpu.memory_space<vmem>>, vector<16xf32>,
      %gather3A_336 = tpu.vector_load_idx %arg14[%get3A_327] : memref<10240xf32, #tpu.memory_space<vmem>>[vector<16xi32>], vector<16xf32>,
      %gather3A_337 = tpu.vector_load_idx %arg14[%get3A_330] : memref<10240xf32, #tpu.memory_space<vmem>>[vector<16xi32>], vector<16xf32>,
      %sub3A_338 = arith.subf %gather3A_336, %gather3A_337 : vector<16xf32>
      %swap3A_339 = arith.constant 32 : index
      %swap3A_340 = tpu.vector_load %arg25[%swap3A_339] {strides = array<i32>} : memref<128xf32, #tpu.memory_space<vmem>>, vector<16xf32>,
      tpu.vector_store %arg25[%swap3A_339], %sub3A_338 {strides = array<i32>} : memref<128xf32, #tpu.memory_space<vmem>>, vector<16xf32>,
      %gather3A_341 = tpu.vector_load_idx %arg15[%get3A_327] : memref<10240xf32, #tpu.memory_space<vmem>>[vector<16xi32>], vector<16xf32>,
      %gather3A_342 = tpu.vector_load_idx %arg15[%get3A_330] : memref<10240xf32, #tpu.memory_space<vmem>>[vector<16xi32>], vector<16xf32>,
      %sub3A_343 = arith.subf %gather3A_341, %gather3A_342 : vector<16xf32>
      %swap3A_344 = arith.constant 32 : index
      %swap3A_345 = tpu.vector_load %arg27[%swap3A_344] {strides = array<i32>} : memref<128xf32, #tpu.memory_space<vmem>>, vector<16xf32>,
      tpu.vector_store %arg27[%swap3A_344], %sub3A_343 {strides = array<i32>} : memref<128xf32, #tpu.memory_space<vmem>>, vector<16xf32>,
      %get3A_346 = arith.index_cast %add3A_251 : i32 to index
      %get3A_347 = arith.constant 48 : index
      %get3A_348 = tpu.vector_load %arg16[%get3A_346, %get3A_347] {strides = array<i32>} : memref<80x128xi32, #tpu.memory_space<vmem>>, vector<16xi32>,
      %get3A_349 = arith.index_cast %add3A_251 : i32 to index
      %get3A_350 = arith.constant 48 : index
      %get3A_351 = tpu.vector_load %arg17[%get3A_349, %get3A_350] {strides = array<i32>} : memref<80x128xi32, #tpu.memory_space<vmem>>, vector<16xi32>,
      %gather3A_352 = tpu.vector_load_idx %arg13[%get3A_348] : memref<10240xf32, #tpu.memory_space<vmem>>[vector<16xi32>], vector<16xf32>,
      %gather3A_353 = tpu.vector_load_idx %arg13[%get3A_351] : memref<10240xf32, #tpu.memory_space<vmem>>[vector<16xi32>], vector<16xf32>,
      %sub3A_354 = arith.subf %gather3A_352, %gather3A_353 : vector<16xf32>
      %swap3A_355 = arith.constant 48 : index
      %swap3A_356 = tpu.vector_load %arg23[%swap3A_355] {strides = array<i32>} : memref<128xf32, #tpu.memory_space<vmem>>, vector<16xf32>,
      tpu.vector_store %arg23[%swap3A_355], %sub3A_354 {strides = array<i32>} : memref<128xf32, #tpu.memory_space<vmem>>, vector<16xf32>,
      %gather3A_357 = tpu.vector_load_idx %arg14[%get3A_348] : memref<10240xf32, #tpu.memory_space<vmem>>[vector<16xi32>], vector<16xf32>,
      %gather3A_358 = tpu.vector_load_idx %arg14[%get3A_351] : memref<10240xf32, #tpu.memory_space<vmem>>[vector<16xi32>], vector<16xf32>,
      %sub3A_359 = arith.subf %gather3A_357, %gather3A_358 : vector<16xf32>
      %swap3A_360 = arith.constant 48 : index
      %swap3A_361 = tpu.vector_load %arg25[%swap3A_360] {strides = array<i32>} : memref<128xf32, #tpu.memory_space<vmem>>, vector<16xf32>,
      tpu.vector_store %arg25[%swap3A_360], %sub3A_359 {strides = array<i32>} : memref<128xf32, #tpu.memory_space<vmem>>, vector<16xf32>,
      %gather3A_362 = tpu.vector_load_idx %arg15[%get3A_348] : memref<10240xf32, #tpu.memory_space<vmem>>[vector<16xi32>], vector<16xf32>,
      %gather3A_363 = tpu.vector_load_idx %arg15[%get3A_351] : memref<10240xf32, #tpu.memory_space<vmem>>[vector<16xi32>], vector<16xf32>,
      %sub3A_364 = arith.subf %gather3A_362, %gather3A_363 : vector<16xf32>
      %swap3A_365 = arith.constant 48 : index
      %swap3A_366 = tpu.vector_load %arg27[%swap3A_365] {strides = array<i32>} : memref<128xf32, #tpu.memory_space<vmem>>, vector<16xf32>,
      tpu.vector_store %arg27[%swap3A_365], %sub3A_364 {strides = array<i32>} : memref<128xf32, #tpu.memory_space<vmem>>, vector<16xf32>,
      %get3A_367 = arith.index_cast %add3A_251 : i32 to index
      %get3A_368 = arith.constant 64 : index
      %get3A_369 = tpu.vector_load %arg16[%get3A_367, %get3A_368] {strides = array<i32>} : memref<80x128xi32, #tpu.memory_space<vmem>>, vector<16xi32>,
      %get3A_370 = arith.index_cast %add3A_251 : i32 to index
      %get3A_371 = arith.constant 64 : index
      %get3A_372 = tpu.vector_load %arg17[%get3A_370, %get3A_371] {strides = array<i32>} : memref<80x128xi32, #tpu.memory_space<vmem>>, vector<16xi32>,
      %gather3A_373 = tpu.vector_load_idx %arg13[%get3A_369] : memref<10240xf32, #tpu.memory_space<vmem>>[vector<16xi32>], vector<16xf32>,
      %gather3A_374 = tpu.vector_load_idx %arg13[%get3A_372] : memref<10240xf32, #tpu.memory_space<vmem>>[vector<16xi32>], vector<16xf32>,
      %sub3A_375 = arith.subf %gather3A_373, %gather3A_374 : vector<16xf32>
      %swap3A_376 = arith.constant 64 : index
      %swap3A_377 = tpu.vector_load %arg23[%swap3A_376] {strides = array<i32>} : memref<128xf32, #tpu.memory_space<vmem>>, vector<16xf32>,
      tpu.vector_store %arg23[%swap3A_376], %sub3A_375 {strides = array<i32>} : memref<128xf32, #tpu.memory_space<vmem>>, vector<16xf32>,
      %gather3A_378 = tpu.vector_load_idx %arg14[%get3A_369] : memref<10240xf32, #tpu.memory_space<vmem>>[vector<16xi32>], vector<16xf32>,
      %gather3A_379 = tpu.vector_load_idx %arg14[%get3A_372] : memref<10240xf32, #tpu.memory_space<vmem>>[vector<16xi32>], vector<16xf32>,
      %sub3A_380 = arith.subf %gather3A_378, %gather3A_379 : vector<16xf32>
      %swap3A_381 = arith.constant 64 : index
      %swap3A_382 = tpu.vector_load %arg25[%swap3A_381] {strides = array<i32>} : memref<128xf32, #tpu.memory_space<vmem>>, vector<16xf32>,
      tpu.vector_store %arg25[%swap3A_381], %sub3A_380 {strides = array<i32>} : memref<128xf32, #tpu.memory_space<vmem>>, vector<16xf32>,
      %gather3A_383 = tpu.vector_load_idx %arg15[%get3A_369] : memref<10240xf32, #tpu.memory_space<vmem>>[vector<16xi32>], vector<16xf32>,
      %gather3A_384 = tpu.vector_load_idx %arg15[%get3A_372] : memref<10240xf32, #tpu.memory_space<vmem>>[vector<16xi32>], vector<16xf32>,
      %sub3A_385 = arith.subf %gather3A_383, %gather3A_384 : vector<16xf32>
      %swap3A_386 = arith.constant 64 : index
      %swap3A_387 = tpu.vector_load %arg27[%swap3A_386] {strides = array<i32>} : memref<128xf32, #tpu.memory_space<vmem>>, vector<16xf32>,
      tpu.vector_store %arg27[%swap3A_386], %sub3A_385 {strides = array<i32>} : memref<128xf32, #tpu.memory_space<vmem>>, vector<16xf32>,
      %get3A_388 = arith.index_cast %add3A_251 : i32 to index
      %get3A_389 = arith.constant 80 : index
      %get3A_390 = tpu.vector_load %arg16[%get3A_388, %get3A_389] {strides = array<i32>} : memref<80x128xi32, #tpu.memory_space<vmem>>, vector<16xi32>,
      %get3A_391 = arith.index_cast %add3A_251 : i32 to index
      %get3A_392 = arith.constant 80 : index
      %get3A_393 = tpu.vector_load %arg17[%get3A_391, %get3A_392] {strides = array<i32>} : memref<80x128xi32, #tpu.memory_space<vmem>>, vector<16xi32>,
      %gather3A_394 = tpu.vector_load_idx %arg13[%get3A_390] : memref<10240xf32, #tpu.memory_space<vmem>>[vector<16xi32>], vector<16xf32>,
      %gather3A_395 = tpu.vector_load_idx %arg13[%get3A_393] : memref<10240xf32, #tpu.memory_space<vmem>>[vector<16xi32>], vector<16xf32>,
      %sub3A_396 = arith.subf %gather3A_394, %gather3A_395 : vector<16xf32>
      %swap3A_397 = arith.constant 80 : index
      %swap3A_398 = tpu.vector_load %arg23[%swap3A_397] {strides = array<i32>} : memref<128xf32, #tpu.memory_space<vmem>>, vector<16xf32>,
      tpu.vector_store %arg23[%swap3A_397], %sub3A_396 {strides = array<i32>} : memref<128xf32, #tpu.memory_space<vmem>>, vector<16xf32>,
      %gather3A_399 = tpu.vector_load_idx %arg14[%get3A_390] : memref<10240xf32, #tpu.memory_space<vmem>>[vector<16xi32>], vector<16xf32>,
      %gather3A_400 = tpu.vector_load_idx %arg14[%get3A_393] : memref<10240xf32, #tpu.memory_space<vmem>>[vector<16xi32>], vector<16xf32>,
      %sub3A_401 = arith.subf %gather3A_399, %gather3A_400 : vector<16xf32>
      %swap3A_402 = arith.constant 80 : index
      %swap3A_403 = tpu.vector_load %arg25[%swap3A_402] {strides = array<i32>} : memref<128xf32, #tpu.memory_space<vmem>>, vector<16xf32>,
      tpu.vector_store %arg25[%swap3A_402], %sub3A_401 {strides = array<i32>} : memref<128xf32, #tpu.memory_space<vmem>>, vector<16xf32>,
      %gather3A_404 = tpu.vector_load_idx %arg15[%get3A_390] : memref<10240xf32, #tpu.memory_space<vmem>>[vector<16xi32>], vector<16xf32>,
      %gather3A_405 = tpu.vector_load_idx %arg15[%get3A_393] : memref<10240xf32, #tpu.memory_space<vmem>>[vector<16xi32>], vector<16xf32>,
      %sub3A_406 = arith.subf %gather3A_404, %gather3A_405 : vector<16xf32>
      %swap3A_407 = arith.constant 80 : index
      %swap3A_408 = tpu.vector_load %arg27[%swap3A_407] {strides = array<i32>} : memref<128xf32, #tpu.memory_space<vmem>>, vector<16xf32>,
      tpu.vector_store %arg27[%swap3A_407], %sub3A_406 {strides = array<i32>} : memref<128xf32, #tpu.memory_space<vmem>>, vector<16xf32>,
      %get3A_409 = arith.index_cast %add3A_251 : i32 to index
      %get3A_410 = arith.constant 96 : index
      %get3A_411 = tpu.vector_load %arg16[%get3A_409, %get3A_410] {strides = array<i32>} : memref<80x128xi32, #tpu.memory_space<vmem>>, vector<16xi32>,
      %get3A_412 = arith.index_cast %add3A_251 : i32 to index
      %get3A_413 = arith.constant 96 : index
      %get3A_414 = tpu.vector_load %arg17[%get3A_412, %get3A_413] {strides = array<i32>} : memref<80x128xi32, #tpu.memory_space<vmem>>, vector<16xi32>,
      %gather3A_415 = tpu.vector_load_idx %arg13[%get3A_411] : memref<10240xf32, #tpu.memory_space<vmem>>[vector<16xi32>], vector<16xf32>,
      %gather3A_416 = tpu.vector_load_idx %arg13[%get3A_414] : memref<10240xf32, #tpu.memory_space<vmem>>[vector<16xi32>], vector<16xf32>,
      %sub3A_417 = arith.subf %gather3A_415, %gather3A_416 : vector<16xf32>
      %swap3A_418 = arith.constant 96 : index
      %swap3A_419 = tpu.vector_load %arg23[%swap3A_418] {strides = array<i32>} : memref<128xf32, #tpu.memory_space<vmem>>, vector<16xf32>,
      tpu.vector_store %arg23[%swap3A_418], %sub3A_417 {strides = array<i32>} : memref<128xf32, #tpu.memory_space<vmem>>, vector<16xf32>,
      %gather3A_420 = tpu.vector_load_idx %arg14[%get3A_411] : memref<10240xf32, #tpu.memory_space<vmem>>[vector<16xi32>], vector<16xf32>,
      %gather3A_421 = tpu.vector_load_idx %arg14[%get3A_414] : memref<10240xf32, #tpu.memory_space<vmem>>[vector<16xi32>], vector<16xf32>,
      %sub3A_422 = arith.subf %gather3A_420, %gather3A_421 : vector<16xf32>
      %swap3A_423 = arith.constant 96 : index
      %swap3A_424 = tpu.vector_load %arg25[%swap3A_423] {strides = array<i32>} : memref<128xf32, #tpu.memory_space<vmem>>, vector<16xf32>,
      tpu.vector_store %arg25[%swap3A_423], %sub3A_422 {strides = array<i32>} : memref<128xf32, #tpu.memory_space<vmem>>, vector<16xf32>,
      %gather3A_425 = tpu.vector_load_idx %arg15[%get3A_411] : memref<10240xf32, #tpu.memory_space<vmem>>[vector<16xi32>], vector<16xf32>,
      %gather3A_426 = tpu.vector_load_idx %arg15[%get3A_414] : memref<10240xf32, #tpu.memory_space<vmem>>[vector<16xi32>], vector<16xf32>,
      %sub3A_427 = arith.subf %gather3A_425, %gather3A_426 : vector<16xf32>
      %swap3A_428 = arith.constant 96 : index
      %swap3A_429 = tpu.vector_load %arg27[%swap3A_428] {strides = array<i32>} : memref<128xf32, #tpu.memory_space<vmem>>, vector<16xf32>,
      tpu.vector_store %arg27[%swap3A_428], %sub3A_427 {strides = array<i32>} : memref<128xf32, #tpu.memory_space<vmem>>, vector<16xf32>,
      %get3A_430 = arith.index_cast %add3A_251 : i32 to index
      %get3A_431 = arith.constant 112 : index
      %get3A_432 = tpu.vector_load %arg16[%get3A_430, %get3A_431] {strides = array<i32>} : memref<80x128xi32, #tpu.memory_space<vmem>>, vector<16xi32>,
      %get3A_433 = arith.index_cast %add3A_251 : i32 to index
      %get3A_434 = arith.constant 112 : index
      %get3A_435 = tpu.vector_load %arg17[%get3A_433, %get3A_434] {strides = array<i32>} : memref<80x128xi32, #tpu.memory_space<vmem>>, vector<16xi32>,
      %gather3A_436 = tpu.vector_load_idx %arg13[%get3A_432] : memref<10240xf32, #tpu.memory_space<vmem>>[vector<16xi32>], vector<16xf32>,
      %gather3A_437 = tpu.vector_load_idx %arg13[%get3A_435] : memref<10240xf32, #tpu.memory_space<vmem>>[vector<16xi32>], vector<16xf32>,
      %sub3A_438 = arith.subf %gather3A_436, %gather3A_437 : vector<16xf32>
      %swap3A_439 = arith.constant 112 : index
      %swap3A_440 = tpu.vector_load %arg23[%swap3A_439] {strides = array<i32>} : memref<128xf32, #tpu.memory_space<vmem>>, vector<16xf32>,
      tpu.vector_store %arg23[%swap3A_439], %sub3A_438 {strides = array<i32>} : memref<128xf32, #tpu.memory_space<vmem>>, vector<16xf32>,
      %gather3A_441 = tpu.vector_load_idx %arg14[%get3A_432] : memref<10240xf32, #tpu.memory_space<vmem>>[vector<16xi32>], vector<16xf32>,
      %gather3A_442 = tpu.vector_load_idx %arg14[%get3A_435] : memref<10240xf32, #tpu.memory_space<vmem>>[vector<16xi32>], vector<16xf32>,
      %sub3A_443 = arith.subf %gather3A_441, %gather3A_442 : vector<16xf32>
      %swap3A_444 = arith.constant 112 : index
      %swap3A_445 = tpu.vector_load %arg25[%swap3A_444] {strides = array<i32>} : memref<128xf32, #tpu.memory_space<vmem>>, vector<16xf32>,
      tpu.vector_store %arg25[%swap3A_444], %sub3A_443 {strides = array<i32>} : memref<128xf32, #tpu.memory_space<vmem>>, vector<16xf32>,
      %gather3A_446 = tpu.vector_load_idx %arg15[%get3A_432] : memref<10240xf32, #tpu.memory_space<vmem>>[vector<16xi32>], vector<16xf32>,
      %gather3A_447 = tpu.vector_load_idx %arg15[%get3A_435] : memref<10240xf32, #tpu.memory_space<vmem>>[vector<16xi32>], vector<16xf32>,
      %sub3A_448 = arith.subf %gather3A_446, %gather3A_447 : vector<16xf32>
      %swap3A_449 = arith.constant 112 : index
      %swap3A_450 = tpu.vector_load %arg27[%swap3A_449] {strides = array<i32>} : memref<128xf32, #tpu.memory_space<vmem>>, vector<16xf32>,
      tpu.vector_store %arg27[%swap3A_449], %sub3A_448 {strides = array<i32>} : memref<128xf32, #tpu.memory_space<vmem>>, vector<16xf32>,
      %scan3A_451 = arith.constant 0 : i32
      %scan3A_452 = arith.constant 0 : i32
      %scan3A_453 = arith.constant 128 : i32
      %scan3A_454 = arith.addi %scan3A_452, %scan3A_453 : i32
      %scan3A_455 = arith.constant 1 : i32
      scf.for %scan3A_470 = %scan3A_452 to %scan3A_454 step %scan3A_455  : i32 {
        %get3A_471 = arith.index_cast %scan3A_470 : i32 to index
        %get3A_472 = arith.constant 0 : index
        %get3A_473 = tpu.vector_load %arg19[%get3A_471, %get3A_472] {strides = array<i32>} : memref<128x128xf32, #tpu.memory_space<vmem>>, vector<16xf32>,
        %get3A_474 = arith.index_cast %scan3A_470 : i32 to index
        %get3A_475 = arith.constant 0 : index
        %get3A_476 = tpu.vector_load %arg21[%get3A_474, %get3A_475] {strides = array<i32>} : memref<128x128xf32, #tpu.memory_space<vmem>>, vector<16xf32>,
        %add3A_477 = arith.addf %get3A_473, %get3A_476 : vector<16xf32>
        %swap3A_478 = arith.index_cast %scan3A_470 : i32 to index
        %swap3A_479 = arith.constant 0 : index
        %swap3A_480 = tpu.vector_load %arg19[%swap3A_478, %swap3A_479] {strides = array<i32>} : memref<128x128xf32, #tpu.memory_space<vmem>>, vector<16xf32>,
        tpu.vector_store %arg19[%swap3A_478, %swap3A_479], %add3A_477 {strides = array<i32>} : memref<128x128xf32, #tpu.memory_space<vmem>>, vector<16xf32>,
        %get3A_481 = arith.index_cast %scan3A_470 : i32 to index
        %get3A_482 = arith.constant 16 : index
        %get3A_483 = tpu.vector_load %arg19[%get3A_481, %get3A_482] {strides = array<i32>} : memref<128x128xf32, #tpu.memory_space<vmem>>, vector<16xf32>,
        %get3A_484 = arith.index_cast %scan3A_470 : i32 to index
        %get3A_485 = arith.constant 16 : index
        %get3A_486 = tpu.vector_load %arg21[%get3A_484, %get3A_485] {strides = array<i32>} : memref<128x128xf32, #tpu.memory_space<vmem>>, vector<16xf32>,
        %add3A_487 = arith.addf %get3A_483, %get3A_486 : vector<16xf32>
        %swap3A_488 = arith.index_cast %scan3A_470 : i32 to index
        %swap3A_489 = arith.constant 16 : index
        %swap3A_490 = tpu.vector_load %arg19[%swap3A_488, %swap3A_489] {strides = array<i32>} : memref<128x128xf32, #tpu.memory_space<vmem>>, vector<16xf32>,
        tpu.vector_store %arg19[%swap3A_488, %swap3A_489], %add3A_487 {strides = array<i32>} : memref<128x128xf32, #tpu.memory_space<vmem>>, vector<16xf32>,
        %get3A_491 = arith.index_cast %scan3A_470 : i32 to index
        %get3A_492 = arith.constant 32 : index
        %get3A_493 = tpu.vector_load %arg19[%get3A_491, %get3A_492] {strides = array<i32>} : memref<128x128xf32, #tpu.memory_space<vmem>>, vector<16xf32>,
        %get3A_494 = arith.index_cast %scan3A_470 : i32 to index
        %get3A_495 = arith.constant 32 : index
        %get3A_496 = tpu.vector_load %arg21[%get3A_494, %get3A_495] {strides = array<i32>} : memref<128x128xf32, #tpu.memory_space<vmem>>, vector<16xf32>,
        %add3A_497 = arith.addf %get3A_493, %get3A_496 : vector<16xf32>
        %swap3A_498 = arith.index_cast %scan3A_470 : i32 to index
        %swap3A_499 = arith.constant 32 : index
        %swap3A_500 = tpu.vector_load %arg19[%swap3A_498, %swap3A_499] {strides = array<i32>} : memref<128x128xf32, #tpu.memory_space<vmem>>, vector<16xf32>,
        tpu.vector_store %arg19[%swap3A_498, %swap3A_499], %add3A_497 {strides = array<i32>} : memref<128x128xf32, #tpu.memory_space<vmem>>, vector<16xf32>,
        %get3A_501 = arith.index_cast %scan3A_470 : i32 to index
        %get3A_502 = arith.constant 48 : index
        %get3A_503 = tpu.vector_load %arg19[%get3A_501, %get3A_502] {strides = array<i32>} : memref<128x128xf32, #tpu.memory_space<vmem>>, vector<16xf32>,
        %get3A_504 = arith.index_cast %scan3A_470 : i32 to index
        %get3A_505 = arith.constant 48 : index
        %get3A_506 = tpu.vector_load %arg21[%get3A_504, %get3A_505] {strides = array<i32>} : memref<128x128xf32, #tpu.memory_space<vmem>>, vector<16xf32>,
        %add3A_507 = arith.addf %get3A_503, %get3A_506 : vector<16xf32>
        %swap3A_508 = arith.index_cast %scan3A_470 : i32 to index
        %swap3A_509 = arith.constant 48 : index
        %swap3A_510 = tpu.vector_load %arg19[%swap3A_508, %swap3A_509] {strides = array<i32>} : memref<128x128xf32, #tpu.memory_space<vmem>>, vector<16xf32>,
        tpu.vector_store %arg19[%swap3A_508, %swap3A_509], %add3A_507 {strides = array<i32>} : memref<128x128xf32, #tpu.memory_space<vmem>>, vector<16xf32>,
        %get3A_511 = arith.index_cast %scan3A_470 : i32 to index
        %get3A_512 = arith.constant 64 : index
        %get3A_513 = tpu.vector_load %arg19[%get3A_511, %get3A_512] {strides = array<i32>} : memref<128x128xf32, #tpu.memory_space<vmem>>, vector<16xf32>,
        %get3A_514 = arith.index_cast %scan3A_470 : i32 to index
        %get3A_515 = arith.constant 64 : index
        %get3A_516 = tpu.vector_load %arg21[%get3A_514, %get3A_515] {strides = array<i32>} : memref<128x128xf32, #tpu.memory_space<vmem>>, vector<16xf32>,
        %add3A_517 = arith.addf %get3A_513, %get3A_516 : vector<16xf32>
        %swap3A_518 = arith.index_cast %scan3A_470 : i32 to index
        %swap3A_519 = arith.constant 64 : index
        %swap3A_520 = tpu.vector_load %arg19[%swap3A_518, %swap3A_519] {strides = array<i32>} : memref<128x128xf32, #tpu.memory_space<vmem>>, vector<16xf32>,
        tpu.vector_store %arg19[%swap3A_518, %swap3A_519], %add3A_517 {strides = array<i32>} : memref<128x128xf32, #tpu.memory_space<vmem>>, vector<16xf32>,
        %get3A_521 = arith.index_cast %scan3A_470 : i32 to index
        %get3A_522 = arith.constant 80 : index
        %get3A_523 = tpu.vector_load %arg19[%get3A_521, %get3A_522] {strides = array<i32>} : memref<128x128xf32, #tpu.memory_space<vmem>>, vector<16xf32>,
        %get3A_524 = arith.index_cast %scan3A_470 : i32 to index
        %get3A_525 = arith.constant 80 : index
        %get3A_526 = tpu.vector_load %arg21[%get3A_524, %get3A_525] {strides = array<i32>} : memref<128x128xf32, #tpu.memory_space<vmem>>, vector<16xf32>,
        %add3A_527 = arith.addf %get3A_523, %get3A_526 : vector<16xf32>
        %swap3A_528 = arith.index_cast %scan3A_470 : i32 to index
        %swap3A_529 = arith.constant 80 : index
        %swap3A_530 = tpu.vector_load %arg19[%swap3A_528, %swap3A_529] {strides = array<i32>} : memref<128x128xf32, #tpu.memory_space<vmem>>, vector<16xf32>,
        tpu.vector_store %arg19[%swap3A_528, %swap3A_529], %add3A_527 {strides = array<i32>} : memref<128x128xf32, #tpu.memory_space<vmem>>, vector<16xf32>,
        %get3A_531 = arith.index_cast %scan3A_470 : i32 to index
        %get3A_532 = arith.constant 96 : index
        %get3A_533 = tpu.vector_load %arg19[%get3A_531, %get3A_532] {strides = array<i32>} : memref<128x128xf32, #tpu.memory_space<vmem>>, vector<16xf32>,
        %get3A_534 = arith.index_cast %scan3A_470 : i32 to index
        %get3A_535 = arith.constant 96 : index
        %get3A_536 = tpu.vector_load %arg21[%get3A_534, %get3A_535] {strides = array<i32>} : memref<128x128xf32, #tpu.memory_space<vmem>>, vector<16xf32>,
        %add3A_537 = arith.addf %get3A_533, %get3A_536 : vector<16xf32>
        %swap3A_538 = arith.index_cast %scan3A_470 : i32 to index
        %swap3A_539 = arith.constant 96 : index
        %swap3A_540 = tpu.vector_load %arg19[%swap3A_538, %swap3A_539] {strides = array<i32>} : memref<128x128xf32, #tpu.memory_space<vmem>>, vector<16xf32>,
        tpu.vector_store %arg19[%swap3A_538, %swap3A_539], %add3A_537 {strides = array<i32>} : memref<128x128xf32, #tpu.memory_space<vmem>>, vector<16xf32>,
        %get3A_541 = arith.index_cast %scan3A_470 : i32 to index
        %get3A_542 = arith.constant 112 : index
        %get3A_543 = tpu.vector_load %arg19[%get3A_541, %get3A_542] {strides = array<i32>} : memref<128x128xf32, #tpu.memory_space<vmem>>, vector<16xf32>,
        %get3A_544 = arith.index_cast %scan3A_470 : i32 to index
        %get3A_545 = arith.constant 112 : index
        %get3A_546 = tpu.vector_load %arg21[%get3A_544, %get3A_545] {strides = array<i32>} : memref<128x128xf32, #tpu.memory_space<vmem>>, vector<16xf32>,
        %add3A_547 = arith.addf %get3A_543, %get3A_546 : vector<16xf32>
        %swap3A_548 = arith.index_cast %scan3A_470 : i32 to index
        %swap3A_549 = arith.constant 112 : index
        %swap3A_550 = tpu.vector_load %arg19[%swap3A_548, %swap3A_549] {strides = array<i32>} : memref<128x128xf32, #tpu.memory_space<vmem>>, vector<16xf32>,
        tpu.vector_store %arg19[%swap3A_548, %swap3A_549], %add3A_547 {strides = array<i32>} : memref<128x128xf32, #tpu.memory_space<vmem>>, vector<16xf32>,
      }
      %scan3A_456 = arith.constant 128 : i32
      %mul3A_457 = arith.constant 128 : i32
      %mul3A_458 = arith.muli %add3A_251, %mul3A_457 : i32
      %add3A_459 = arith.addi %multiple_of3A, %mul3A_458 : i32
      %dma_start3A_460 = arith.constant 0 : i32
      %dma_start3A_461 = tpu.memref_slice %arg9[%add3A_459, %dma_start3A_460] : memref<327680x128xf32, #tpu.memory_space<hbm>> -> memref<128x128xf32, #tpu.memory_space<hbm>>
      %dma_start3A_462 = arith.constant 0 : i32
      %dma_start3A_463 = tpu.memref_slice %arg9[%add3A_459, %dma_start3A_462] : memref<327680x128xf32, #tpu.memory_space<hbm>> -> memref<128x128xf32, #tpu.memory_space<hbm>>
      tpu.enqueue_dma source(%arg19 : memref<128x128xf32, #tpu.memory_space<vmem>>) target(%dma_start3A_463 : memref<128x128xf32, #tpu.memory_space<hbm>>) target_semaphore(%arg33 : memref<!tpu.dma_semaphore, #tpu.memory_space<semaphore_mem>>)
      %dma_start3A_464 = tpu.memref_slice %arg10[%add3A_459] : memref<327680xf32, #tpu.memory_space<hbm>> -> memref<128xf32, #tpu.memory_space<hbm>>
      %dma_start3A_465 = tpu.memref_slice %arg10[%add3A_459] : memref<327680xf32, #tpu.memory_space<hbm>> -> memref<128xf32, #tpu.memory_space<hbm>>
      tpu.enqueue_dma source(%arg23 : memref<128xf32, #tpu.memory_space<vmem>>) target(%dma_start3A_465 : memref<128xf32, #tpu.memory_space<hbm>>) target_semaphore(%arg33 : memref<!tpu.dma_semaphore, #tpu.memory_space<semaphore_mem>>)
      %dma_start3A_466 = tpu.memref_slice %arg11[%add3A_459] : memref<327680xf32, #tpu.memory_space<hbm>> -> memref<128xf32, #tpu.memory_space<hbm>>
      %dma_start3A_467 = tpu.memref_slice %arg11[%add3A_459] : memref<327680xf32, #tpu.memory_space<hbm>> -> memref<128xf32, #tpu.memory_space<hbm>>
      tpu.enqueue_dma source(%arg25 : memref<128xf32, #tpu.memory_space<vmem>>) target(%dma_start3A_467 : memref<128xf32, #tpu.memory_space<hbm>>) target_semaphore(%arg33 : memref<!tpu.dma_semaphore, #tpu.memory_space<semaphore_mem>>)
      %dma_start3A_468 = tpu.memref_slice %arg12[%add3A_459] : memref<327680xf32, #tpu.memory_space<hbm>> -> memref<128xf32, #tpu.memory_space<hbm>>
      %dma_start3A_469 = tpu.memref_slice %arg12[%add3A_459] : memref<327680xf32, #tpu.memory_space<hbm>> -> memref<128xf32, #tpu.memory_space<hbm>>
      tpu.enqueue_dma source(%arg27 : memref<128xf32, #tpu.memory_space<vmem>>) target(%dma_start3A_469 : memref<128xf32, #tpu.memory_space<hbm>>) target_semaphore(%arg33 : memref<!tpu.dma_semaphore, #tpu.memory_space<semaphore_mem>>)
    }
    %scan3A_20 = arith.constant 40 : i32
    %add3A_21 = arith.constant 10112 : i32
    %add3A_22 = arith.addi %multiple_of3A, %add3A_21 : i32
    %dma_wait3A = arith.constant 0 : i32
    %dma_wait3A_23 = tpu.memref_slice %arg9[%add3A_22, %dma_wait3A] : memref<327680x128xf32, #tpu.memory_space<hbm>> -> memref<128x128xf32, #tpu.memory_space<hbm>>
    %dma_wait3A_24 = arith.constant 0 : i32
    %dma_wait3A_25 = tpu.memref_slice %arg9[%add3A_22, %dma_wait3A_24] : memref<327680x128xf32, #tpu.memory_space<hbm>> -> memref<128x128xf32, #tpu.memory_space<hbm>>
    tpu.wait_dma2 semaphore(%arg33 : memref<!tpu.dma_semaphore, #tpu.memory_space<semaphore_mem>>) src(%arg19 : memref<128x128xf32, #tpu.memory_space<vmem>>) dst(%dma_wait3A_25 : memref<128x128xf32, #tpu.memory_space<hbm>>)
    %dma_wait3A_26 = tpu.memref_slice %arg10[%add3A_22] : memref<327680xf32, #tpu.memory_space<hbm>> -> memref<128xf32, #tpu.memory_space<hbm>>
    %dma_wait3A_27 = tpu.memref_slice %arg10[%add3A_22] : memref<327680xf32, #tpu.memory_space<hbm>> -> memref<128xf32, #tpu.memory_space<hbm>>
    tpu.wait_dma2 semaphore(%arg33 : memref<!tpu.dma_semaphore, #tpu.memory_space<semaphore_mem>>) src(%arg23 : memref<128xf32, #tpu.memory_space<vmem>>) dst(%dma_wait3A_27 : memref<128xf32, #tpu.memory_space<hbm>>)
    %dma_wait3A_28 = tpu.memref_slice %arg11[%add3A_22] : memref<327680xf32, #tpu.memory_space<hbm>> -> memref<128xf32, #tpu.memory_space<hbm>>
    %dma_wait3A_29 = tpu.memref_slice %arg11[%add3A_22] : memref<327680xf32, #tpu.memory_space<hbm>> -> memref<128xf32, #tpu.memory_space<hbm>>
    tpu.wait_dma2 semaphore(%arg33 : memref<!tpu.dma_semaphore, #tpu.memory_space<semaphore_mem>>) src(%arg25 : memref<128xf32, #tpu.memory_space<vmem>>) dst(%dma_wait3A_29 : memref<128xf32, #tpu.memory_space<hbm>>)
    %dma_wait3A_30 = tpu.memref_slice %arg12[%add3A_22] : memref<327680xf32, #tpu.memory_space<hbm>> -> memref<128xf32, #tpu.memory_space<hbm>>
    %dma_wait3A_31 = tpu.memref_slice %arg12[%add3A_22] : memref<327680xf32, #tpu.memory_space<hbm>> -> memref<128xf32, #tpu.memory_space<hbm>>
    tpu.wait_dma2 semaphore(%arg33 : memref<!tpu.dma_semaphore, #tpu.memory_space<semaphore_mem>>) src(%arg27 : memref<128xf32, #tpu.memory_space<vmem>>) dst(%dma_wait3A_31 : memref<128xf32, #tpu.memory_space<hbm>>)
    return
  }
}

#map = affine_map<(d0, d1) -> (0, 0, 0)>
#map1 = affine_map<(d0, d1) -> (0, 0)>
module attributes {stable_mosaic.version = 14 : i64} {
  func.func @_msg_scatter_sc(%arg0: i32, %arg1: i32, %arg2: memref<32x160x64xi32, #tpu.memory_space<hbm>>, %arg3: memref<327680x128xf32, #tpu.memory_space<hbm>>, %arg4: memref<10240x128xf32, #tpu.memory_space<hbm>>, %arg5: memref<2x10240x128xf32, #tpu.memory_space<hbm>>, %arg6: memref<10240x128xf32, #tpu.memory_space<vmem_shared>>, %arg7: memref<160x64xi32, #tpu.memory_space<vmem>>, %arg8: memref<64x128xf32, #tpu.memory_space<vmem>>) attributes {dimension_semantics = [#tpu.dimension_semantics<core_parallel>, #tpu.dimension_semantics<subcore_parallel>], iteration_bounds = array<i64: 2, 16>, scalar_prefetch = 0 : i64, scratch_operands = 3 : i64, tpu.core_type = #tpu.core_type<sc_vector_subcore>, window_params = [{transform_indices = #map}, {transform_indices = #map1}, {transform_indices = #map1}, {transform_indices = #map}]} {
    %mul3A = arith.constant 16 : i32
    %mul3A_0 = arith.muli %arg0, %mul3A : i32
    %add3A = arith.addi %mul3A_0, %arg1 : i32
    %mul3A_1 = arith.constant 640 : i32
    %mul3A_2 = arith.muli %arg1, %mul3A_1 : i32
    %mul3A_3 = arith.constant 640 : i32
    %mul3A_4 = arith.muli %arg1, %mul3A_3 : i32
    "tpu.region"() ({
      %run_scoped3A = tpu.sem_alloc : memref<!tpu.dma_semaphore, #tpu.memory_space<semaphore_mem>>
      %dma_start3A = arith.constant 0 : i32
      %dma_start3A_15 = tpu.memref_slice %arg6[%mul3A_4, %dma_start3A] : memref<10240x128xf32, #tpu.memory_space<vmem_shared>> -> memref<640x128xf32, #tpu.memory_space<vmem_shared>>
      %dma_start3A_16 = arith.constant 0 : i32
      %dma_start3A_17 = tpu.memref_slice %arg4[%mul3A_2, %dma_start3A_16] : memref<10240x128xf32, #tpu.memory_space<hbm>> -> memref<640x128xf32, #tpu.memory_space<hbm>>
      tpu.enqueue_dma source(%dma_start3A_17 : memref<640x128xf32, #tpu.memory_space<hbm>>) target(%dma_start3A_15 : memref<640x128xf32, #tpu.memory_space<vmem_shared>>) target_semaphore(%run_scoped3A : memref<!tpu.dma_semaphore, #tpu.memory_space<semaphore_mem>>)
      %dma_wait3A = arith.constant 0 : i32
      %dma_wait3A_18 = tpu.memref_slice %arg6[%mul3A_4, %dma_wait3A] : memref<10240x128xf32, #tpu.memory_space<vmem_shared>> -> memref<640x128xf32, #tpu.memory_space<vmem_shared>>
      %dma_wait3A_19 = arith.constant 0 : i32
      %dma_wait3A_20 = tpu.memref_slice %arg4[%mul3A_2, %dma_wait3A_19] : memref<10240x128xf32, #tpu.memory_space<hbm>> -> memref<640x128xf32, #tpu.memory_space<hbm>>
      tpu.wait_dma2 semaphore(%run_scoped3A : memref<!tpu.dma_semaphore, #tpu.memory_space<semaphore_mem>>) src(%dma_wait3A_20 : memref<640x128xf32, #tpu.memory_space<hbm>>) dst(%dma_wait3A_18 : memref<640x128xf32, #tpu.memory_space<vmem_shared>>)
      tpu.yield
    }) : () -> ()
    "tpu.region"() ({
      %run_scoped3A = tpu.sem_alloc : memref<!tpu.dma_semaphore, #tpu.memory_space<semaphore_mem>>
      %dma_start3A = arith.constant 0 : i32
      %dma_start3A_15 = arith.constant 0 : i32
      %dma_start3A_16 = tpu.memref_slice %arg2[%add3A, %dma_start3A, %dma_start3A_15] : memref<32x160x64xi32, #tpu.memory_space<hbm>> -> memref<1x160x64xi32, #tpu.memory_space<hbm>>
      %dma_start3A_17 = tpu.memref_squeeze %dma_start3A_16 : memref<1x160x64xi32, #tpu.memory_space<hbm>> -> memref<160x64xi32, #tpu.memory_space<hbm>>
      %dma_start3A_18 = arith.constant 0 : i32
      %dma_start3A_19 = arith.constant 0 : i32
      %dma_start3A_20 = tpu.memref_slice %arg2[%add3A, %dma_start3A_18, %dma_start3A_19] : memref<32x160x64xi32, #tpu.memory_space<hbm>> -> memref<1x160x64xi32, #tpu.memory_space<hbm>>
      %dma_start3A_21 = tpu.memref_squeeze %dma_start3A_20 : memref<1x160x64xi32, #tpu.memory_space<hbm>> -> memref<160x64xi32, #tpu.memory_space<hbm>>
      tpu.enqueue_dma source(%dma_start3A_21 : memref<160x64xi32, #tpu.memory_space<hbm>>) target(%arg7 : memref<160x64xi32, #tpu.memory_space<vmem>>) target_semaphore(%run_scoped3A : memref<!tpu.dma_semaphore, #tpu.memory_space<semaphore_mem>>)
      %dma_wait3A = arith.constant 0 : i32
      %dma_wait3A_22 = arith.constant 0 : i32
      %dma_wait3A_23 = tpu.memref_slice %arg2[%add3A, %dma_wait3A, %dma_wait3A_22] : memref<32x160x64xi32, #tpu.memory_space<hbm>> -> memref<1x160x64xi32, #tpu.memory_space<hbm>>
      %dma_wait3A_24 = tpu.memref_squeeze %dma_wait3A_23 : memref<1x160x64xi32, #tpu.memory_space<hbm>> -> memref<160x64xi32, #tpu.memory_space<hbm>>
      %dma_wait3A_25 = arith.constant 0 : i32
      %dma_wait3A_26 = arith.constant 0 : i32
      %dma_wait3A_27 = tpu.memref_slice %arg2[%add3A, %dma_wait3A_25, %dma_wait3A_26] : memref<32x160x64xi32, #tpu.memory_space<hbm>> -> memref<1x160x64xi32, #tpu.memory_space<hbm>>
      %dma_wait3A_28 = tpu.memref_squeeze %dma_wait3A_27 : memref<1x160x64xi32, #tpu.memory_space<hbm>> -> memref<160x64xi32, #tpu.memory_space<hbm>>
      tpu.wait_dma2 semaphore(%run_scoped3A : memref<!tpu.dma_semaphore, #tpu.memory_space<semaphore_mem>>) src(%dma_wait3A_28 : memref<160x64xi32, #tpu.memory_space<hbm>>) dst(%arg7 : memref<160x64xi32, #tpu.memory_space<vmem>>)
      tpu.yield
    }) : () -> ()
    %barrier3A = arith.constant 0 : index
    tpu.barrier barrier_id(%barrier3A)
    %scan3A = arith.constant 0 : i32
    %scan3A_5 = arith.constant 0 : i32
    %scan3A_6 = arith.constant 160 : i32
    %scan3A_7 = arith.addi %scan3A_5, %scan3A_6 : i32
    %scan3A_8 = arith.constant 1 : i32
    scf.for %scan3A_15 = %scan3A_5 to %scan3A_7 step %scan3A_8  : i32 {
      %mul3A_16 = arith.constant 10240 : i32
      %mul3A_17 = arith.muli %add3A, %mul3A_16 : i32
      %multiple_of3A = tpu.assume_multiple %mul3A_17, 64 : i32
      %mul3A_18 = arith.constant 64 : i32
      %mul3A_19 = arith.muli %scan3A_15, %mul3A_18 : i32
      %add3A_20 = arith.addi %multiple_of3A, %mul3A_19 : i32
      "tpu.region"() ({
        %run_scoped3A = tpu.sem_alloc : memref<!tpu.dma_semaphore, #tpu.memory_space<semaphore_mem>>
        %dma_start3A = arith.constant 0 : i32
        %dma_start3A_21 = tpu.memref_slice %arg3[%add3A_20, %dma_start3A] : memref<327680x128xf32, #tpu.memory_space<hbm>> -> memref<64x128xf32, #tpu.memory_space<hbm>>
        %dma_start3A_22 = arith.constant 0 : i32
        %dma_start3A_23 = tpu.memref_slice %arg3[%add3A_20, %dma_start3A_22] : memref<327680x128xf32, #tpu.memory_space<hbm>> -> memref<64x128xf32, #tpu.memory_space<hbm>>
        tpu.enqueue_dma source(%dma_start3A_23 : memref<64x128xf32, #tpu.memory_space<hbm>>) target(%arg8 : memref<64x128xf32, #tpu.memory_space<vmem>>) target_semaphore(%run_scoped3A : memref<!tpu.dma_semaphore, #tpu.memory_space<semaphore_mem>>)
        %dma_wait3A = arith.constant 0 : i32
        %dma_wait3A_24 = tpu.memref_slice %arg3[%add3A_20, %dma_wait3A] : memref<327680x128xf32, #tpu.memory_space<hbm>> -> memref<64x128xf32, #tpu.memory_space<hbm>>
        %dma_wait3A_25 = arith.constant 0 : i32
        %dma_wait3A_26 = tpu.memref_slice %arg3[%add3A_20, %dma_wait3A_25] : memref<327680x128xf32, #tpu.memory_space<hbm>> -> memref<64x128xf32, #tpu.memory_space<hbm>>
        tpu.wait_dma2 semaphore(%run_scoped3A : memref<!tpu.dma_semaphore, #tpu.memory_space<semaphore_mem>>) src(%dma_wait3A_26 : memref<64x128xf32, #tpu.memory_space<hbm>>) dst(%arg8 : memref<64x128xf32, #tpu.memory_space<vmem>>)
        tpu.yield
      }) : () -> ()
      "tpu.region"() ({
        %run_scoped3A = tpu.sem_alloc : memref<!tpu.dma_semaphore, #tpu.memory_space<semaphore_mem>>
        %dma_start3A = arith.constant 0 : i32
        %dma_start3A_21 = tpu.memref_slice %arg7[%scan3A_15, %dma_start3A] : memref<160x64xi32, #tpu.memory_space<vmem>> -> memref<1x64xi32, #tpu.memory_space<vmem>>
        %dma_start3A_22 = tpu.memref_squeeze %dma_start3A_21 : memref<1x64xi32, #tpu.memory_space<vmem>> -> memref<64xi32, #tpu.memory_space<vmem>>
        %dma_start3A_23 = arith.constant 0 : i32
        %dma_start3A_24 = arith.constant 0 : i32
        %dma_start3A_25 = tpu.memref_slice %arg6[%dma_start3A_23, %dma_start3A_24] : memref<10240x128xf32, #tpu.memory_space<vmem_shared>> -> memref<10240x128xf32, #tpu.memory_space<vmem_shared>>
        tpu.enqueue_indirect_dma source(%arg8 : memref<64x128xf32, #tpu.memory_space<vmem>>) target(%dma_start3A_25 : memref<10240x128xf32, #tpu.memory_space<vmem_shared>>) offsets(%dma_start3A_22 : memref<64xi32, #tpu.memory_space<vmem>>) semaphore(%run_scoped3A : memref<!tpu.dma_semaphore, #tpu.memory_space<semaphore_mem>>) {add = true}
        %dma_wait3A = arith.constant 0 : i32
        %dma_wait3A_26 = tpu.memref_slice %arg7[%scan3A_15, %dma_wait3A] : memref<160x64xi32, #tpu.memory_space<vmem>> -> memref<1x64xi32, #tpu.memory_space<vmem>>
        %dma_wait3A_27 = tpu.memref_squeeze %dma_wait3A_26 : memref<1x64xi32, #tpu.memory_space<vmem>> -> memref<64xi32, #tpu.memory_space<vmem>>
        %dma_wait3A_28 = arith.constant 0 : i32
        %dma_wait3A_29 = arith.constant 0 : i32
        %dma_wait3A_30 = tpu.memref_slice %arg6[%dma_wait3A_28, %dma_wait3A_29] : memref<10240x128xf32, #tpu.memory_space<vmem_shared>> -> memref<10240x128xf32, #tpu.memory_space<vmem_shared>>
        tpu.wait_indirect_dma semaphore(%run_scoped3A : memref<!tpu.dma_semaphore, #tpu.memory_space<semaphore_mem>>) src(%arg8 : memref<64x128xf32, #tpu.memory_space<vmem>>) dst(%dma_wait3A_30 : memref<10240x128xf32, #tpu.memory_space<vmem_shared>>)
        tpu.yield
      }) : () -> ()
    }
    %scan3A_9 = arith.constant 160 : i32
    %barrier3A_10 = arith.constant 0 : index
    tpu.barrier barrier_id(%barrier3A_10)
    %mul3A_11 = arith.constant 640 : i32
    %mul3A_12 = arith.muli %arg1, %mul3A_11 : i32
    %mul3A_13 = arith.constant 640 : i32
    %mul3A_14 = arith.muli %arg1, %mul3A_13 : i32
    "tpu.region"() ({
      %run_scoped3A = tpu.sem_alloc : memref<!tpu.dma_semaphore, #tpu.memory_space<semaphore_mem>>
      %dma_start3A = arith.constant 0 : i32
      %dma_start3A_15 = tpu.memref_slice %arg5[%arg0, %mul3A_14, %dma_start3A] : memref<2x10240x128xf32, #tpu.memory_space<hbm>> -> memref<1x640x128xf32, #tpu.memory_space<hbm>>
      %dma_start3A_16 = tpu.memref_squeeze %dma_start3A_15 : memref<1x640x128xf32, #tpu.memory_space<hbm>> -> memref<640x128xf32, #tpu.memory_space<hbm>>
      %dma_start3A_17 = arith.constant 0 : i32
      %dma_start3A_18 = tpu.memref_slice %arg6[%mul3A_12, %dma_start3A_17] : memref<10240x128xf32, #tpu.memory_space<vmem_shared>> -> memref<640x128xf32, #tpu.memory_space<vmem_shared>>
      tpu.enqueue_dma source(%dma_start3A_18 : memref<640x128xf32, #tpu.memory_space<vmem_shared>>) target(%dma_start3A_16 : memref<640x128xf32, #tpu.memory_space<hbm>>) target_semaphore(%run_scoped3A : memref<!tpu.dma_semaphore, #tpu.memory_space<semaphore_mem>>)
      %dma_wait3A = arith.constant 0 : i32
      %dma_wait3A_19 = tpu.memref_slice %arg5[%arg0, %mul3A_14, %dma_wait3A] : memref<2x10240x128xf32, #tpu.memory_space<hbm>> -> memref<1x640x128xf32, #tpu.memory_space<hbm>>
      %dma_wait3A_20 = tpu.memref_squeeze %dma_wait3A_19 : memref<1x640x128xf32, #tpu.memory_space<hbm>> -> memref<640x128xf32, #tpu.memory_space<hbm>>
      %dma_wait3A_21 = arith.constant 0 : i32
      %dma_wait3A_22 = tpu.memref_slice %arg6[%mul3A_12, %dma_wait3A_21] : memref<10240x128xf32, #tpu.memory_space<vmem_shared>> -> memref<640x128xf32, #tpu.memory_space<vmem_shared>>
      tpu.wait_dma2 semaphore(%run_scoped3A : memref<!tpu.dma_semaphore, #tpu.memory_space<semaphore_mem>>) src(%dma_wait3A_22 : memref<640x128xf32, #tpu.memory_space<vmem_shared>>) dst(%dma_wait3A_20 : memref<640x128xf32, #tpu.memory_space<hbm>>)
      tpu.yield
    }) : () -> ()
    return
  }
}

module attributes {stable_mosaic.version = 14 : i64} {
  func.func @_prep_body(%arg0: i32, %arg1: memref<2048x128xf32, #tpu.memory_space<vmem>>, %arg2: memref<2048x128xf32, #tpu.memory_space<vmem>>, %arg3: memref<128x128xf32, #tpu.memory_space<vmem>>, %arg4: memref<128x128xf32, #tpu.memory_space<vmem>>, %arg5: memref<128x128xf32, #tpu.memory_space<vmem>>, %arg6: memref<1x128xf32, #tpu.memory_space<vmem>>, %arg7: memref<2048x128xf32, #tpu.memory_space<vmem>>, %arg8: memref<2048x128xf32, #tpu.memory_space<vmem>>) attributes {dimension_semantics = [#tpu.dimension_semantics<arbitrary>], iteration_bounds = array<i64: 5>, scalar_prefetch = 0 : i64, scratch_operands = 0 : i64, tpu.core_type = #tpu.core_type<tc>, window_params = [{transform_indices = @transform_0, window_bounds = array<i64: 2048, 128>}, {transform_indices = @transform_1, window_bounds = array<i64: 2048, 128>}, {pipeline_mode = #tpu.pipeline_mode<synchronous>, transform_indices = @transform_2, window_bounds = array<i64: 128, 128>}, {pipeline_mode = #tpu.pipeline_mode<synchronous>, transform_indices = @transform_3, window_bounds = array<i64: 128, 128>}, {pipeline_mode = #tpu.pipeline_mode<synchronous>, transform_indices = @transform_4, window_bounds = array<i64: 128, 128>}, {pipeline_mode = #tpu.pipeline_mode<synchronous>, transform_indices = @transform_5, window_bounds = array<i64: 1, 128>}, {transform_indices = @transform_6, window_bounds = array<i64: 2048, 128>}, {transform_indices = @transform_7, window_bounds = array<i64: 2048, 128>}]} {
    %get3A = arith.constant 0 : index
    %get3A_0 = arith.constant 0 : index
    %get3A_1 = vector.load %arg1[%get3A, %get3A_0] : memref<2048x128xf32, #tpu.memory_space<vmem>>, vector<2048x128xf32>
    %get3A_2 = arith.constant 0 : index
    %get3A_3 = arith.constant 0 : index
    %get3A_4 = vector.load %arg3[%get3A_2, %get3A_3] : memref<128x128xf32, #tpu.memory_space<vmem>>, vector<128x128xf32>
    %dot_general3A = arith.constant dense<0.000000e+00> : vector<2048x128xf32>
    %dot_general3A_5 = tpu.matmul %get3A_1, %get3A_4, %dot_general3A {dimension_numbers = #tpu.dot_dimension_numbers<[1], [0], [0], [1], [0, 0, 1, 1], [], []>, transpose_lhs_hint = false} : vector<2048x128xf32>, vector<128x128xf32>, vector<2048x128xf32> -> vector<2048x128xf32>
    %get3A_6 = arith.constant 0 : index
    %get3A_7 = arith.constant 0 : index
    %get3A_8 = vector.load %arg2[%get3A_6, %get3A_7] : memref<2048x128xf32, #tpu.memory_space<vmem>>, vector<2048x128xf32>
    %get3A_9 = arith.constant 0 : index
    %get3A_10 = arith.constant 0 : index
    %get3A_11 = vector.load %arg5[%get3A_9, %get3A_10] : memref<128x128xf32, #tpu.memory_space<vmem>>, vector<128x128xf32>
    %dot_general3A_12 = arith.constant dense<0.000000e+00> : vector<2048x128xf32>
    %dot_general3A_13 = tpu.matmul %get3A_8, %get3A_11, %dot_general3A_12 {dimension_numbers = #tpu.dot_dimension_numbers<[1], [0], [0], [1], [0, 0, 1, 1], [], []>, transpose_lhs_hint = false} : vector<2048x128xf32>, vector<128x128xf32>, vector<2048x128xf32> -> vector<2048x128xf32>
    %add3A = arith.addf %dot_general3A_5, %dot_general3A_13 : vector<2048x128xf32>
    %get3A_14 = arith.constant 0 : index
    %get3A_15 = arith.constant 0 : index
    %get3A_16 = vector.load %arg6[%get3A_14, %get3A_15] : memref<1x128xf32, #tpu.memory_space<vmem>>, vector<1x128xf32>
    %add3A_17 = vector.broadcast %get3A_16 : vector<1x128xf32> to vector<2048x128xf32>
    %add3A_18 = arith.addf %add3A, %add3A_17 : vector<2048x128xf32>
    %swap3A = arith.constant 0 : index
    %swap3A_19 = arith.constant 0 : index
    %swap3A_20 = vector.load %arg7[%swap3A, %swap3A_19] : memref<2048x128xf32, #tpu.memory_space<vmem>>, vector<2048x128xf32>
    tpu.vector_store %arg7[%swap3A, %swap3A_19], %add3A_18 {strides = array<i32>} : memref<2048x128xf32, #tpu.memory_space<vmem>>, vector<2048x128xf32>,
    %get3A_21 = arith.constant 0 : index
    %get3A_22 = arith.constant 0 : index
    %get3A_23 = vector.load %arg4[%get3A_21, %get3A_22] : memref<128x128xf32, #tpu.memory_space<vmem>>, vector<128x128xf32>
    %dot_general3A_24 = arith.constant dense<0.000000e+00> : vector<2048x128xf32>
    %dot_general3A_25 = tpu.matmul %get3A_1, %get3A_23, %dot_general3A_24 {dimension_numbers = #tpu.dot_dimension_numbers<[1], [0], [0], [1], [0, 0, 1, 1], [], []>, transpose_lhs_hint = false} : vector<2048x128xf32>, vector<128x128xf32>, vector<2048x128xf32> -> vector<2048x128xf32>
    %swap3A_26 = arith.constant 0 : index
    %swap3A_27 = arith.constant 0 : index
    %swap3A_28 = vector.load %arg8[%swap3A_26, %swap3A_27] : memref<2048x128xf32, #tpu.memory_space<vmem>>, vector<2048x128xf32>
    tpu.vector_store %arg8[%swap3A_26, %swap3A_27], %dot_general3A_25 {strides = array<i32>} : memref<2048x128xf32, #tpu.memory_space<vmem>>, vector<2048x128xf32>,
    return
  }
  func.func @transform_0(%arg0: i32) -> (i32, i32) {
    %c0_i32 = arith.constant 0 : i32
    %c0_i32_0 = arith.constant 0 : i32
    return %arg0, %c0_i32 : i32, i32
  }
  func.func @transform_1(%arg0: i32) -> (i32, i32) {
    %c0_i32 = arith.constant 0 : i32
    %c0_i32_0 = arith.constant 0 : i32
    return %arg0, %c0_i32 : i32, i32
  }
  func.func @transform_2(%arg0: i32) -> (i32, i32) {
    %c0_i32 = arith.constant 0 : i32
    %c0_i32_0 = arith.constant 0 : i32
    %c0_i32_1 = arith.constant 0 : i32
    return %c0_i32, %c0_i32_0 : i32, i32
  }
  func.func @transform_3(%arg0: i32) -> (i32, i32) {
    %c0_i32 = arith.constant 0 : i32
    %c0_i32_0 = arith.constant 0 : i32
    %c0_i32_1 = arith.constant 0 : i32
    return %c0_i32, %c0_i32_0 : i32, i32
  }
  func.func @transform_4(%arg0: i32) -> (i32, i32) {
    %c0_i32 = arith.constant 0 : i32
    %c0_i32_0 = arith.constant 0 : i32
    %c0_i32_1 = arith.constant 0 : i32
    return %c0_i32, %c0_i32_0 : i32, i32
  }
  func.func @transform_5(%arg0: i32) -> (i32, i32) {
    %c0_i32 = arith.constant 0 : i32
    %c0_i32_0 = arith.constant 0 : i32
    %c0_i32_1 = arith.constant 0 : i32
    return %c0_i32, %c0_i32_0 : i32, i32
  }
  func.func @transform_6(%arg0: i32) -> (i32, i32) {
    %c0_i32 = arith.constant 0 : i32
    %c0_i32_0 = arith.constant 0 : i32
    return %arg0, %c0_i32 : i32, i32
  }
  func.func @transform_7(%arg0: i32) -> (i32, i32) {
    %c0_i32 = arith.constant 0 : i32
    %c0_i32_0 = arith.constant 0 : i32
    return %arg0, %c0_i32 : i32, i32
  }
}

module attributes {stable_mosaic.version = 14 : i64} {
  func.func @_edge_body(%arg0: i32, %arg1: memref<1024x128xf32, #tpu.memory_space<vmem>>, %arg2: memref<1024x1xf32, #tpu.memory_space<vmem>>, %arg3: memref<1024x1xf32, #tpu.memory_space<vmem>>, %arg4: memref<1024x1xf32, #tpu.memory_space<vmem>>, %arg5: memref<128x128xf32, #tpu.memory_space<vmem>>, %arg6: memref<1x128xf32, #tpu.memory_space<vmem>>, %arg7: memref<128x128xf32, #tpu.memory_space<vmem>>, %arg8: memref<1x128xf32, #tpu.memory_space<vmem>>, %arg9: memref<128x1xf32, #tpu.memory_space<vmem>>, %arg10: memref<1x128xf32, #tpu.memory_space<vmem>>, %arg11: memref<1024x128xf32, #tpu.memory_space<vmem>>, %arg12: memref<1024x1xf32, #tpu.memory_space<vmem>>, %arg13: memref<1024x1xf32, #tpu.memory_space<vmem>>, %arg14: memref<1024x1xf32, #tpu.memory_space<vmem>>) attributes {dimension_semantics = [#tpu.dimension_semantics<arbitrary>], iteration_bounds = array<i64: 320>, scalar_prefetch = 0 : i64, scratch_operands = 0 : i64, tpu.core_type = #tpu.core_type<tc>, window_params = [{transform_indices = @transform_0, window_bounds = array<i64: 1024, 128>}, {transform_indices = @transform_1, window_bounds = array<i64: 1024, 1>}, {transform_indices = @transform_2, window_bounds = array<i64: 1024, 1>}, {transform_indices = @transform_3, window_bounds = array<i64: 1024, 1>}, {pipeline_mode = #tpu.pipeline_mode<synchronous>, transform_indices = @transform_4, window_bounds = array<i64: 128, 128>}, {pipeline_mode = #tpu.pipeline_mode<synchronous>, transform_indices = @transform_5, window_bounds = array<i64: 1, 128>}, {pipeline_mode = #tpu.pipeline_mode<synchronous>, transform_indices = @transform_6, window_bounds = array<i64: 128, 128>}, {pipeline_mode = #tpu.pipeline_mode<synchronous>, transform_indices = @transform_7, window_bounds = array<i64: 1, 128>}, {pipeline_mode = #tpu.pipeline_mode<synchronous>, transform_indices = @transform_8, window_bounds = array<i64: 128, 1>}, {pipeline_mode = #tpu.pipeline_mode<synchronous>, transform_indices = @transform_9, window_bounds = array<i64: 1, 128>}, {transform_indices = @transform_10, window_bounds = array<i64: 1024, 128>}, {transform_indices = @transform_11, window_bounds = array<i64: 1024, 1>}, {transform_indices = @transform_12, window_bounds = array<i64: 1024, 1>}, {transform_indices = @transform_13, window_bounds = array<i64: 1024, 1>}]} {
    %get3A = arith.constant 0 : index
    %get3A_0 = arith.constant 0 : index
    %get3A_1 = vector.load %arg2[%get3A, %get3A_0] : memref<1024x1xf32, #tpu.memory_space<vmem>>, vector<1024x1xf32>
    %get3A_2 = arith.constant 0 : index
    %get3A_3 = arith.constant 0 : index
    %get3A_4 = vector.load %arg3[%get3A_2, %get3A_3] : memref<1024x1xf32, #tpu.memory_space<vmem>>, vector<1024x1xf32>
    %get3A_5 = arith.constant 0 : index
    %get3A_6 = arith.constant 0 : index
    %get3A_7 = vector.load %arg4[%get3A_5, %get3A_6] : memref<1024x1xf32, #tpu.memory_space<vmem>>, vector<1024x1xf32>
    %mul3A = arith.mulf %get3A_1, %get3A_1 : vector<1024x1xf32>
    %mul3A_8 = arith.mulf %get3A_4, %get3A_4 : vector<1024x1xf32>
    %add3A = arith.addf %mul3A, %mul3A_8 : vector<1024x1xf32>
    %mul3A_9 = arith.mulf %get3A_7, %get3A_7 : vector<1024x1xf32>
    %add3A_10 = arith.addf %add3A, %mul3A_9 : vector<1024x1xf32>
    %add3A_11 = arith.constant 9.99999993E-9 : f32
    %add3A_12 = vector.broadcast %add3A_11 : f32 to vector<1024x1xf32>
    %add3A_13 = arith.addf %add3A_10, %add3A_12 : vector<1024x1xf32>
    %sqrt3A = math.sqrt %add3A_13 : vector<1024x1xf32>
    %get3A_14 = arith.constant 0 : index
    %get3A_15 = arith.constant 0 : index
    %get3A_16 = vector.load %arg1[%get3A_14, %get3A_15] : memref<1024x128xf32, #tpu.memory_space<vmem>>, vector<1024x128xf32>
    %get3A_17 = arith.constant 0 : index
    %get3A_18 = arith.constant 0 : index
    %get3A_19 = vector.load %arg10[%get3A_17, %get3A_18] : memref<1x128xf32, #tpu.memory_space<vmem>>, vector<1x128xf32>
    %mul3A_20 = vector.broadcast %sqrt3A : vector<1024x1xf32> to vector<1024x128xf32>
    %mul3A_21 = vector.broadcast %get3A_19 : vector<1x128xf32> to vector<1024x128xf32>
    %mul3A_22 = arith.mulf %mul3A_20, %mul3A_21 : vector<1024x128xf32>
    %add3A_23 = arith.addf %get3A_16, %mul3A_22 : vector<1024x128xf32>
    %neg3A = arith.constant 0.000000e+00 : f32
    %neg3A_24 = vector.broadcast %neg3A : f32 to vector<1024x128xf32>
    %neg3A_25 = arith.subf %neg3A_24, %add3A_23 : vector<1024x128xf32>
    %exp3A = math.exp %neg3A_25 : vector<1024x128xf32>
    %add3A_26 = arith.constant 1.000000e+00 : f32
    %add3A_27 = vector.broadcast %add3A_26 : f32 to vector<1024x128xf32>
    %add3A_28 = arith.addf %add3A_27, %exp3A : vector<1024x128xf32>
    %div3A = arith.divf %add3A_23, %add3A_28 : vector<1024x128xf32>
    %get3A_29 = arith.constant 0 : index
    %get3A_30 = arith.constant 0 : index
    %get3A_31 = vector.load %arg5[%get3A_29, %get3A_30] : memref<128x128xf32, #tpu.memory_space<vmem>>, vector<128x128xf32>
    %dot_general3A = arith.constant dense<0.000000e+00> : vector<1024x128xf32>
    %dot_general3A_32 = tpu.matmul %div3A, %get3A_31, %dot_general3A {dimension_numbers = #tpu.dot_dimension_numbers<[1], [0], [0], [1], [0, 0, 1, 1], [], []>, transpose_lhs_hint = false} : vector<1024x128xf32>, vector<128x128xf32>, vector<1024x128xf32> -> vector<1024x128xf32>
    %get3A_33 = arith.constant 0 : index
    %get3A_34 = arith.constant 0 : index
    %get3A_35 = vector.load %arg6[%get3A_33, %get3A_34] : memref<1x128xf32, #tpu.memory_space<vmem>>, vector<1x128xf32>
    %add3A_36 = vector.broadcast %get3A_35 : vector<1x128xf32> to vector<1024x128xf32>
    %add3A_37 = arith.addf %dot_general3A_32, %add3A_36 : vector<1024x128xf32>
    %neg3A_38 = arith.constant 0.000000e+00 : f32
    %neg3A_39 = vector.broadcast %neg3A_38 : f32 to vector<1024x128xf32>
    %neg3A_40 = arith.subf %neg3A_39, %add3A_37 : vector<1024x128xf32>
    %exp3A_41 = math.exp %neg3A_40 : vector<1024x128xf32>
    %add3A_42 = arith.constant 1.000000e+00 : f32
    %add3A_43 = vector.broadcast %add3A_42 : f32 to vector<1024x128xf32>
    %add3A_44 = arith.addf %add3A_43, %exp3A_41 : vector<1024x128xf32>
    %div3A_45 = arith.divf %add3A_37, %add3A_44 : vector<1024x128xf32>
    %get3A_46 = arith.constant 0 : index
    %get3A_47 = arith.constant 0 : index
    %get3A_48 = vector.load %arg7[%get3A_46, %get3A_47] : memref<128x128xf32, #tpu.memory_space<vmem>>, vector<128x128xf32>
    %dot_general3A_49 = arith.constant dense<0.000000e+00> : vector<1024x128xf32>
    %dot_general3A_50 = tpu.matmul %div3A_45, %get3A_48, %dot_general3A_49 {dimension_numbers = #tpu.dot_dimension_numbers<[1], [0], [0], [1], [0, 0, 1, 1], [], []>, transpose_lhs_hint = false} : vector<1024x128xf32>, vector<128x128xf32>, vector<1024x128xf32> -> vector<1024x128xf32>
    %get3A_51 = arith.constant 0 : index
    %get3A_52 = arith.constant 0 : index
    %get3A_53 = vector.load %arg8[%get3A_51, %get3A_52] : memref<1x128xf32, #tpu.memory_space<vmem>>, vector<1x128xf32>
    %add3A_54 = vector.broadcast %get3A_53 : vector<1x128xf32> to vector<1024x128xf32>
    %add3A_55 = arith.addf %dot_general3A_50, %add3A_54 : vector<1024x128xf32>
    %neg3A_56 = arith.constant 0.000000e+00 : f32
    %neg3A_57 = vector.broadcast %neg3A_56 : f32 to vector<1024x128xf32>
    %neg3A_58 = arith.subf %neg3A_57, %add3A_55 : vector<1024x128xf32>
    %exp3A_59 = math.exp %neg3A_58 : vector<1024x128xf32>
    %add3A_60 = arith.constant 1.000000e+00 : f32
    %add3A_61 = vector.broadcast %add3A_60 : f32 to vector<1024x128xf32>
    %add3A_62 = arith.addf %add3A_61, %exp3A_59 : vector<1024x128xf32>
    %div3A_63 = arith.divf %add3A_55, %add3A_62 : vector<1024x128xf32>
    %get3A_64 = arith.constant 0 : index
    %get3A_65 = arith.constant 0 : index
    %get3A_66 = vector.load %arg9[%get3A_64, %get3A_65] : memref<128x1xf32, #tpu.memory_space<vmem>>, vector<128x1xf32>
    %dot_general3A_67 = arith.constant dense<0.000000e+00> : vector<1024x1xf32>
    %dot_general3A_68 = tpu.matmul %div3A_63, %get3A_66, %dot_general3A_67 {dimension_numbers = #tpu.dot_dimension_numbers<[1], [0], [0], [1], [0, 0, 1, 1], [], []>, transpose_lhs_hint = false} : vector<1024x128xf32>, vector<128x1xf32>, vector<1024x1xf32> -> vector<1024x1xf32>
    %add3A_69 = arith.constant 9.99999993E-9 : f32
    %add3A_70 = vector.broadcast %add3A_69 : f32 to vector<1024x1xf32>
    %add3A_71 = arith.addf %sqrt3A, %add3A_70 : vector<1024x1xf32>
    %div3A_72 = arith.divf %dot_general3A_68, %add3A_71 : vector<1024x1xf32>
    %swap3A = arith.constant 0 : index
    %swap3A_73 = arith.constant 0 : index
    %swap3A_74 = vector.load %arg11[%swap3A, %swap3A_73] : memref<1024x128xf32, #tpu.memory_space<vmem>>, vector<1024x128xf32>
    tpu.vector_store %arg11[%swap3A, %swap3A_73], %div3A_45 {strides = array<i32>} : memref<1024x128xf32, #tpu.memory_space<vmem>>, vector<1024x128xf32>,
    %mul3A_75 = arith.mulf %div3A_72, %get3A_1 : vector<1024x1xf32>
    %swap3A_76 = arith.constant 0 : index
    %swap3A_77 = arith.constant 0 : index
    %swap3A_78 = vector.load %arg12[%swap3A_76, %swap3A_77] : memref<1024x1xf32, #tpu.memory_space<vmem>>, vector<1024x1xf32>
    tpu.vector_store %arg12[%swap3A_76, %swap3A_77], %mul3A_75 {strides = array<i32>} : memref<1024x1xf32, #tpu.memory_space<vmem>>, vector<1024x1xf32>,
    %mul3A_79 = arith.mulf %div3A_72, %get3A_4 : vector<1024x1xf32>
    %swap3A_80 = arith.constant 0 : index
    %swap3A_81 = arith.constant 0 : index
    %swap3A_82 = vector.load %arg13[%swap3A_80, %swap3A_81] : memref<1024x1xf32, #tpu.memory_space<vmem>>, vector<1024x1xf32>
    tpu.vector_store %arg13[%swap3A_80, %swap3A_81], %mul3A_79 {strides = array<i32>} : memref<1024x1xf32, #tpu.memory_space<vmem>>, vector<1024x1xf32>,
    %mul3A_83 = arith.mulf %div3A_72, %get3A_7 : vector<1024x1xf32>
    %swap3A_84 = arith.constant 0 : index
    %swap3A_85 = arith.constant 0 : index
    %swap3A_86 = vector.load %arg14[%swap3A_84, %swap3A_85] : memref<1024x1xf32, #tpu.memory_space<vmem>>, vector<1024x1xf32>
    tpu.vector_store %arg14[%swap3A_84, %swap3A_85], %mul3A_83 {strides = array<i32>} : memref<1024x1xf32, #tpu.memory_space<vmem>>, vector<1024x1xf32>,
    return
  }
  func.func @transform_0(%arg0: i32) -> (i32, i32) {
    %c0_i32 = arith.constant 0 : i32
    %c0_i32_0 = arith.constant 0 : i32
    return %arg0, %c0_i32 : i32, i32
  }
  func.func @transform_1(%arg0: i32) -> (i32, i32) {
    %c0_i32 = arith.constant 0 : i32
    %c0_i32_0 = arith.constant 0 : i32
    return %arg0, %c0_i32 : i32, i32
  }
  func.func @transform_2(%arg0: i32) -> (i32, i32) {
    %c0_i32 = arith.constant 0 : i32
    %c0_i32_0 = arith.constant 0 : i32
    return %arg0, %c0_i32 : i32, i32
  }
  func.func @transform_3(%arg0: i32) -> (i32, i32) {
    %c0_i32 = arith.constant 0 : i32
    %c0_i32_0 = arith.constant 0 : i32
    return %arg0, %c0_i32 : i32, i32
  }
  func.func @transform_4(%arg0: i32) -> (i32, i32) {
    %c0_i32 = arith.constant 0 : i32
    %c0_i32_0 = arith.constant 0 : i32
    %c0_i32_1 = arith.constant 0 : i32
    return %c0_i32, %c0_i32_0 : i32, i32
  }
  func.func @transform_5(%arg0: i32) -> (i32, i32) {
    %c0_i32 = arith.constant 0 : i32
    %c0_i32_0 = arith.constant 0 : i32
    %c0_i32_1 = arith.constant 0 : i32
    return %c0_i32, %c0_i32_0 : i32, i32
  }
  func.func @transform_6(%arg0: i32) -> (i32, i32) {
    %c0_i32 = arith.constant 0 : i32
    %c0_i32_0 = arith.constant 0 : i32
    %c0_i32_1 = arith.constant 0 : i32
    return %c0_i32, %c0_i32_0 : i32, i32
  }
  func.func @transform_7(%arg0: i32) -> (i32, i32) {
    %c0_i32 = arith.constant 0 : i32
    %c0_i32_0 = arith.constant 0 : i32
    %c0_i32_1 = arith.constant 0 : i32
    return %c0_i32, %c0_i32_0 : i32, i32
  }
  func.func @transform_8(%arg0: i32) -> (i32, i32) {
    %c0_i32 = arith.constant 0 : i32
    %c0_i32_0 = arith.constant 0 : i32
    %c0_i32_1 = arith.constant 0 : i32
    return %c0_i32, %c0_i32_0 : i32, i32
  }
  func.func @transform_9(%arg0: i32) -> (i32, i32) {
    %c0_i32 = arith.constant 0 : i32
    %c0_i32_0 = arith.constant 0 : i32
    %c0_i32_1 = arith.constant 0 : i32
    return %c0_i32, %c0_i32_0 : i32, i32
  }
  func.func @transform_10(%arg0: i32) -> (i32, i32) {
    %c0_i32 = arith.constant 0 : i32
    %c0_i32_0 = arith.constant 0 : i32
    return %arg0, %c0_i32 : i32, i32
  }
  func.func @transform_11(%arg0: i32) -> (i32, i32) {
    %c0_i32 = arith.constant 0 : i32
    %c0_i32_0 = arith.constant 0 : i32
    return %arg0, %c0_i32 : i32, i32
  }
  func.func @transform_12(%arg0: i32) -> (i32, i32) {
    %c0_i32 = arith.constant 0 : i32
    %c0_i32_0 = arith.constant 0 : i32
    return %arg0, %c0_i32 : i32, i32
  }
  func.func @transform_13(%arg0: i32) -> (i32, i32) {
    %c0_i32 = arith.constant 0 : i32
    %c0_i32_0 = arith.constant 0 : i32
    return %arg0, %c0_i32 : i32, i32
  }
}

module attributes {stable_mosaic.version = 14 : i64} {
  func.func @_pos_body(%arg0: memref<8x10240xf32, #tpu.memory_space<vmem>>, %arg1: memref<32x8x10240xf32, #tpu.memory_space<vmem>>, %arg2: memref<8x10240xf32, #tpu.memory_space<vmem>>) attributes {dimension_semantics = [], scalar_prefetch = 0 : i64, scratch_operands = 0 : i64, tpu.core_type = #tpu.core_type<tc>} {
    %get3A = arith.constant 0 : index
    %get3A_0 = arith.constant 0 : index
    %get3A_1 = vector.load %arg0[%get3A, %get3A_0] : memref<8x10240xf32, #tpu.memory_space<vmem>>, vector<8x10240xf32>
    %get3A_2 = arith.constant 0 : index
    %get3A_3 = arith.constant 0 : index
    %get3A_4 = arith.constant 0 : index
    %get3A_5 = vector.load %arg1[%get3A_2, %get3A_3, %get3A_4] : memref<32x8x10240xf32, #tpu.memory_space<vmem>>, vector<32x8x10240xf32>
    %reduce_sum3A = arith.constant dense<0.000000e+00> : vector<8x10240xf32>
    %reduce_sum3A_6 = vector.multi_reduction <add>, %get3A_5, %reduce_sum3A [0] : vector<32x8x10240xf32> to vector<8x10240xf32>
    %add3A = arith.addf %get3A_1, %reduce_sum3A_6 : vector<8x10240xf32>
    %swap3A = arith.constant 0 : index
    %swap3A_7 = arith.constant 0 : index
    %swap3A_8 = vector.load %arg2[%swap3A, %swap3A_7] : memref<8x10240xf32, #tpu.memory_space<vmem>>, vector<8x10240xf32>
    tpu.vector_store %arg2[%swap3A, %swap3A_7], %add3A {strides = array<i32>} : memref<8x10240xf32, #tpu.memory_space<vmem>>, vector<8x10240xf32>,
    return
  }
}

module attributes {stable_mosaic.version = 14 : i64} {
  func.func @_node_body(%arg0: i32, %arg1: memref<2000x128xf32, #tpu.memory_space<vmem>>, %arg2: memref<2000x128xf32, #tpu.memory_space<vmem>>, %arg3: memref<1x2000x128xf32, #tpu.memory_space<vmem>>, %arg4: memref<1x2000x128xf32, #tpu.memory_space<vmem>>, %arg5: memref<128x128xf32, #tpu.memory_space<vmem>>, %arg6: memref<128x128xf32, #tpu.memory_space<vmem>>, %arg7: memref<128x128xf32, #tpu.memory_space<vmem>>, %arg8: memref<1x128xf32, #tpu.memory_space<vmem>>, %arg9: memref<128x128xf32, #tpu.memory_space<vmem>>, %arg10: memref<1x128xf32, #tpu.memory_space<vmem>>, %arg11: memref<1x128xf32, #tpu.memory_space<vmem>>, %arg12: memref<1x128xf32, #tpu.memory_space<vmem>>, %arg13: memref<2000x128xf32, #tpu.memory_space<vmem>>) attributes {dimension_semantics = [#tpu.dimension_semantics<arbitrary>], iteration_bounds = array<i64: 5>, scalar_prefetch = 0 : i64, scratch_operands = 0 : i64, tpu.core_type = #tpu.core_type<tc>, window_params = [{transform_indices = @transform_0, window_bounds = array<i64: 2000, 128>}, {transform_indices = @transform_1, window_bounds = array<i64: 2000, 128>}, {transform_indices = @transform_2, window_bounds = array<i64: 1, 2000, 128>}, {transform_indices = @transform_3, window_bounds = array<i64: 1, 2000, 128>}, {pipeline_mode = #tpu.pipeline_mode<synchronous>, transform_indices = @transform_4, window_bounds = array<i64: 128, 128>}, {pipeline_mode = #tpu.pipeline_mode<synchronous>, transform_indices = @transform_5, window_bounds = array<i64: 128, 128>}, {pipeline_mode = #tpu.pipeline_mode<synchronous>, transform_indices = @transform_6, window_bounds = array<i64: 128, 128>}, {pipeline_mode = #tpu.pipeline_mode<synchronous>, transform_indices = @transform_7, window_bounds = array<i64: 1, 128>}, {pipeline_mode = #tpu.pipeline_mode<synchronous>, transform_indices = @transform_8, window_bounds = array<i64: 128, 128>}, {pipeline_mode = #tpu.pipeline_mode<synchronous>, transform_indices = @transform_9, window_bounds = array<i64: 1, 128>}, {pipeline_mode = #tpu.pipeline_mode<synchronous>, transform_indices = @transform_10, window_bounds = array<i64: 1, 128>}, {pipeline_mode = #tpu.pipeline_mode<synchronous>, transform_indices = @transform_11, window_bounds = array<i64: 1, 128>}, {transform_indices = @transform_12, window_bounds = array<i64: 2000, 128>}]} {
    %get3A = arith.constant 0 : index
    %get3A_0 = arith.constant 0 : index
    %get3A_1 = arith.constant 0 : index
    %get3A_2 = vector.load %arg3[%get3A, %get3A_0, %get3A_1] : memref<1x2000x128xf32, #tpu.memory_space<vmem>>, vector<1x2000x128xf32>
    %get3A_3 = vector.shape_cast %get3A_2 : vector<1x2000x128xf32> to vector<2000x128xf32>
    %get3A_4 = arith.constant 0 : index
    %get3A_5 = arith.constant 0 : index
    %get3A_6 = arith.constant 0 : index
    %get3A_7 = vector.load %arg4[%get3A_4, %get3A_5, %get3A_6] : memref<1x2000x128xf32, #tpu.memory_space<vmem>>, vector<1x2000x128xf32>
    %get3A_8 = vector.shape_cast %get3A_7 : vector<1x2000x128xf32> to vector<2000x128xf32>
    %add3A = arith.addf %get3A_3, %get3A_8 : vector<2000x128xf32>
    %get3A_9 = arith.constant 0 : index
    %get3A_10 = arith.constant 0 : index
    %get3A_11 = vector.load %arg1[%get3A_9, %get3A_10] : memref<2000x128xf32, #tpu.memory_space<vmem>>, vector<2000x128xf32>
    %get3A_12 = arith.constant 0 : index
    %get3A_13 = arith.constant 0 : index
    %get3A_14 = vector.load %arg5[%get3A_12, %get3A_13] : memref<128x128xf32, #tpu.memory_space<vmem>>, vector<128x128xf32>
    %dot_general3A = arith.constant dense<0.000000e+00> : vector<2000x128xf32>
    %dot_general3A_15 = tpu.matmul %get3A_11, %get3A_14, %dot_general3A {dimension_numbers = #tpu.dot_dimension_numbers<[1], [0], [0], [1], [0, 0, 1, 1], [], []>, transpose_lhs_hint = false} : vector<2000x128xf32>, vector<128x128xf32>, vector<2000x128xf32> -> vector<2000x128xf32>
    %get3A_16 = arith.constant 0 : index
    %get3A_17 = arith.constant 0 : index
    %get3A_18 = vector.load %arg6[%get3A_16, %get3A_17] : memref<128x128xf32, #tpu.memory_space<vmem>>, vector<128x128xf32>
    %dot_general3A_19 = arith.constant dense<0.000000e+00> : vector<2000x128xf32>
    %dot_general3A_20 = tpu.matmul %add3A, %get3A_18, %dot_general3A_19 {dimension_numbers = #tpu.dot_dimension_numbers<[1], [0], [0], [1], [0, 0, 1, 1], [], []>, transpose_lhs_hint = false} : vector<2000x128xf32>, vector<128x128xf32>, vector<2000x128xf32> -> vector<2000x128xf32>
    %add3A_21 = arith.addf %dot_general3A_15, %dot_general3A_20 : vector<2000x128xf32>
    %get3A_22 = arith.constant 0 : index
    %get3A_23 = arith.constant 0 : index
    %get3A_24 = vector.load %arg2[%get3A_22, %get3A_23] : memref<2000x128xf32, #tpu.memory_space<vmem>>, vector<2000x128xf32>
    %get3A_25 = arith.constant 0 : index
    %get3A_26 = arith.constant 0 : index
    %get3A_27 = vector.load %arg7[%get3A_25, %get3A_26] : memref<128x128xf32, #tpu.memory_space<vmem>>, vector<128x128xf32>
    %dot_general3A_28 = arith.constant dense<0.000000e+00> : vector<2000x128xf32>
    %dot_general3A_29 = tpu.matmul %get3A_24, %get3A_27, %dot_general3A_28 {dimension_numbers = #tpu.dot_dimension_numbers<[1], [0], [0], [1], [0, 0, 1, 1], [], []>, transpose_lhs_hint = false} : vector<2000x128xf32>, vector<128x128xf32>, vector<2000x128xf32> -> vector<2000x128xf32>
    %add3A_30 = arith.addf %add3A_21, %dot_general3A_29 : vector<2000x128xf32>
    %get3A_31 = arith.constant 0 : index
    %get3A_32 = arith.constant 0 : index
    %get3A_33 = vector.load %arg8[%get3A_31, %get3A_32] : memref<1x128xf32, #tpu.memory_space<vmem>>, vector<1x128xf32>
    %add3A_34 = vector.broadcast %get3A_33 : vector<1x128xf32> to vector<2000x128xf32>
    %add3A_35 = arith.addf %add3A_30, %add3A_34 : vector<2000x128xf32>
    %neg3A = arith.constant 0.000000e+00 : f32
    %neg3A_36 = vector.broadcast %neg3A : f32 to vector<2000x128xf32>
    %neg3A_37 = arith.subf %neg3A_36, %add3A_35 : vector<2000x128xf32>
    %exp3A = math.exp %neg3A_37 : vector<2000x128xf32>
    %add3A_38 = arith.constant 1.000000e+00 : f32
    %add3A_39 = vector.broadcast %add3A_38 : f32 to vector<2000x128xf32>
    %add3A_40 = arith.addf %add3A_39, %exp3A : vector<2000x128xf32>
    %div3A = arith.divf %add3A_35, %add3A_40 : vector<2000x128xf32>
    %get3A_41 = arith.constant 0 : index
    %get3A_42 = arith.constant 0 : index
    %get3A_43 = vector.load %arg9[%get3A_41, %get3A_42] : memref<128x128xf32, #tpu.memory_space<vmem>>, vector<128x128xf32>
    %dot_general3A_44 = arith.constant dense<0.000000e+00> : vector<2000x128xf32>
    %dot_general3A_45 = tpu.matmul %div3A, %get3A_43, %dot_general3A_44 {dimension_numbers = #tpu.dot_dimension_numbers<[1], [0], [0], [1], [0, 0, 1, 1], [], []>, transpose_lhs_hint = false} : vector<2000x128xf32>, vector<128x128xf32>, vector<2000x128xf32> -> vector<2000x128xf32>
    %add3A_46 = arith.addf %get3A_11, %dot_general3A_45 : vector<2000x128xf32>
    %get3A_47 = arith.constant 0 : index
    %get3A_48 = arith.constant 0 : index
    %get3A_49 = vector.load %arg10[%get3A_47, %get3A_48] : memref<1x128xf32, #tpu.memory_space<vmem>>, vector<1x128xf32>
    %add3A_50 = vector.broadcast %get3A_49 : vector<1x128xf32> to vector<2000x128xf32>
    %add3A_51 = arith.addf %add3A_46, %add3A_50 : vector<2000x128xf32>
    %reduce_sum3A = arith.constant dense<0.000000e+00> : vector<2000xf32>
    %reduce_sum3A_52 = vector.multi_reduction <add>, %add3A_51, %reduce_sum3A [1] : vector<2000x128xf32> to vector<2000xf32>
    %broadcast_in_dim3A = vector.shape_cast %reduce_sum3A_52 : vector<2000xf32> to vector<2000x1xf32>
    %div3A_53 = arith.constant 1.280000e+02 : f32
    %div3A_54 = vector.broadcast %div3A_53 : f32 to vector<2000x1xf32>
    %div3A_55 = arith.divf %broadcast_in_dim3A, %div3A_54 : vector<2000x1xf32>
    %sub3A = vector.broadcast %div3A_55 : vector<2000x1xf32> to vector<2000x128xf32>
    %sub3A_56 = arith.subf %add3A_51, %sub3A : vector<2000x128xf32>
    %integer_pow3A = arith.mulf %sub3A_56, %sub3A_56 : vector<2000x128xf32>
    %reduce_sum3A_57 = arith.constant dense<0.000000e+00> : vector<2000xf32>
    %reduce_sum3A_58 = vector.multi_reduction <add>, %integer_pow3A, %reduce_sum3A_57 [1] : vector<2000x128xf32> to vector<2000xf32>
    %broadcast_in_dim3A_59 = vector.shape_cast %reduce_sum3A_58 : vector<2000xf32> to vector<2000x1xf32>
    %div3A_60 = arith.constant 1.280000e+02 : f32
    %div3A_61 = vector.broadcast %div3A_60 : f32 to vector<2000x1xf32>
    %div3A_62 = arith.divf %broadcast_in_dim3A_59, %div3A_61 : vector<2000x1xf32>
    %sub3A_63 = vector.broadcast %div3A_55 : vector<2000x1xf32> to vector<2000x128xf32>
    %sub3A_64 = arith.subf %add3A_51, %sub3A_63 : vector<2000x128xf32>
    %add3A_65 = arith.constant 9.99999974E-6 : f32
    %add3A_66 = vector.broadcast %add3A_65 : f32 to vector<2000x1xf32>
    %add3A_67 = arith.addf %div3A_62, %add3A_66 : vector<2000x1xf32>
    %rsqrt3A = math.rsqrt %add3A_67 : vector<2000x1xf32>
    %mul3A = vector.broadcast %rsqrt3A : vector<2000x1xf32> to vector<2000x128xf32>
    %mul3A_68 = arith.mulf %sub3A_64, %mul3A : vector<2000x128xf32>
    %get3A_69 = arith.constant 0 : index
    %get3A_70 = arith.constant 0 : index
    %get3A_71 = vector.load %arg11[%get3A_69, %get3A_70] : memref<1x128xf32, #tpu.memory_space<vmem>>, vector<1x128xf32>
    %mul3A_72 = vector.broadcast %get3A_71 : vector<1x128xf32> to vector<2000x128xf32>
    %mul3A_73 = arith.mulf %mul3A_68, %mul3A_72 : vector<2000x128xf32>
    %get3A_74 = arith.constant 0 : index
    %get3A_75 = arith.constant 0 : index
    %get3A_76 = vector.load %arg12[%get3A_74, %get3A_75] : memref<1x128xf32, #tpu.memory_space<vmem>>, vector<1x128xf32>
    %add3A_77 = vector.broadcast %get3A_76 : vector<1x128xf32> to vector<2000x128xf32>
    %add3A_78 = arith.addf %mul3A_73, %add3A_77 : vector<2000x128xf32>
    %swap3A = arith.constant 0 : index
    %swap3A_79 = arith.constant 0 : index
    %swap3A_80 = vector.load %arg13[%swap3A, %swap3A_79] : memref<2000x128xf32, #tpu.memory_space<vmem>>, vector<2000x128xf32>
    tpu.vector_store %arg13[%swap3A, %swap3A_79], %add3A_78 {strides = array<i32>} : memref<2000x128xf32, #tpu.memory_space<vmem>>, vector<2000x128xf32>,
    return
  }
  func.func @transform_0(%arg0: i32) -> (i32, i32) {
    %c0_i32 = arith.constant 0 : i32
    %c0_i32_0 = arith.constant 0 : i32
    return %arg0, %c0_i32 : i32, i32
  }
  func.func @transform_1(%arg0: i32) -> (i32, i32) {
    %c0_i32 = arith.constant 0 : i32
    %c0_i32_0 = arith.constant 0 : i32
    return %arg0, %c0_i32 : i32, i32
  }
  func.func @transform_2(%arg0: i32) -> (i32, i32, i32) {
    %c0_i32 = arith.constant 0 : i32
    %c0_i32_0 = arith.constant 0 : i32
    %c0_i32_1 = arith.constant 0 : i32
    return %c0_i32, %arg0, %c0_i32_0 : i32, i32, i32
  }
  func.func @transform_3(%arg0: i32) -> (i32, i32, i32) {
    %c1_i32 = arith.constant 1 : i32
    %c0_i32 = arith.constant 0 : i32
    %c0_i32_0 = arith.constant 0 : i32
    return %c1_i32, %arg0, %c0_i32 : i32, i32, i32
  }
  func.func @transform_4(%arg0: i32) -> (i32, i32) {
    %c0_i32 = arith.constant 0 : i32
    %c0_i32_0 = arith.constant 0 : i32
    %c0_i32_1 = arith.constant 0 : i32
    return %c0_i32, %c0_i32_0 : i32, i32
  }
  func.func @transform_5(%arg0: i32) -> (i32, i32) {
    %c0_i32 = arith.constant 0 : i32
    %c0_i32_0 = arith.constant 0 : i32
    %c0_i32_1 = arith.constant 0 : i32
    return %c0_i32, %c0_i32_0 : i32, i32
  }
  func.func @transform_6(%arg0: i32) -> (i32, i32) {
    %c0_i32 = arith.constant 0 : i32
    %c0_i32_0 = arith.constant 0 : i32
    %c0_i32_1 = arith.constant 0 : i32
    return %c0_i32, %c0_i32_0 : i32, i32
  }
  func.func @transform_7(%arg0: i32) -> (i32, i32) {
    %c0_i32 = arith.constant 0 : i32
    %c0_i32_0 = arith.constant 0 : i32
    %c0_i32_1 = arith.constant 0 : i32
    return %c0_i32, %c0_i32_0 : i32, i32
  }
  func.func @transform_8(%arg0: i32) -> (i32, i32) {
    %c0_i32 = arith.constant 0 : i32
    %c0_i32_0 = arith.constant 0 : i32
    %c0_i32_1 = arith.constant 0 : i32
    return %c0_i32, %c0_i32_0 : i32, i32
  }
  func.func @transform_9(%arg0: i32) -> (i32, i32) {
    %c0_i32 = arith.constant 0 : i32
    %c0_i32_0 = arith.constant 0 : i32
    %c0_i32_1 = arith.constant 0 : i32
    return %c0_i32, %c0_i32_0 : i32, i32
  }
  func.func @transform_10(%arg0: i32) -> (i32, i32) {
    %c0_i32 = arith.constant 0 : i32
    %c0_i32_0 = arith.constant 0 : i32
    %c0_i32_1 = arith.constant 0 : i32
    return %c0_i32, %c0_i32_0 : i32, i32
  }
  func.func @transform_11(%arg0: i32) -> (i32, i32) {
    %c0_i32 = arith.constant 0 : i32
    %c0_i32_0 = arith.constant 0 : i32
    %c0_i32_1 = arith.constant 0 : i32
    return %c0_i32, %c0_i32_0 : i32, i32
  }
  func.func @transform_12(%arg0: i32) -> (i32, i32) {
    %c0_i32 = arith.constant 0 : i32
    %c0_i32_0 = arith.constant 0 : i32
    return %arg0, %c0_i32 : i32, i32
  }
}

</mosaic_0001>

<sc_bundles>
// kernel: kernel.12.cloned.1.call-start
scs
__scs_entry_jumppad:
0x0: {  	(pc) =	sbr.rel $0x88, $3  }
0x1: {  	(tag) =	ssettag $0x0;
	lr =	simm.s32 $0x1  }
0x2: {  	[smem:$0x3F90] =	sst lr;
	_ =	strace $0xD0000000  }
0x3: {  	_ = 	snop  }
0x4: {  	_ = 	snop  }
0x5: {  	_ = 	snop  }
0x6: {  	_ = 	snop  }
0x7: {  	_ = 	snop  }
__scs_overlays_trampoline_lowered:
0x8: {  	[smem:$0x3F9F] =	sst s0  }
0x9: {  	[smem:$0x3FA0] =	sst s1  }
0xa: {  	[smem:$0x3FA1] =	sst s2  }
0xb: {  	[smem:$0x3FA2] =	sst s3  }
0xc: {  	[smem:$0x3FA3] =	sst s4  }
0xd: {  	[smem:$0x3FA4] =	sst s5  }
0xe: {  	[smem:$0x3FA5] =	sst s6  }
0xf: {  	[smem:$0x3FA6] =	sst s7  }
0x10: {  	[smem:$0x3FA7] =	sst s8  }
0x11: {  	[smem:$0x3FA8] =	sst s9;
	s0 =	simm.s32 @!p0 $0x0  }
0x12: {  	s1 =	sld [smem:$0x3F8E];
	s0 =	simm.s32 @p0 $0x1  }
0x13: {  	[smem:$0x3FA9] =	sst s0;
	s0 =	simm.s32 @!p1 $0x0  }
0x14: {  	s2 =	sld [smem:$0x3F8D];
	s0 =	simm.s32 @p1 $0x1  }
0x15: {  	[smem:$0x3FAA] =	sst s0;
	s0 =	simm.s32 @!p2 $0x0  }
0x16: {  	s3 =	sld [smem:$0x3FDB];
	s0 =	simm.s32 @p2 $0x1  }
0x17: {  	s4 =	simm.s32 $0x1BF5;
	[smem:$0x3FAC] =	sst s0  }
0x18: {  	s0 =	sld [smem:$0x3F8F];
	_ =	swait.ge [sflag:s4], $0x0  }
0x19: {  	s7 =	sld [smem:$0x3F90]  }
0x1a: {  	s8 =	sadd.s32 $0xFFFFE003, lr  }
0x1b: {  	s9 =	sadd.s32 $0xFFFFFEF7, lr;
	s5 =	simm.s32 $0xFFFFFFFF;
	p2 =	slt.u32 s8, $0xFFFFF086  }
0x1c: {  	p1 =	slt.u32 s9, $0xF7A;
	s5 =	simm.s32 @!p2 $0x0  }
0x1d: {  	s5 =	simm.s32 @p1 $0x1;
	p0 =	seq.s32 s7, s2  }
0x1e: {  	s7 =	smul.u32 @!p0 $0xF7A, s2;
	p2 =	seq.s32 @!p0 s5, $0x0  }
0x1f: {  	s9 =	smul.u32 $0xF7A, s1;
	s8 =	simm.s32 @!p0 $0x1BF5;
	p2 =	por !p2, p0  }
0x20: {  	[sflag:s8] =	ssyncset.s32 @!p0 $0xFFFFF086;
	s6 =	sadd.s32 @!p0 s3, s7;
	s7 =	simm.s32 @!p0 $0x108  }
0x21: {  	s3 =	sadd.s32 s3, s9;
	s6 =	sadd.s32 @!p0 $0x88, s6;
	s7 =	simm.s32 @p2 $0x1082  }
0x22: {  	[simem:s7], [sflag:s8] =	dma.local @!p0 [hbm:s6], $0xF7A  }
0x23: {  	s9 =	sor.u32 $0xD0000000, s2;
	s6 =	simm.s32 $0x108;
	_ =	swait.ge @!p0 [sflag:s8], $0x0  }
0x24: {  	s3 =	sadd.s32 $0x88, s3;
	s6 =	simm.s32 @!p1 $0x1082;
	[sflag:s4] =	ssyncset.s32 $0xFFFFF086  }
0x25: {  	[simem:s6], [sflag:s4] =	dma.local [hbm:s3], $0xF7A  }
0x26: {  	[smem:$0x3F90] =	sst s1;
	(tag) =	ssettag s2;
	_ =	strace s9  }
0x27: {  	s1 =	sld [smem:$0x3FA0]  }
0x28: {  	s2 =	sld [smem:$0x3FA1]  }
0x29: {  	s4 =	sld [smem:$0x3FA3]  }
0x2a: {  	p0 =	seq.s32 s5, $0x0;
	s5 =	sld [smem:$0x3FA4]  }
0x2b: {  	s6 =	sld [smem:$0x3FA5]  }
0x2c: {  	s7 =	sld [smem:$0x3FA6]  }
0x2d: {  	s3 =	simm.s32 $0x108;
	s8 =	sld [smem:$0x3FA7]  }
0x2e: {  	s3 =	simm.s32 @!p0 $0x1082;
	s9 =	sld [smem:$0x3FA8]  }
0x2f: {  	lr =	sadd.s32 s0, s3;
	s0 =	sld [smem:$0x3F9F]  }
0x30: {  	s3 =	sld [smem:$0x3FA2]  }
0x31: {  	[smem:$0x3FAB] =	sst s10  }
0x32: {  	s10 =	sld [smem:$0x3FA9];
	_ =	sdelay $0x3  }
0x33: {  	p0 =	seq.s32 s10, $0x1;
	s10 =	sld [smem:$0x3FAB];
	_ =	sdelay $0x3  }
0x34: {  	[smem:$0x3FAB] =	sst s10  }
0x35: {  	s10 =	sld [smem:$0x3FAA];
	_ =	sdelay $0x3  }
0x36: {  	p1 =	seq.s32 s10, $0x1;
	s10 =	sld [smem:$0x3FAB];
	_ =	sdelay $0x3  }
0x37: {  	[smem:$0x3FAB] =	sst s10  }
0x38: {  	s10 =	sld [smem:$0x3FAC]  }
0x39: {  	_ = 	snop;
	(pc) =	sbr.ind lr, $3  }
0x3a: {  	_ = 	snop  }
0x3b: {  	_ = 	snop  }
0x3c: {  	p2 =	seq.s32 s10, $0x1;
	s10 =	sld [smem:$0x3FAB]  }
0x3d: {  	_ =	shalt  }
0x3e: {  	_ =	shalt  }
0x3f: {  	_ =	shalt  }
0x40: {  	_ =	shalt  }
0x41: {  	_ =	shalt  }
0x42: {  	_ =	shalt  }
0x43: {  	_ =	shalt  }
0x44: {  	_ =	shalt  }
0x45: {  	_ =	shalt  }
0x46: {  	_ =	shalt  }
0x47: {  	_ =	shalt  }
0x48: {  	_ =	shalt  }
0x49: {  	_ =	shalt  }
0x4a: {  	_ =	shalt  }
0x4b: {  	_ =	shalt  }
0x4c: {  	_ =	shalt  }
0x4d: {  	_ =	shalt  }
0x4e: {  	_ =	shalt  }
0x4f: {  	_ =	shalt  }
0x50: {  	_ =	shalt  }
0x51: {  	_ =	shalt  }
0x52: {  	_ =	shalt  }
0x53: {  	_ =	shalt  }
0x54: {  	_ =	shalt  }
0x55: {  	_ =	shalt  }
0x56: {  	_ =	shalt  }
0x57: {  	_ =	shalt  }
0x58: {  	_ =	shalt  }
0x59: {  	_ =	shalt  }
0x5a: {  	_ =	shalt  }
0x5b: {  	_ =	shalt  }
0x5c: {  	_ =	shalt  }
0x5d: {  	_ =	shalt  }
0x5e: {  	_ =	shalt  }
0x5f: {  	_ =	shalt  }
0x60: {  	_ =	shalt  }
0x61: {  	_ =	shalt  }
0x62: {  	_ =	shalt  }
0x63: {  	_ =	shalt  }
0x64: {  	_ =	shalt  }
0x65: {  	_ =	shalt  }
0x66: {  	_ =	shalt  }
0x67: {  	_ =	shalt  }
0x68: {  	_ =	shalt  }
0x69: {  	_ =	shalt  }
0x6a: {  	_ =	shalt  }
0x6b: {  	_ =	shalt  }
0x6c: {  	_ =	shalt  }
0x6d: {  	_ =	shalt  }
0x6e: {  	_ =	shalt  }
0x6f: {  	_ =	shalt  }
0x70: {  	_ =	shalt  }
0x71: {  	_ =	shalt  }
0x72: {  	_ =	shalt  }
0x73: {  	_ =	shalt  }
0x74: {  	_ =	shalt  }
0x75: {  	_ =	shalt  }
0x76: {  	_ =	shalt  }
0x77: {  	_ =	shalt  }
0x78: {  	_ =	shalt  }
0x79: {  	_ =	shalt  }
0x7a: {  	_ =	shalt  }
0x7b: {  	_ =	shalt  }
0x7c: {  	_ =	shalt  }
0x7d: {  	_ =	shalt  }
0x7e: {  	_ =	shalt  }
0x7f: {  	_ =	shalt  }
0x80: {  	_ =	shalt  }
0x81: {  	_ =	shalt  }
0x82: {  	_ =	shalt  }
0x83: {  	_ =	shalt  }
0x84: {  	_ =	shalt  }
0x85: {  	_ =	shalt  }
0x86: {  	_ =	shalt  }
0x87: {  	_ =	shalt  }
.Lfunc_end0:
.L_simem_size_0:
called_computation.1_lowered:
.L_overlay_start_0:
0x88: {  	s2 =	sld [smem:$0x3FD9]  }
0x89: {  	s3 =	sld [smem:$0x3FFE];
	_ =	sdelay $0x1  }
0x8a: {  	s1 =	srdreg.scid  }
0x8b: {  	s0 =	sand.u32 $0x1, s1  }
0x8c: {  	s15 =	sshll.u32 s0, $0xA;
	s2 =	sadd.s32 s3, s2  }
0x8d: {  	s2 =	sadd.s32 s2, s15  }
0x8e: {  	[smem:$0x3FB7] =	sst s2  }
0x8f: {  	_ = 	snop  }
0x90: {  	s2 =	sld [smem:$0x3FD0];
	_ =	sdelay $0x2  }
0x91: {  	s16 =	simm.s32 $0xB;
	s4 =	simm.s32 $0x10  }
0x92: {  	[smem:s4], [sflag:s16] =	dma.local [hbm:s2], $0x1  }
0x93: {  	_ =	swait.eq [sflag:s16], $0x1  }
0x94: {  	[sflag:s16] =	ssyncset.done $0x0  }
0x95: {  	[sflag:s16] =	ssyncadd.s32 $0xFFFFFFFF  }
0x96: {  	s17 =	sld [smem:$0x10];
	(tm) =	ssettm $0x1  }
0x97: {  	s18 =	sld [smem:$0x3FFB];
	_ =	sdelay $0x3  }
0x98: {  	_ =	strace s18  }
0x99: {  	s2 =	sld [smem:$0x3FFC];
	_ =	sdelay $0x3  }
0x9a: {  	_ =	strace s2  }
0x9b: {  	s2 =	sld [smem:$0x3FFD];
	_ =	sdelay $0x3  }
0x9c: {  	_ =	strace s2  }
0x9d: {  	_ =	strace $0x8FFFFFFF  }
0x9e: {  	s19 =	sld [smem:$0x3FDB];
	_ =	sdelay $0x1  }
0x9f: {  	s20 =	simm.s32 $_scs_section_size  }
0xa0: {  	s5 =	simm.s32 $_size__tile_overlayer_lowered;
	s6 =	simm.s32 $_tile_overlayer_lowered  }
0xa1: {  	s7 =	simm.s32 $0x1BFF;
	s21 =	sshll.u32 s6, $0x1;
	s4 =	sadd.s32 s20, s19  }
0xa2: {  	s22 =	simm.s32 $0x0;
	s5 =	sshll.u32 s5, $0x1;
	s6 =	sadd.s32 s21, s4  }
0xa3: {  	[timem:s22], [sflag:s7] =	dma.local [hbm:s6], s5  }
0xa4: {  	_ =	swait.ge [sflag:s7], s5  }
0xa5: {  	s5 =	ssub.s32 $0x0, s5;
	[sflag:s7] =	ssyncset.done $0x0  }
0xa6: {  	[sflag:s7] =	ssyncadd.s32 s5;
	_ =	sdelay $0x1  }
0xa7: {  	s23 =	simm.s32 $0x1B8B  }
0xa8: {  	_ =	swait.ge [sflag:s23], $0x1  }
0xa9: {  	[sflag:s23] =	ssyncset.done $0x0  }
0xaa: {  	[sflag:s23] =	ssyncadd.s32 $0xFFFFFFFF  }
0xab: {  	s5 =	sld [smem:$0x0]  }
0xac: {  	s6 =	sand.u32 $0xFFFFFFFE, s1  }
0xad: {  	p0 =	sne.s32 s1, s6  }
0xae: {  	s6 =	sshll.u32 @p0 s6, $0xE  }
0xaf: {  	s6 =	sadd.s32 @p0 $0x11B8D, s6;
	s7 =	sshll.u32 @p0 s5, $0x11  }
0xb0: {  	s6 =	sor.u32 @p0 s7, s6  }
0xb1: {  	[sflag:s6] =	ssyncadd.remote.s32 @p0 $0x1;
	_ =	sdelay $0x1  }
0xb2: {  	s6 =	simm.s32 @p0 $0x1B8D  }
0xb3: {  	_ =	swait.eq @p0 [sflag:s6], $0x1  }
0xb4: {  	[sflag:s6] =	ssyncadd.s32 @p0 $0xFFFFFFFF  }
0xb5: {  	s7 =	sshll.u32 @!p0 s1, $0xE  }
0xb6: {  	s7 =	sor.u32 @!p0 $0x4000, s7;
	s6 =	simm.s32 @!p0 $0x1B8D  }
0xb7: {  	s5 =	sshll.u32 @!p0 s5, $0x11;
	s7 =	sadd.s32 @!p0 $0x11B8D, s7;
	_ =	swait.eq @!p0 [sflag:s6], $0x1  }
0xb8: {  	s5 =	sor.u32 @!p0 s5, s7;
	[sflag:s6] =	ssyncadd.s32 @!p0 $0xFFFFFFFF  }
0xb9: {  	s25 =	simm.s32 $0x1B8E;
	s24 =	sld [smem:$0x3FFE];
	[sflag:s5] =	ssyncadd.remote.s32 @!p0 $0x1  }
0xba: {  	s26 =	simm.s32 $execute0_lowered;
	[smem:$0x3FD2] =	sst s25  }
0xbb: {  	s6 =	sshll.u32 s26, $0x1;
	_ =	strace $0x8000004C;
	[dreg:$0x1] =	wrdreg $0xFFFFFFFF  }
0xbc: {  	s28 =	simm.s32 $_size_execute0_lowered;
	s4 =	sadd.s32 s4, s6;
	[dreg:$0x0] =	wrdreg $0x0  }
0xbd: {  	s6 =	sshll.u32 s28, $0x1;
	[dreg:$0x2] =	wrdreg s4  }
0xbe: {  	[dreg:$0x3] =	wrdreg s6  }
0xbf: {  	[dreg:$0x4] =	wrdreg $0xC0  }
0xc0: {  	_ =	task [dreg:s22], $0x5FFFF  }
0xc1: {  	[dreg:$0x1] =	wrdreg $0xFFFFFFFF  }
0xc2: {  	[dreg:$0x0] =	wrdreg $0x60  }
0xc3: {  	[dreg:$0x2] =	wrdreg s17  }
0xc4: {  	[dreg:$0x3] =	wrdreg s24  }
0xc5: {  	[dreg:$0x4] =	wrdreg $0x0  }
0xc6: {  	[dreg:$0x5] =	wrdreg $0x9  }
0xc7: {  	_ =	task.clear_ibuf [dreg:s22], $0x6FFFF;
	_ =	strace $0x9000004C  }
0xc8: {  	s29 =	simm.s32 $0x9;
	_ =	strace $0x8000004E  }
0xc9: {  	_ =	swait.ge [sflag:s29], $0x1  }
0xca: {  	[sflag:s29] =	ssyncadd.s32 $0xFFFFFFFF  }
0xcb: {  	_ =	strace $0x9000004E  }
0xcc: {  	_ =	sfence  }
0xcd: {  	s30 =	sld [smem:$0x0];
	_ =	sdelay $0x2  }
0xce: {  	s31 =	sshll.u32 s1, $0xD;
	s1 =	sshrl.u32 s1, $0x2  }
0xcf: {  	s4 =	sand.u32 $0x4000, s31;
	s1 =	sadd.s32 s1, s30  }
0xd0: {  	s0 =	sor.u32 s4, s0;
	s1 =	sshll.u32 s1, $0x11  }
0xd1: {  	s0 =	sor.u32 s1, s0  }
0xd2: {  	s0 =	sadd.s32 $0x8F2B, s0  }
0xd3: {  	[sflag:s0] =	ssyncadd.remote.s32 $0x1  }
0xd4: {  	_ =	sfence.sel $0xFFFF  }
0xd5: {  	[dreg:$0x0] =	wrdreg $0xFFFFFFFF;
	(pc) =	sbr.abs _section_cstart, $3  }
0xd6: {  	[dreg:$0x1] =	wrdreg $0xFFFFFFFF  }
0xd7: {  	_ =	task.clear_ibuf [dreg:s22], $0x2FFFF;
	_ =	strace $0x9FFFFFFF  }
0xd8: {  	(tm) =	ssettm $0x7FFFFFFF  }
0xd9: {  	_ =	shalt  }
tec
execute0_lowered:
.L_overlay_start_1:
0x0: {  	(tag) =	ssettag $0x1  }
0x1: {  	s6 =	rddreg [dreg:$0x0]  }
0x2: {  	s4 =	rddreg [dreg:$0x1]  }
0x3: {  	s0 =	srdreg.scid;
	s2 =	rddreg [dreg:$0x2]  }
0x4: {  	s1 =	rddreg [dreg:$0x3];
	s5 =	sand.u32 $0x1, s0  }
0x5: {  	s0 =	stileid.u32;
	s7 =	smul.u32 $0x1400000, s5  }
0x6: {  	s3 =	simm.s32 $0x0;
	s13 =	simm.s32 $0x19000;
	s8 =	smul.u32 $0x140000, s0  }
0x7: {  	s14 =	simm.s32 $0x40;
	[smem:$0x7FF] =	sst s3;
	s9 =	smul.u32 $0x14000, s0  }
0x8: {  	s15 =	simm.s32 $0x0;
	s23 =	smul.u32 $0x140000, s5;
	_ =	strace $0x8000004D  }
0x9: {  	s25 =	sshll.u32 s5, $0x4;
	s26 =	smul.u32 $0x50000, s0;
	s28 =	ssub.s32 $0x2, s5  }
0xa: {  	s31 =	sshll.u32 s0, $0x6;
	s29 =	sor.u32 s0, s25;
	s30 =	sshrl.u32 s28, $0x1  }
0xb: {  	s5 =	sor.u32 $0x1C01, s31;
	s7 =	sadd.s32 s8, s7;
	s10 =	sshrl.u32 s9, $0x3  }
0xc: {  	s8 =	sadd.s32 s9, s23;
	s12 =	smul.u32 $0xA00, s29;
	s9 =	ssub.s32 s28, s30  }
0xd: {  	s7 =	sshrl.u32 s7, $0x3;
	s24 =	sadd.s32 s10, s4;
	s8 =	sshrl.u32 s8, $0x3  }
0xe: {  	s10 =	sshrl.u32 s26, $0x2;
	s11 =	sadd.s32 s7, s4;
	s8 =	sadd.s32 s8, s4  }
0xf: {  	s10 =	sadd.s32 s10, s2;
	s4 =	sadd.s32 $0x71800, s24;
	s6 =	sadd.s32 s6, s12  }
0x10: {  	s12 =	simm.s32 $0x14000;
	s7 =	sadd.s32 $0x99800, s8;
	s8 =	smax.u32 s9, $0x1  }
0x11: {  	s9 =	sadd.s32 $0x2386400, s11;
	s10 =	sshrl.u32 s10, $0x3;
	s11 =	simm.s32 $0x1  }
.LBB2_1:
0x12: {  	[spmem:s10], [sflag:s5] =	dma.local [hbm:s4], $0x2800  }
0x13: {  	_ =	swait.ge [sflag:s11], $0x2800  }
0x14: {  	[sflag:s11] =	ssyncset.done $0x0  }
0x15: {  	[sflag:s11] =	ssyncadd.s32 $0xFFFFD800  }
0x16: {  	[tilespmem:s12], [sflag:$0x1] =	stream.linear.gather [hbm4b:s6+s3], $0x5000, $0x38;
	[tilespmem:$0x1B000] =	vst v63  }
0x17: {  	_ =	swait.ge [sflag:s11], $0x5000  }
0x18: {  	[sflag:s11] =	ssyncset.done $0x0  }
0x19: {  	[sflag:s11] =	ssyncadd.s32 $0xFFFFB000  }
0x1a: {  	[bflag:$0x0] =	sbarrier.arrive $0xFFFF  }
0x1b: {  	[tilespmem:s13], [sflag:$0x1] =	stream.linear.gather [hbm4b:s9+s3], $0x2000, $0x38;
	[tilespmem:$0x1B000] =	vst v63  }
0x1c: {  	_ =	swait.ge [sflag:s11], $0x2000  }
0x1d: {  	[sflag:s11] =	ssyncset.done $0x0  }
0x1e: {  	s16 =	simm.s32 $0x14000;
	[sflag:s11] =	ssyncadd.s32 $0xFFFFE000  }
0x1f: {  	[spmem:s2] =	stream.indirect.scatter.add.f32 [tilespmem:s13], [sflag:$0x1], $0x80, s16, s14, $0xb8;
	[tilespmem:$0x1B000] =	vst v63  }
0x20: {  	_ =	swait.ge [sflag:s11], $0x2000  }
0x21: {  	s17 =	smov.u32 s9;
	s16 =	simm.s32 $0x200;
	[sflag:s11] =	ssyncset.done $0x0  }
.LBB2_2:
0x22: {  	p0 =	sne.s32 s16, $0x13E00;
	[sflag:s11] =	ssyncadd.s32 $0xFFFFE000;
	s17 =	sadd.s32 $0x400, s17  }
0x23: {  	[tilespmem:s13], [sflag:$0x1] =	stream.linear.gather [hbm4b:s17+s3], $0x2000, $0x38;
	[tilespmem:$0x1B000] =	vst v63  }
0x24: {  	s18 =	smov.u32 s16;
	s16 =	sadd.s32 $0x200, s16;
	_ =	swait.ge [sflag:s11], $0x2000  }
.Ltmp0:
0x25: {  	s18 =	sshra.s32 s18, $0x2;
	[sflag:s11] =	ssyncset.done $0x0;
	(pc) =	sbr.rel @p0 .LBB2_2-.Ltmp0, $4  }
0x26: {  	s18 =	sadd.s32 $0x14000, s18;
	[sflag:s11] =	ssyncadd.s32 $0xFFFFE000  }
0x27: {  	[spmem:s2] =	stream.indirect.scatter.add.f32 [tilespmem:s13], [sflag:$0x1], $0x80, s18, s14, $0xb8;
	[tilespmem:$0x1B000] =	vst v63  }
0x28: {  	_ =	swait.ge [sflag:s11], $0x2000  }
0x29: {  	[sflag:s11] =	ssyncset.done $0x0  }
0x2a: {  	s15 =	sadd.s32 $0x1, s15  }
0x2b: {  	[sflag:s11] =	ssyncadd.s32 $0xFFFFE000;
	p0 =	sne.s32 s15, s8  }
.Ltmp1:
0x2c: {  	[bflag:$0x0] =	sbarrier.arrive $0xFFFF;
	(pc) =	sbr.rel @p0 .LBB2_1-.Ltmp1, $4  }
0x2d: {  	[hbm:s7], [sflag:s5] =	dma.local [spmem:s10], $0x2800  }
0x2e: {  	_ =	swait.ge [sflag:s11], $0x2800  }
0x2f: {  	[sflag:s11] =	ssyncset.done $0x0  }
0x30: {  	[sflag:s11] =	ssyncadd.s32 $0xFFFFD800  }
0x31: {  	_ =	sfence.sel $0x180000  }
0x32: {  	[bflag:$0x0] =	sbarrier.arrive $0xFFFF  }
0x33: {  	p0 =	sne.s32 s0, $0x0;
	_ =	strace $0x9000004D  }
0x34: {  	s0 =	sadd.s32 @!p0 $0x100000, s1;
	[bflag:$0x2] =	sbarrier.arrive $0xFFFF  }
0x35: {  	[sflag:s0] =	ssyncadd.tile.s32 @!p0 $0x1;
	_ =	shalt  }
.Lfunc_end2:
_tile_overlayer_lowered:
.L_overlay_start_2:
0x36: {  	(tag) =	ssettag $0x2  }
0x37: {  	s0 =	rddreg [dreg:$0x0];
	s2 =	stileid.u32  }
0x38: {  	s1 =	rddreg [dreg:$0x1];
	p0 =	sne.s32 s2, $0x0  }
0x39: {  	s3 =	rddreg [dreg:$0x2];
	[bflag:$0x3] =	sbarrier.arrive $0xFFFF;
	s2 =	simm.s32 @!p0 $0x1C01  }
0x3a: {  	[timem:s3], [sflag:s2] =	dma.local @!p0 [hbm:s0], s1  }
0x3b: {  	s0 =	simm.s32 @!p0 $0x1  }
0x3c: {  	_ =	swait.ge @!p0 [sflag:s0], s1  }
0x3d: {  	s1 =	ssub.s32 @!p0 $0x0, s1;
	[sflag:s0] =	ssyncset.done @!p0 $0x0  }
0x3e: {  	[sflag:s0] =	ssyncadd.s32 @!p0 s1  }
0x3f: {  	[bflag:$0x3] =	sbarrier.arrive $0xFFFF  }
0x40: {  	_ =	shalt  }

// kernel: kernel.15.cloned.1.call-start
scs
__scs_entry_jumppad:
0x0: {  	(pc) =	sbr.rel $0x88, $3  }
0x1: {  	(tag) =	ssettag $0x0;
	lr =	simm.s32 $0x1  }
0x2: {  	[smem:$0x3F90] =	sst lr;
	_ =	strace $0xD0000000  }
0x3: {  	_ = 	snop  }
0x4: {  	_ = 	snop  }
0x5: {  	_ = 	snop  }
0x6: {  	_ = 	snop  }
0x7: {  	_ = 	snop  }
__scs_overlays_trampoline_lowered:
0x8: {  	[smem:$0x3F9F] =	sst s0  }
0x9: {  	[smem:$0x3FA0] =	sst s1  }
0xa: {  	[smem:$0x3FA1] =	sst s2  }
0xb: {  	[smem:$0x3FA2] =	sst s3  }
0xc: {  	[smem:$0x3FA3] =	sst s4  }
0xd: {  	[smem:$0x3FA4] =	sst s5  }
0xe: {  	[smem:$0x3FA5] =	sst s6  }
0xf: {  	[smem:$0x3FA6] =	sst s7  }
0x10: {  	[smem:$0x3FA7] =	sst s8  }
0x11: {  	[smem:$0x3FA8] =	sst s9;
	s0 =	simm.s32 @!p0 $0x0  }
0x12: {  	s1 =	sld [smem:$0x3F8E];
	s0 =	simm.s32 @p0 $0x1  }
0x13: {  	[smem:$0x3FA9] =	sst s0;
	s0 =	simm.s32 @!p1 $0x0  }
0x14: {  	s2 =	sld [smem:$0x3F8D];
	s0 =	simm.s32 @p1 $0x1  }
0x15: {  	[smem:$0x3FAA] =	sst s0;
	s0 =	simm.s32 @!p2 $0x0  }
0x16: {  	s3 =	sld [smem:$0x3FDB];
	s0 =	simm.s32 @p2 $0x1  }
0x17: {  	s4 =	simm.s32 $0x1BF5;
	[smem:$0x3FAC] =	sst s0  }
0x18: {  	s0 =	sld [smem:$0x3F8F];
	_ =	swait.ge [sflag:s4], $0x0  }
0x19: {  	s7 =	sld [smem:$0x3F90]  }
0x1a: {  	s8 =	sadd.s32 $0xFFFFE003, lr  }
0x1b: {  	s9 =	sadd.s32 $0xFFFFFEF7, lr;
	s5 =	simm.s32 $0xFFFFFFFF;
	p2 =	slt.u32 s8, $0xFFFFF086  }
0x1c: {  	p1 =	slt.u32 s9, $0xF7A;
	s5 =	simm.s32 @!p2 $0x0  }
0x1d: {  	s5 =	simm.s32 @p1 $0x1;
	p0 =	seq.s32 s7, s2  }
0x1e: {  	s7 =	smul.u32 @!p0 $0xF7A, s2;
	p2 =	seq.s32 @!p0 s5, $0x0  }
0x1f: {  	s9 =	smul.u32 $0xF7A, s1;
	s8 =	simm.s32 @!p0 $0x1BF5;
	p2 =	por !p2, p0  }
0x20: {  	[sflag:s8] =	ssyncset.s32 @!p0 $0xFFFFF086;
	s6 =	sadd.s32 @!p0 s3, s7;
	s7 =	simm.s32 @!p0 $0x108  }
0x21: {  	s3 =	sadd.s32 s3, s9;
	s6 =	sadd.s32 @!p0 $0x88, s6;
	s7 =	simm.s32 @p2 $0x1082  }
0x22: {  	[simem:s7], [sflag:s8] =	dma.local @!p0 [hbm:s6], $0xF7A  }
0x23: {  	s9 =	sor.u32 $0xD0000000, s2;
	s6 =	simm.s32 $0x108;
	_ =	swait.ge @!p0 [sflag:s8], $0x0  }
0x24: {  	s3 =	sadd.s32 $0x88, s3;
	s6 =	simm.s32 @!p1 $0x1082;
	[sflag:s4] =	ssyncset.s32 $0xFFFFF086  }
0x25: {  	[simem:s6], [sflag:s4] =	dma.local [hbm:s3], $0xF7A  }
0x26: {  	[smem:$0x3F90] =	sst s1;
	(tag) =	ssettag s2;
	_ =	strace s9  }
0x27: {  	s1 =	sld [smem:$0x3FA0]  }
0x28: {  	s2 =	sld [smem:$0x3FA1]  }
0x29: {  	s4 =	sld [smem:$0x3FA3]  }
0x2a: {  	p0 =	seq.s32 s5, $0x0;
	s5 =	sld [smem:$0x3FA4]  }
0x2b: {  	s6 =	sld [smem:$0x3FA5]  }
0x2c: {  	s7 =	sld [smem:$0x3FA6]  }
0x2d: {  	s3 =	simm.s32 $0x108;
	s8 =	sld [smem:$0x3FA7]  }
0x2e: {  	s3 =	simm.s32 @!p0 $0x1082;
	s9 =	sld [smem:$0x3FA8]  }
0x2f: {  	lr =	sadd.s32 s0, s3;
	s0 =	sld [smem:$0x3F9F]  }
0x30: {  	s3 =	sld [smem:$0x3FA2]  }
0x31: {  	[smem:$0x3FAB] =	sst s10  }
0x32: {  	s10 =	sld [smem:$0x3FA9];
	_ =	sdelay $0x3  }
0x33: {  	p0 =	seq.s32 s10, $0x1;
	s10 =	sld [smem:$0x3FAB];
	_ =	sdelay $0x3  }
0x34: {  	[smem:$0x3FAB] =	sst s10  }
0x35: {  	s10 =	sld [smem:$0x3FAA];
	_ =	sdelay $0x3  }
0x36: {  	p1 =	seq.s32 s10, $0x1;
	s10 =	sld [smem:$0x3FAB];
	_ =	sdelay $0x3  }
0x37: {  	[smem:$0x3FAB] =	sst s10  }
0x38: {  	s10 =	sld [smem:$0x3FAC]  }
0x39: {  	_ = 	snop;
	(pc) =	sbr.ind lr, $3  }
0x3a: {  	_ = 	snop  }
0x3b: {  	_ = 	snop  }
0x3c: {  	p2 =	seq.s32 s10, $0x1;
	s10 =	sld [smem:$0x3FAB]  }
0x3d: {  	_ =	shalt  }
0x3e: {  	_ =	shalt  }
0x3f: {  	_ =	shalt  }
0x40: {  	_ =	shalt  }
0x41: {  	_ =	shalt  }
0x42: {  	_ =	shalt  }
0x43: {  	_ =	shalt  }
0x44: {  	_ =	shalt  }
0x45: {  	_ =	shalt  }
0x46: {  	_ =	shalt  }
0x47: {  	_ =	shalt  }
0x48: {  	_ =	shalt  }
0x49: {  	_ =	shalt  }
0x4a: {  	_ =	shalt  }
0x4b: {  	_ =	shalt  }
0x4c: {  	_ =	shalt  }
0x4d: {  	_ =	shalt  }
0x4e: {  	_ =	shalt  }
0x4f: {  	_ =	shalt  }
0x50: {  	_ =	shalt  }
0x51: {  	_ =	shalt  }
0x52: {  	_ =	shalt  }
0x53: {  	_ =	shalt  }
0x54: {  	_ =	shalt  }
0x55: {  	_ =	shalt  }
0x56: {  	_ =	shalt  }
0x57: {  	_ =	shalt  }
0x58: {  	_ =	shalt  }
0x59: {  	_ =	shalt  }
0x5a: {  	_ =	shalt  }
0x5b: {  	_ =	shalt  }
0x5c: {  	_ =	shalt  }
0x5d: {  	_ =	shalt  }
0x5e: {  	_ =	shalt  }
0x5f: {  	_ =	shalt  }
0x60: {  	_ =	shalt  }
0x61: {  	_ =	shalt  }
0x62: {  	_ =	shalt  }
0x63: {  	_ =	shalt  }
0x64: {  	_ =	shalt  }
0x65: {  	_ =	shalt  }
0x66: {  	_ =	shalt  }
0x67: {  	_ =	shalt  }
0x68: {  	_ =	shalt  }
0x69: {  	_ =	shalt  }
0x6a: {  	_ =	shalt  }
0x6b: {  	_ =	shalt  }
0x6c: {  	_ =	shalt  }
0x6d: {  	_ =	shalt  }
0x6e: {  	_ =	shalt  }
0x6f: {  	_ =	shalt  }
0x70: {  	_ =	shalt  }
0x71: {  	_ =	shalt  }
0x72: {  	_ =	shalt  }
0x73: {  	_ =	shalt  }
0x74: {  	_ =	shalt  }
0x75: {  	_ =	shalt  }
0x76: {  	_ =	shalt  }
0x77: {  	_ =	shalt  }
0x78: {  	_ =	shalt  }
0x79: {  	_ =	shalt  }
0x7a: {  	_ =	shalt  }
0x7b: {  	_ =	shalt  }
0x7c: {  	_ =	shalt  }
0x7d: {  	_ =	shalt  }
0x7e: {  	_ =	shalt  }
0x7f: {  	_ =	shalt  }
0x80: {  	_ =	shalt  }
0x81: {  	_ =	shalt  }
0x82: {  	_ =	shalt  }
0x83: {  	_ =	shalt  }
0x84: {  	_ =	shalt  }
0x85: {  	_ =	shalt  }
0x86: {  	_ =	shalt  }
0x87: {  	_ =	shalt  }
.Lfunc_end0:
.L_simem_size_0:
called_computation.2_lowered:
.L_overlay_start_0:
0x88: {  	s2 =	sld [smem:$0x3FD9]  }
0x89: {  	s3 =	sld [smem:$0x3FFE];
	_ =	sdelay $0x1  }
0x8a: {  	s1 =	srdreg.scid  }
0x8b: {  	s0 =	sand.u32 $0x1, s1  }
0x8c: {  	s14 =	sshll.u32 s0, $0xA;
	s2 =	sadd.s32 s3, s2  }
0x8d: {  	s2 =	sadd.s32 s2, s14  }
0x8e: {  	[smem:$0x3FB7] =	sst s2  }
0x8f: {  	_ = 	snop  }
0x90: {  	s2 =	sld [smem:$0x3FD0];
	_ =	sdelay $0x2  }
0x91: {  	s15 =	simm.s32 $0xB;
	s4 =	simm.s32 $0x10  }
0x92: {  	[smem:s4], [sflag:s15] =	dma.local [hbm:s2], $0x1  }
0x93: {  	_ =	swait.eq [sflag:s15], $0x1  }
0x94: {  	[sflag:s15] =	ssyncset.done $0x0  }
0x95: {  	[sflag:s15] =	ssyncadd.s32 $0xFFFFFFFF  }
0x96: {  	s16 =	sld [smem:$0x10];
	(tm) =	ssettm $0x1  }
0x97: {  	s17 =	sld [smem:$0x3FFB];
	_ =	sdelay $0x3  }
0x98: {  	_ =	strace s17  }
0x99: {  	s3 =	sld [smem:$0x3FFC];
	_ =	sdelay $0x3  }
0x9a: {  	_ =	strace s3  }
0x9b: {  	s3 =	sld [smem:$0x3FFD];
	_ =	sdelay $0x3  }
0x9c: {  	_ =	strace s3  }
0x9d: {  	_ =	strace $0x8FFFFFFF  }
0x9e: {  	s18 =	sld [smem:$0x3FDB];
	_ =	sdelay $0x1  }
0x9f: {  	s19 =	simm.s32 $_scs_section_size  }
0xa0: {  	s5 =	simm.s32 $_size__tile_overlayer_lowered;
	s6 =	simm.s32 $_tile_overlayer_lowered  }
0xa1: {  	s22 =	simm.s32 $0x1BFF;
	s21 =	sshll.u32 s6, $0x1;
	s3 =	sadd.s32 s19, s18  }
0xa2: {  	s7 =	simm.s32 $0x0;
	s20 =	sshll.u32 s5, $0x1;
	s5 =	sadd.s32 s21, s3  }
0xa3: {  	[timem:s7], [sflag:s22] =	dma.local [hbm:s5], s20  }
0xa4: {  	_ =	swait.ge [sflag:s22], s20  }
0xa5: {  	s4 =	ssub.s32 $0x0, s20;
	[sflag:s22] =	ssyncset.done $0x0  }
0xa6: {  	[sflag:s22] =	ssyncadd.s32 s4;
	_ =	sdelay $0x1  }
0xa7: {  	s23 =	simm.s32 $0x1B8B  }
0xa8: {  	_ =	swait.ge [sflag:s23], $0x1  }
0xa9: {  	[sflag:s23] =	ssyncset.done $0x0  }
0xaa: {  	s25 =	simm.s32 $0x1B8E;
	s24 =	sld [smem:$0x3FFE];
	[sflag:s23] =	ssyncadd.s32 $0xFFFFFFFF  }
0xab: {  	s26 =	simm.s32 $execute0_lowered;
	[smem:$0x3FD2] =	sst s25  }
0xac: {  	s5 =	sshll.u32 s26, $0x1;
	_ =	strace $0x80000049;
	[dreg:$0x1] =	wrdreg $0xFFFFFFFF  }
0xad: {  	s28 =	simm.s32 $_size_execute0_lowered;
	s3 =	sadd.s32 s3, s5;
	[dreg:$0x0] =	wrdreg $0x0  }
0xae: {  	s5 =	sshll.u32 s28, $0x1;
	[dreg:$0x2] =	wrdreg s3  }
0xaf: {  	[dreg:$0x3] =	wrdreg s5  }
0xb0: {  	[dreg:$0x4] =	wrdreg $0xC0  }
0xb1: {  	_ =	task [dreg:s7], $0x5FFFF  }
0xb2: {  	[dreg:$0x1] =	wrdreg $0xFFFFFFFF  }
0xb3: {  	[dreg:$0x0] =	wrdreg $0x60  }
0xb4: {  	[dreg:$0x2] =	wrdreg s16  }
0xb5: {  	[dreg:$0x3] =	wrdreg s24  }
0xb6: {  	[dreg:$0x4] =	wrdreg $0xA  }
0xb7: {  	_ =	task.clear_ibuf [dreg:s7], $0x5FFFF;
	_ =	strace $0x90000049  }
0xb8: {  	s29 =	simm.s32 $0xA;
	_ =	strace $0x8000004B  }
0xb9: {  	_ =	swait.ge [sflag:s29], $0x1  }
0xba: {  	[sflag:s29] =	ssyncadd.s32 $0xFFFFFFFF  }
0xbb: {  	_ =	strace $0x9000004B  }
0xbc: {  	_ =	sfence  }
0xbd: {  	s30 =	sld [smem:$0x0];
	_ =	sdelay $0x2  }
0xbe: {  	s31 =	sshll.u32 s1, $0xD;
	s1 =	sshrl.u32 s1, $0x2  }
0xbf: {  	s3 =	sand.u32 $0x4000, s31;
	s1 =	sadd.s32 s1, s30  }
0xc0: {  	s0 =	sor.u32 s3, s0;
	s1 =	sshll.u32 s1, $0x11  }
0xc1: {  	s0 =	sor.u32 s1, s0  }
0xc2: {  	s0 =	sadd.s32 $0x8F2B, s0  }
0xc3: {  	[sflag:s0] =	ssyncadd.remote.s32 $0x1  }
0xc4: {  	_ =	sfence.sel $0xFFFF  }
0xc5: {  	[dreg:$0x0] =	wrdreg $0xFFFFFFFF;
	(pc) =	sbr.abs _section_cstart, $3  }
0xc6: {  	[dreg:$0x1] =	wrdreg $0xFFFFFFFF  }
0xc7: {  	_ =	task.clear_ibuf [dreg:s7], $0x2FFFF;
	_ =	strace $0x9FFFFFFF  }
0xc8: {  	(tm) =	ssettm $0x7FFFFFFF  }
0xc9: {  	_ =	shalt  }
tec
execute0_lowered:
.L_overlay_start_1:
0x0: {  	(tag) =	ssettag $0x1  }
0x1: {  	s0 =	srdreg.scid;
	s4 =	rddreg [dreg:$0x0]  }
0x2: {  	s5 =	rddreg [dreg:$0x1];
	s3 =	sand.u32 $0x1, s0  }
0x3: {  	s2 =	simm.s32 $0x0;
	s0 =	stileid.u32;
	s1 =	sshll.u32 s3, $0x4  }
0x4: {  	s10 =	simm.s32 $0x1;
	s11 =	simm.s32 $0xF000;
	s6 =	sor.u32 s0, s1  }
0x5: {  	s12 =	simm.s32 $0x11800;
	s13 =	simm.s32 $0x14000;
	s7 =	smul.u32 $0x500, s6  }
0x6: {  	s14 =	simm.s32 $0x0;
	s3 =	ssub.s32 $0x2, s3;
	s8 =	smul.u32 $0x2800, s6  }
0x7: {  	[smem:$0x7FF] =	sst s2;
	s9 =	sshrl.u32 s3, $0x1;
	s6 =	smul.u32 $0xA00, s6  }
0x8: {  	s1 =	rddreg [dreg:$0x2];
	_ =	strace $0x8000004A;
	s9 =	ssub.s32 s3, s9  }
0x9: {  	s7 =	sadd.s32 s7, s5;
	s8 =	sadd.s32 s8, s5;
	s3 =	sadd.s32 s4, s6  }
0xa: {  	s4 =	sadd.s32 $0x3800, s7;
	s5 =	sadd.s32 $0xD800, s7;
	s6 =	sadd.s32 $0x17800, s7  }
0xb: {  	v0 =	vimm.f32 $0.0e+00;
	s7 =	sadd.s32 $0x21800, s8;
	s8 =	smax.u32 s9, $0x1;
	s9 =	simm.s32 $0xA000  }
.LBB2_1:
0xc: {  	s15 =	sand.u32 $0x70, s2;
	s16 =	sand.u32 $0xFE00, s2  }
0xd: {  	s16 =	sor.u32 s15, s16  }
0xe: {  	[tilespmem:s16+$0x100] =	vst v0  }
0xf: {  	[tilespmem:s16+$0x0] =	vst v0  }
0x10: {  	s15 =	simm.s32 $0x10;
	[tilespmem:s16+$0x80] =	vst v0;
	s16 =	simm.s32 $0x0  }
.LBB2_2:
0x11: {  	s17 =	sand.u32 $0x70, s15;
	s16 =	sadd.s32 $0x40, s16;
	p0 =	sne.s32 s15, $0x27F0  }
.Ltmp0:
0x12: {  	s15 =	sadd.s32 $0x10, s15;
	s18 =	sand.u32 $0xFE00, s16;
	(pc) =	sbr.rel @p0 .LBB2_2-.Ltmp0, $4  }
0x13: {  	s17 =	sor.u32 s17, s18  }
0x14: {  	[tilespmem:s17+$0x100] =	vst v0  }
0x15: {  	[tilespmem:s17+$0x0] =	vst v0  }
0x16: {  	[tilespmem:s17+$0x80] =	vst v0  }
0x17: {  	[tilespmem:s9], [sflag:$0x1] =	stream.linear.gather [hbm4b:s3+s2], $0x5000, $0x38;
	[tilespmem:$0x16800] =	vst v63  }
0x18: {  	_ =	swait.ge [sflag:s10], $0x5000  }
0x19: {  	[sflag:s10] =	ssyncset.done $0x0  }
0x1a: {  	[sflag:s10] =	ssyncadd.s32 $0xFFFFB000  }
0x1b: {  	[tilespmem:s11], [sflag:$0x1] =	stream.linear.gather [hbm4b:s4+s2], $0x2800, $0x38;
	[tilespmem:$0x16800] =	vst v63  }
0x1c: {  	_ =	swait.ge [sflag:s10], $0x2800  }
0x1d: {  	[sflag:s10] =	ssyncset.done $0x0  }
0x1e: {  	[sflag:s10] =	ssyncadd.s32 $0xFFFFD800  }
0x1f: {  	[tilespmem:s12], [sflag:$0x1] =	stream.linear.gather [hbm4b:s5+s2], $0x2800, $0x38;
	[tilespmem:$0x16800] =	vst v63  }
0x20: {  	_ =	swait.ge [sflag:s10], $0x2800  }
0x21: {  	[sflag:s10] =	ssyncset.done $0x0  }
0x22: {  	[sflag:s10] =	ssyncadd.s32 $0xFFFFD800  }
0x23: {  	[tilespmem:s13], [sflag:$0x1] =	stream.linear.gather [hbm4b:s6+s2], $0x2800, $0x38;
	[tilespmem:$0x16800] =	vst v63  }
0x24: {  	_ =	swait.ge [sflag:s10], $0x2800  }
0x25: {  	[sflag:s10] =	ssyncset.done $0x0  }
0x26: {  	s15 =	simm.s32 $0xC0;
	s16 =	simm.s32 $0xA020;
	[sflag:s10] =	ssyncadd.s32 $0xFFFFD800  }
.LBB2_4:
0x27: {  	v1 =	vld [tilespmem:s16+$0xFFFFFFE0];
	_ =	sdelay $0x4  }
0x28: {  	v2 =	vshll.u32 v1, $0x2  }
0x29: {  	s17 =	sshra.s32 s15, $0x2;
	v1 =	vand.u32 $0x7F, v1;
	v2 =	vand.u32 $0xFFFFFE00, v2  }
0x2a: {  	v3 =	vld [tilespmem:s17+$0xEFD0];
	v1 =	vor.u32 v1, v2;
	_ =	sdelay $0x4  }
0x2b: {  	[tilespmem:v1+s2+$0x0] =	vst.idx.add.f32.msk $0xffff, v3  }
0x2c: {  	v3 =	vor.u32 $0x80, v1;
	v2 =	vld [tilespmem:s17+$0x117D0];
	_ =	sdelay $0x4  }
0x2d: {  	[tilespmem:v3+s2+$0x0] =	vst.idx.add.f32.msk $0xffff, v2  }
0x2e: {  	v1 =	vor.u32 $0x100, v1;
	v2 =	vld [tilespmem:s17+$0x13FD0];
	_ =	sdelay $0x4  }
0x2f: {  	[tilespmem:v1+s2+$0x0] =	vst.idx.add.f32.msk $0xffff, v2  }
0x30: {  	v1 =	vld [tilespmem:s16+$0xFFFFFFF0];
	_ =	sdelay $0x4  }
0x31: {  	v2 =	vshll.u32 v1, $0x2  }
0x32: {  	v1 =	vand.u32 $0x7F, v1;
	v2 =	vand.u32 $0xFFFFFE00, v2  }
0x33: {  	v3 =	vld [tilespmem:s17+$0xEFE0];
	v1 =	vor.u32 v1, v2;
	_ =	sdelay $0x4  }
0x34: {  	[tilespmem:v1+s2+$0x0] =	vst.idx.add.f32.msk $0xffff, v3  }
0x35: {  	v3 =	vor.u32 $0x80, v1;
	v2 =	vld [tilespmem:s17+$0x117E0];
	_ =	sdelay $0x4  }
0x36: {  	[tilespmem:v3+s2+$0x0] =	vst.idx.add.f32.msk $0xffff, v2  }
0x37: {  	v1 =	vor.u32 $0x100, v1;
	v2 =	vld [tilespmem:s17+$0x13FE0];
	_ =	sdelay $0x4  }
0x38: {  	[tilespmem:v1+s2+$0x0] =	vst.idx.add.f32.msk $0xffff, v2  }
0x39: {  	v1 =	vld [tilespmem:s16+$0x0];
	_ =	sdelay $0x4  }
0x3a: {  	v2 =	vshll.u32 v1, $0x2  }
0x3b: {  	v1 =	vand.u32 $0x7F, v1;
	v2 =	vand.u32 $0xFFFFFE00, v2  }
0x3c: {  	v3 =	vld [tilespmem:s17+$0xEFF0];
	v1 =	vor.u32 v1, v2;
	_ =	sdelay $0x4  }
0x3d: {  	[tilespmem:v1+s2+$0x0] =	vst.idx.add.f32.msk $0xffff, v3  }
0x3e: {  	v3 =	vor.u32 $0x80, v1;
	v2 =	vld [tilespmem:s17+$0x117F0];
	_ =	sdelay $0x4  }
0x3f: {  	[tilespmem:v3+s2+$0x0] =	vst.idx.add.f32.msk $0xffff, v2  }
0x40: {  	v1 =	vor.u32 $0x100, v1;
	v2 =	vld [tilespmem:s17+$0x13FF0];
	_ =	sdelay $0x4  }
0x41: {  	[tilespmem:v1+s2+$0x0] =	vst.idx.add.f32.msk $0xffff, v2  }
0x42: {  	v1 =	vld [tilespmem:s16+$0x10];
	_ =	sdelay $0x4  }
0x43: {  	v2 =	vshll.u32 v1, $0x2  }
0x44: {  	v1 =	vand.u32 $0x7F, v1;
	v2 =	vand.u32 $0xFFFFFE00, v2  }
0x45: {  	v3 =	vld [tilespmem:s17+$0xF000];
	v1 =	vor.u32 v1, v2;
	_ =	sdelay $0x4  }
0x46: {  	[tilespmem:v1+s2+$0x0] =	vst.idx.add.f32.msk $0xffff, v3  }
0x47: {  	v3 =	vor.u32 $0x80, v1;
	v2 =	vld [tilespmem:s17+$0x11800];
	_ =	sdelay $0x4  }
0x48: {  	[tilespmem:v3+s2+$0x0] =	vst.idx.add.f32.msk $0xffff, v2  }
0x49: {  	p0 =	sne.s32 s15, $0x9FC0;
	v1 =	vor.u32 $0x100, v1;
	v2 =	vld [tilespmem:s17+$0x14000]  }
.Ltmp1:
0x4a: {  	_ = 	snop;
	(pc) =	sbr.rel @p0 .LBB2_4-.Ltmp1, $2  }
0x4b: {  	_ =	sdelay $0x2  }
0x4c: {  	s15 =	sadd.s32 $0x100, s15;
	s16 =	sadd.s32 $0x80, s16;
	[tilespmem:v1+s2+$0x0] =	vst.idx.add.f32.msk $0xffff, v2  }
0x4d: {  	s15 =	simm.s32 $0x0  }
0x4e: {  	s16 =	simm.s32 $0x80;
	s18 =	sadd.s32 $0x0, s7;
	s17 =	simm.s32 $0x200  }
.LBB2_6:
0x4f: {  	[hbm4b:s18+s2] =	stream.linear.scatter [tilespmem:s15], [sflag:$0x1], $0x180, $0x38;
	[tilespmem:$0x16800] =	vst v63  }
0x50: {  	s18 =	smov.u32 s16;
	s15 =	smov.u32 s17;
	p0 =	sne.s32 s16, $0x2780  }
.Ltmp2:
0x51: {  	s16 =	sadd.s32 $0x80, s16;
	(pc) =	sbr.rel @p0 .LBB2_6-.Ltmp2, $2  }
0x52: {  	_ =	sdelay $0x2  }
0x53: {  	s17 =	sadd.s32 $0x200, s17;
	s18 =	sadd.s32 s18, s7  }
0x54: {  	s14 =	sadd.s32 $0x1, s14  }
0x55: {  	p0 =	sne.s32 s14, s8  }
.Ltmp3:
0x56: {  	_ = 	snop;
	(pc) =	sbr.rel @p0 .LBB2_1-.Ltmp3, $4  }
0x57: {  	[hbm4b:s18+s2] =	stream.linear.scatter [tilespmem:s15], [sflag:$0x1], $0x180, $0x38;
	[tilespmem:$0x16800] =	vst v63  }
0x58: {  	_ =	swait.ge [sflag:s10], $0x7800  }
0x59: {  	[sflag:s10] =	ssyncset.done $0x0  }
0x5a: {  	[sflag:s10] =	ssyncadd.s32 $0xFFFF8800  }
0x5b: {  	_ =	sfence.sel $0x180000  }
0x5c: {  	[bflag:$0x0] =	sbarrier.arrive $0xFFFF  }
0x5d: {  	p0 =	sne.s32 s0, $0x0;
	_ =	strace $0x9000004A  }
0x5e: {  	s0 =	sadd.s32 @!p0 $0x100000, s1;
	[bflag:$0x2] =	sbarrier.arrive $0xFFFF  }
0x5f: {  	[sflag:s0] =	ssyncadd.tile.s32 @!p0 $0x1;
	_ =	shalt  }
.Lfunc_end2:
_tile_overlayer_lowered:
.L_overlay_start_2:
0x60: {  	(tag) =	ssettag $0x2  }
0x61: {  	s0 =	rddreg [dreg:$0x0];
	s2 =	stileid.u32  }
0x62: {  	s1 =	rddreg [dreg:$0x1];
	p0 =	sne.s32 s2, $0x0  }
0x63: {  	s3 =	rddreg [dreg:$0x2];
	[bflag:$0x3] =	sbarrier.arrive $0xFFFF;
	s2 =	simm.s32 @!p0 $0x1C01  }
0x64: {  	[timem:s3], [sflag:s2] =	dma.local @!p0 [hbm:s0], s1  }
0x65: {  	s0 =	simm.s32 @!p0 $0x1  }
0x66: {  	_ =	swait.ge @!p0 [sflag:s0], s1  }
0x67: {  	s1 =	ssub.s32 @!p0 $0x0, s1;
	[sflag:s0] =	ssyncset.done @!p0 $0x0  }
0x68: {  	[sflag:s0] =	ssyncadd.s32 @!p0 s1  }
0x69: {  	[bflag:$0x3] =	sbarrier.arrive $0xFFFF  }
0x6a: {  	_ =	shalt  }

// kernel: kernel.9.cloned.1.call-start
scs
__scs_entry_jumppad:
0x0: {  	(pc) =	sbr.rel $0x88, $3  }
0x1: {  	(tag) =	ssettag $0x0;
	lr =	simm.s32 $0x1  }
0x2: {  	[smem:$0x3F90] =	sst lr;
	_ =	strace $0xD0000000  }
0x3: {  	_ = 	snop  }
0x4: {  	_ = 	snop  }
0x5: {  	_ = 	snop  }
0x6: {  	_ = 	snop  }
0x7: {  	_ = 	snop  }
__scs_overlays_trampoline_lowered:
0x8: {  	[smem:$0x3F9F] =	sst s0  }
0x9: {  	[smem:$0x3FA0] =	sst s1  }
0xa: {  	[smem:$0x3FA1] =	sst s2  }
0xb: {  	[smem:$0x3FA2] =	sst s3  }
0xc: {  	[smem:$0x3FA3] =	sst s4  }
0xd: {  	[smem:$0x3FA4] =	sst s5  }
0xe: {  	[smem:$0x3FA5] =	sst s6  }
0xf: {  	[smem:$0x3FA6] =	sst s7  }
0x10: {  	[smem:$0x3FA7] =	sst s8  }
0x11: {  	[smem:$0x3FA8] =	sst s9;
	s0 =	simm.s32 @!p0 $0x0  }
0x12: {  	s1 =	sld [smem:$0x3F8E];
	s0 =	simm.s32 @p0 $0x1  }
0x13: {  	[smem:$0x3FA9] =	sst s0;
	s0 =	simm.s32 @!p1 $0x0  }
0x14: {  	s2 =	sld [smem:$0x3F8D];
	s0 =	simm.s32 @p1 $0x1  }
0x15: {  	[smem:$0x3FAA] =	sst s0;
	s0 =	simm.s32 @!p2 $0x0  }
0x16: {  	s3 =	sld [smem:$0x3FDB];
	s0 =	simm.s32 @p2 $0x1  }
0x17: {  	s4 =	simm.s32 $0x1BF5;
	[smem:$0x3FAC] =	sst s0  }
0x18: {  	s0 =	sld [smem:$0x3F8F];
	_ =	swait.ge [sflag:s4], $0x0  }
0x19: {  	s7 =	sld [smem:$0x3F90]  }
0x1a: {  	s8 =	sadd.s32 $0xFFFFE003, lr  }
0x1b: {  	s9 =	sadd.s32 $0xFFFFFEF7, lr;
	s5 =	simm.s32 $0xFFFFFFFF;
	p2 =	slt.u32 s8, $0xFFFFF086  }
0x1c: {  	p1 =	slt.u32 s9, $0xF7A;
	s5 =	simm.s32 @!p2 $0x0  }
0x1d: {  	s5 =	simm.s32 @p1 $0x1;
	p0 =	seq.s32 s7, s2  }
0x1e: {  	s7 =	smul.u32 @!p0 $0xF7A, s2;
	p2 =	seq.s32 @!p0 s5, $0x0  }
0x1f: {  	s9 =	smul.u32 $0xF7A, s1;
	s8 =	simm.s32 @!p0 $0x1BF5;
	p2 =	por !p2, p0  }
0x20: {  	[sflag:s8] =	ssyncset.s32 @!p0 $0xFFFFF086;
	s6 =	sadd.s32 @!p0 s3, s7;
	s7 =	simm.s32 @!p0 $0x108  }
0x21: {  	s3 =	sadd.s32 s3, s9;
	s6 =	sadd.s32 @!p0 $0x88, s6;
	s7 =	simm.s32 @p2 $0x1082  }
0x22: {  	[simem:s7], [sflag:s8] =	dma.local @!p0 [hbm:s6], $0xF7A  }
0x23: {  	s9 =	sor.u32 $0xD0000000, s2;
	s6 =	simm.s32 $0x108;
	_ =	swait.ge @!p0 [sflag:s8], $0x0  }
0x24: {  	s3 =	sadd.s32 $0x88, s3;
	s6 =	simm.s32 @!p1 $0x1082;
	[sflag:s4] =	ssyncset.s32 $0xFFFFF086  }
0x25: {  	[simem:s6], [sflag:s4] =	dma.local [hbm:s3], $0xF7A  }
0x26: {  	[smem:$0x3F90] =	sst s1;
	(tag) =	ssettag s2;
	_ =	strace s9  }
0x27: {  	s1 =	sld [smem:$0x3FA0]  }
0x28: {  	s2 =	sld [smem:$0x3FA1]  }
0x29: {  	s4 =	sld [smem:$0x3FA3]  }
0x2a: {  	p0 =	seq.s32 s5, $0x0;
	s5 =	sld [smem:$0x3FA4]  }
0x2b: {  	s6 =	sld [smem:$0x3FA5]  }
0x2c: {  	s7 =	sld [smem:$0x3FA6]  }
0x2d: {  	s3 =	simm.s32 $0x108;
	s8 =	sld [smem:$0x3FA7]  }
0x2e: {  	s3 =	simm.s32 @!p0 $0x1082;
	s9 =	sld [smem:$0x3FA8]  }
0x2f: {  	lr =	sadd.s32 s0, s3;
	s0 =	sld [smem:$0x3F9F]  }
0x30: {  	s3 =	sld [smem:$0x3FA2]  }
0x31: {  	[smem:$0x3FAB] =	sst s10  }
0x32: {  	s10 =	sld [smem:$0x3FA9];
	_ =	sdelay $0x3  }
0x33: {  	p0 =	seq.s32 s10, $0x1;
	s10 =	sld [smem:$0x3FAB];
	_ =	sdelay $0x3  }
0x34: {  	[smem:$0x3FAB] =	sst s10  }
0x35: {  	s10 =	sld [smem:$0x3FAA];
	_ =	sdelay $0x3  }
0x36: {  	p1 =	seq.s32 s10, $0x1;
	s10 =	sld [smem:$0x3FAB];
	_ =	sdelay $0x3  }
0x37: {  	[smem:$0x3FAB] =	sst s10  }
0x38: {  	s10 =	sld [smem:$0x3FAC]  }
0x39: {  	_ = 	snop;
	(pc) =	sbr.ind lr, $3  }
0x3a: {  	_ = 	snop  }
0x3b: {  	_ = 	snop  }
0x3c: {  	p2 =	seq.s32 s10, $0x1;
	s10 =	sld [smem:$0x3FAB]  }
0x3d: {  	_ =	shalt  }
0x3e: {  	_ =	shalt  }
0x3f: {  	_ =	shalt  }
0x40: {  	_ =	shalt  }
0x41: {  	_ =	shalt  }
0x42: {  	_ =	shalt  }
0x43: {  	_ =	shalt  }
0x44: {  	_ =	shalt  }
0x45: {  	_ =	shalt  }
0x46: {  	_ =	shalt  }
0x47: {  	_ =	shalt  }
0x48: {  	_ =	shalt  }
0x49: {  	_ =	shalt  }
0x4a: {  	_ =	shalt  }
0x4b: {  	_ =	shalt  }
0x4c: {  	_ =	shalt  }
0x4d: {  	_ =	shalt  }
0x4e: {  	_ =	shalt  }
0x4f: {  	_ =	shalt  }
0x50: {  	_ =	shalt  }
0x51: {  	_ =	shalt  }
0x52: {  	_ =	shalt  }
0x53: {  	_ =	shalt  }
0x54: {  	_ =	shalt  }
0x55: {  	_ =	shalt  }
0x56: {  	_ =	shalt  }
0x57: {  	_ =	shalt  }
0x58: {  	_ =	shalt  }
0x59: {  	_ =	shalt  }
0x5a: {  	_ =	shalt  }
0x5b: {  	_ =	shalt  }
0x5c: {  	_ =	shalt  }
0x5d: {  	_ =	shalt  }
0x5e: {  	_ =	shalt  }
0x5f: {  	_ =	shalt  }
0x60: {  	_ =	shalt  }
0x61: {  	_ =	shalt  }
0x62: {  	_ =	shalt  }
0x63: {  	_ =	shalt  }
0x64: {  	_ =	shalt  }
0x65: {  	_ =	shalt  }
0x66: {  	_ =	shalt  }
0x67: {  	_ =	shalt  }
0x68: {  	_ =	shalt  }
0x69: {  	_ =	shalt  }
0x6a: {  	_ =	shalt  }
0x6b: {  	_ =	shalt  }
0x6c: {  	_ =	shalt  }
0x6d: {  	_ =	shalt  }
0x6e: {  	_ =	shalt  }
0x6f: {  	_ =	shalt  }
0x70: {  	_ =	shalt  }
0x71: {  	_ =	shalt  }
0x72: {  	_ =	shalt  }
0x73: {  	_ =	shalt  }
0x74: {  	_ =	shalt  }
0x75: {  	_ =	shalt  }
0x76: {  	_ =	shalt  }
0x77: {  	_ =	shalt  }
0x78: {  	_ =	shalt  }
0x79: {  	_ =	shalt  }
0x7a: {  	_ =	shalt  }
0x7b: {  	_ =	shalt  }
0x7c: {  	_ =	shalt  }
0x7d: {  	_ =	shalt  }
0x7e: {  	_ =	shalt  }
0x7f: {  	_ =	shalt  }
0x80: {  	_ =	shalt  }
0x81: {  	_ =	shalt  }
0x82: {  	_ =	shalt  }
0x83: {  	_ =	shalt  }
0x84: {  	_ =	shalt  }
0x85: {  	_ =	shalt  }
0x86: {  	_ =	shalt  }
0x87: {  	_ =	shalt  }
.Lfunc_end0:
.L_simem_size_0:
called_computation_lowered:
.L_overlay_start_0:
0x88: {  	s2 =	sld [smem:$0x3FD9]  }
0x89: {  	s3 =	sld [smem:$0x3FFE];
	_ =	sdelay $0x1  }
0x8a: {  	s1 =	srdreg.scid  }
0x8b: {  	s0 =	sand.u32 $0x1, s1  }
0x8c: {  	s14 =	sshll.u32 s0, $0xA;
	s2 =	sadd.s32 s3, s2  }
0x8d: {  	s2 =	sadd.s32 s2, s14  }
0x8e: {  	[smem:$0x3FB7] =	sst s2  }
0x8f: {  	_ = 	snop  }
0x90: {  	s2 =	sld [smem:$0x3FD0];
	_ =	sdelay $0x2  }
0x91: {  	s15 =	simm.s32 $0xB;
	s4 =	simm.s32 $0x10  }
0x92: {  	[smem:s4], [sflag:s15] =	dma.local [hbm:s2], $0x1  }
0x93: {  	_ =	swait.eq [sflag:s15], $0x1  }
0x94: {  	[sflag:s15] =	ssyncset.done $0x0  }
0x95: {  	[sflag:s15] =	ssyncadd.s32 $0xFFFFFFFF  }
0x96: {  	s16 =	sld [smem:$0x11];
	(tm) =	ssettm $0x1  }
0x97: {  	s17 =	sld [smem:$0x3FFB];
	_ =	sdelay $0x3  }
0x98: {  	_ =	strace s17  }
0x99: {  	s3 =	sld [smem:$0x3FFC];
	_ =	sdelay $0x3  }
0x9a: {  	_ =	strace s3  }
0x9b: {  	s3 =	sld [smem:$0x3FFD];
	_ =	sdelay $0x3  }
0x9c: {  	_ =	strace s3  }
0x9d: {  	_ =	strace $0x8FFFFFFF  }
0x9e: {  	s18 =	sld [smem:$0x3FDB];
	_ =	sdelay $0x1  }
0x9f: {  	s19 =	simm.s32 $_scs_section_size  }
0xa0: {  	s5 =	simm.s32 $_size__tile_overlayer_lowered;
	s6 =	simm.s32 $_tile_overlayer_lowered  }
0xa1: {  	s22 =	simm.s32 $0x1BFF;
	s21 =	sshll.u32 s6, $0x1;
	s3 =	sadd.s32 s19, s18  }
0xa2: {  	s7 =	simm.s32 $0x0;
	s20 =	sshll.u32 s5, $0x1;
	s5 =	sadd.s32 s21, s3  }
0xa3: {  	[timem:s7], [sflag:s22] =	dma.local [hbm:s5], s20  }
0xa4: {  	_ =	swait.ge [sflag:s22], s20  }
0xa5: {  	s4 =	ssub.s32 $0x0, s20;
	[sflag:s22] =	ssyncset.done $0x0  }
0xa6: {  	[sflag:s22] =	ssyncadd.s32 s4;
	_ =	sdelay $0x1  }
0xa7: {  	s23 =	simm.s32 $0x1B8B  }
0xa8: {  	_ =	swait.ge [sflag:s23], $0x1  }
0xa9: {  	[sflag:s23] =	ssyncset.done $0x0  }
0xaa: {  	s25 =	simm.s32 $0x1B8E;
	s24 =	sld [smem:$0x3FFE];
	[sflag:s23] =	ssyncadd.s32 $0xFFFFFFFF  }
0xab: {  	s26 =	simm.s32 $execute0_lowered;
	[smem:$0x3FD2] =	sst s25  }
0xac: {  	s5 =	sshll.u32 s26, $0x1;
	_ =	strace $0x80000046;
	[dreg:$0x1] =	wrdreg $0xFFFFFFFF  }
0xad: {  	s28 =	simm.s32 $_size_execute0_lowered;
	s3 =	sadd.s32 s3, s5;
	[dreg:$0x0] =	wrdreg $0x0  }
0xae: {  	s5 =	sshll.u32 s28, $0x1;
	[dreg:$0x2] =	wrdreg s3  }
0xaf: {  	[dreg:$0x3] =	wrdreg s5  }
0xb0: {  	[dreg:$0x4] =	wrdreg $0xC0  }
0xb1: {  	_ =	task [dreg:s7], $0x5FFFF  }
0xb2: {  	[dreg:$0x1] =	wrdreg $0xFFFFFFFF  }
0xb3: {  	[dreg:$0x0] =	wrdreg $0x60  }
0xb4: {  	[dreg:$0x2] =	wrdreg s24  }
0xb5: {  	[dreg:$0x3] =	wrdreg s16  }
0xb6: {  	[dreg:$0x4] =	wrdreg $0x9  }
0xb7: {  	_ =	task.clear_ibuf [dreg:s7], $0x5FFFF;
	_ =	strace $0x90000046  }
0xb8: {  	s29 =	simm.s32 $0x9;
	_ =	strace $0x80000048  }
0xb9: {  	_ =	swait.ge [sflag:s29], $0x1  }
0xba: {  	[sflag:s29] =	ssyncadd.s32 $0xFFFFFFFF  }
0xbb: {  	_ =	strace $0x90000048  }
0xbc: {  	_ =	sfence  }
0xbd: {  	s30 =	sld [smem:$0x0];
	_ =	sdelay $0x2  }
0xbe: {  	s31 =	sshll.u32 s1, $0xD;
	s1 =	sshrl.u32 s1, $0x2  }
0xbf: {  	s3 =	sand.u32 $0x4000, s31;
	s1 =	sadd.s32 s1, s30  }
0xc0: {  	s0 =	sor.u32 s3, s0;
	s1 =	sshll.u32 s1, $0x11  }
0xc1: {  	s0 =	sor.u32 s1, s0  }
0xc2: {  	s0 =	sadd.s32 $0x8F2B, s0  }
0xc3: {  	[sflag:s0] =	ssyncadd.remote.s32 $0x1  }
0xc4: {  	_ =	sfence.sel $0xFFFF  }
0xc5: {  	[dreg:$0x0] =	wrdreg $0xFFFFFFFF;
	(pc) =	sbr.abs _section_cstart, $3  }
0xc6: {  	[dreg:$0x1] =	wrdreg $0xFFFFFFFF  }
0xc7: {  	_ =	task.clear_ibuf [dreg:s7], $0x2FFFF;
	_ =	strace $0x9FFFFFFF  }
0xc8: {  	(tm) =	ssettm $0x7FFFFFFF  }
0xc9: {  	_ =	shalt  }
tec
execute0_lowered:
.L_overlay_start_1:
0x0: {  	(tag) =	ssettag $0x1  }
0x1: {  	s0 =	srdreg.scid  }
0x2: {  	s1 =	rddreg [dreg:$0x0];
	s4 =	stileid.u32;
	s3 =	simm.s32 $0x0  }
0x3: {  	s17 =	simm.s32 $0x2800;
	s18 =	simm.s32 $0x5000;
	s21 =	simm.s32 $0x80  }
0x4: {  	s22 =	simm.s32 $0xC800;
	s28 =	simm.s32 $0x18800;
	s29 =	simm.s32 $0x1C800  }
0x5: {  	s30 =	simm.s32 $0x1C900;
	s31 =	simm.s32 $0x1CA00;
	s8 =	simm.s32 $0x1CA80  }
0x6: {  	s15 =	simm.s32 $0x0;
	s0 =	sand.u32 $0x1, s0;
	[smem:$0x7FF] =	sst s3  }
0x7: {  	s5 =	sadd.s32 $0x18400, s1;
	s6 =	sadd.s32 $0x40400, s1;
	s7 =	sadd.s32 $0x3800, s1  }
0x8: {  	s23 =	sadd.s32 $0x3E00, s1;
	s9 =	sadd.s32 $0x86400, s1;
	s10 =	sadd.s32 $0x7C400, s1  }
0x9: {  	s11 =	sadd.s32 $0x68400, s1;
	s12 =	sadd.s32 $0x72400, s1;
	s2 =	sshll.u32 s0, $0x4  }
0xa: {  	_ =	strace $0x80000047;
	s0 =	ssub.s32 $0x2, s0;
	s2 =	sor.u32 s4, s2  }
0xb: {  	[dreg:$0x3] =	wrdreg s7;
	s24 =	sshrl.u32 s0, $0x1;
	s4 =	smul.u32 $0x2800, s2  }
0xc: {  	[dreg:$0x4] =	wrdreg s23;
	s23 =	simm.s32 $0x1C880;
	s0 =	ssub.s32 s0, s24  }
0xd: {  	s7 =	simm.s32 $0x1C980;
	s0 =	smax.u32 s0, $0x1;
	s2 =	sshrl.u32 s4, $0x3  }
0xe: {  	s24 =	simm.s32 $0x1;
	[dreg:$0x7] =	wrdreg s0;
	s2 =	sadd.s32 s2, s1  }
0xf: {  	s0 =	simm.s32 $0x2;
	s1 =	simm.s32 $0x4;
	s25 =	sadd.s32 $0x4400, s2  }
0x10: {  	s26 =	sadd.s32 $0xE400, s2;
	s2 =	simm.s32 $0x5;
	[dreg:$0x5] =	wrdreg s25  }
0x11: {  	[dreg:$0x6] =	wrdreg s26;
	s25 =	simm.s32 $0x3;
	s26 =	simm.s32 $0x10800  }
.LBB2_1:
0x12: {  	[dreg:$0x8] =	wrdreg s15  }
0x13: {  	s13 =	rddreg [dreg:$0x3];
	s14 =	simm.s32 $0x7  }
0x14: {  	[tilespmem:s3], [sflag:$0x7] =	stream.linear.gather [hbm4b:s13+s3], $0x2800, $0x38;
	[tilespmem:$0x1CB00] =	vst v63  }
0x15: {  	_ =	swait.ge [sflag:s14], $0x2800  }
0x16: {  	[sflag:s14] =	ssyncset.done $0x0  }
0x17: {  	s15 =	rddreg [dreg:$0x4];
	[sflag:s14] =	ssyncadd.s32 $0xFFFFD800  }
0x18: {  	[tilespmem:s17], [sflag:$0x7] =	stream.linear.gather [hbm4b:s15+s3], $0x2800, $0x38;
	[tilespmem:$0x1CB00] =	vst v63  }
0x19: {  	_ =	swait.ge [sflag:s14], $0x2800  }
0x1a: {  	[sflag:s14] =	ssyncset.done $0x0  }
0x1b: {  	[sflag:s14] =	ssyncadd.s32 $0xFFFFD800  }
0x1c: {  	s16 =	rddreg [dreg:$0x1]  }
0x1d: {  	[tilespmem:s18], [sflag:$0x7] =	stream.linear.gather [hbm4b:s16+s3], $0x2800, $0x38;
	[tilespmem:$0x1CB00] =	vst v63  }
0x1e: {  	_ =	swait.ge [sflag:s14], $0x2800  }
0x1f: {  	[sflag:s14] =	ssyncset.done $0x0  }
0x20: {  	s20 =	simm.s32 $0x7800;
	s19 =	rddreg [dreg:$0x5];
	[sflag:s14] =	ssyncadd.s32 $0xFFFFD800  }
0x21: {  	[tilespmem:s20], [sflag:$0x7] =	stream.linear.gather [hbm4b:s19+s3], $0x2800, $0x38;
	[tilespmem:$0x1CB00] =	vst v63  }
0x22: {  	_ =	swait.ge [sflag:s14], $0x2800  }
0x23: {  	[sflag:s14] =	ssyncset.done $0x0  }
0x24: {  	s16 =	simm.s32 $0xA000;
	s19 =	rddreg [dreg:$0x6];
	[sflag:s14] =	ssyncadd.s32 $0xFFFFD800  }
0x25: {  	[tilespmem:s16], [sflag:$0x7] =	stream.linear.gather [hbm4b:s19+s3], $0x2800, $0x38;
	[tilespmem:$0x1CB00] =	vst v63  }
0x26: {  	_ =	swait.ge [sflag:s14], $0x2800  }
0x27: {  	[sflag:s14] =	ssyncset.done $0x0  }
0x28: {  	[sflag:s14] =	ssyncadd.s32 $0xFFFFD800  }
0x29: {  	[tilespmem:s22], [sflag:$0x1] =	stream.indirect.gather [hbm4b:s5+s21], $0x80, s20, s21, $0xb8;
	[tilespmem:$0x1CB00] =	vst v63  }
0x2a: {  	s13 =	simm.s32 $0x0;
	s20 =	simm.s32 $0x14800  }
0x2b: {  	[tilespmem:s20], [sflag:$0x3] =	stream.indirect.gather [hbm4b:s6+s21], $0x80, s16, s21, $0xb8;
	[tilespmem:$0x1CB00] =	vst v63  }
.LBB2_2:
0x2c: {  	_ =	swait.ge [sflag:s24], $0x4000  }
0x2d: {  	[sflag:s24] =	ssyncset.done $0x0  }
0x2e: {  	[sflag:s24] =	ssyncadd.s32 $0xFFFFC000  }
0x2f: {  	_ =	swait.ge [sflag:s25], $0x4000  }
0x30: {  	p0 =	seq.s32 s13, $0x0;
	[sflag:s25] =	ssyncset.done $0x0  }
0x31: {  	s15 =	simm.s32 @!p0 $0x6;
	[sflag:s25] =	ssyncadd.s32 $0xFFFFC000  }
0x32: {  	_ =	swait.ge @!p0 [sflag:s15], $0x4000  }
0x33: {  	[sflag:s15] =	ssyncset.done @!p0 $0x0  }
0x34: {  	[sflag:s15] =	ssyncadd.s32 @!p0 $0xFFFFC000  }
0x35: {  	_ =	swait.ge @!p0 [sflag:s15], $0x80  }
0x36: {  	[sflag:s15] =	ssyncset.done @!p0 $0x0  }
0x37: {  	[sflag:s15] =	ssyncadd.s32 @!p0 $0xFFFFFF80  }
0x38: {  	_ =	swait.ge @!p0 [sflag:s15], $0x80  }
0x39: {  	[sflag:s15] =	ssyncset.done @!p0 $0x0  }
0x3a: {  	[sflag:s15] =	ssyncadd.s32 @!p0 $0xFFFFFF80  }
0x3b: {  	_ =	swait.ge @!p0 [sflag:s15], $0x80  }
0x3c: {  	s14 =	sshll.u32 s13, $0x8;
	[sflag:s15] =	ssyncset.done @!p0 $0x0  }
0x3d: {  	s16 =	sadd.s32 $0x7880, s14;
	[sflag:s15] =	ssyncadd.s32 @!p0 $0xFFFFFF80  }
0x3e: {  	[tilespmem:s26], [sflag:$0x2] =	stream.indirect.gather [hbm4b:s5+s21], $0x80, s16, s21, $0xb8;
	[tilespmem:$0x1CB00] =	vst v63  }
0x3f: {  	s19 =	sadd.s32 $0xA080, s14  }
0x40: {  	[tilespmem:s28], [sflag:$0x4] =	stream.indirect.gather [hbm4b:s6+s21], $0x80, s19, s21, $0xb8;
	[tilespmem:$0x1CB00] =	vst v63  }
0x41: {  	v0 =	vld [tilespmem:s14+$0x7800]  }
0x42: {  	v1 =	vld [tilespmem:s14+$0xA000];
	_ =	sdelay $0x5  }
0x43: {  	s20 =	simm.s32 $0x0  }
0x44: {  	v2 =	vld.idx.msk [tilespmem:v0+s20+$0x0], $0xffff  }
0x45: {  	v3 =	vld.idx.msk [tilespmem:v1+s20+$0x0], $0xffff;
	_ =	sdelay $0x4  }
0x46: {  	v2 =	vsub.f32 v2, v3;
	_ =	sdelay $0x1  }
0x47: {  	[tilespmem:$0x1C800] =	vst v2  }
0x48: {  	v2 =	vld.idx.msk [tilespmem:v0+s17+$0x0], $0xffff  }
0x49: {  	v3 =	vld.idx.msk [tilespmem:v1+s17+$0x0], $0xffff;
	_ =	sdelay $0x4  }
0x4a: {  	v2 =	vsub.f32 v2, v3;
	_ =	sdelay $0x1  }
0x4b: {  	[tilespmem:$0x1C900] =	vst v2  }
0x4c: {  	v0 =	vld.idx.msk [tilespmem:v0+s18+$0x0], $0xffff  }
0x4d: {  	v1 =	vld.idx.msk [tilespmem:v1+s18+$0x0], $0xffff;
	_ =	sdelay $0x4  }
0x4e: {  	v0 =	vsub.f32 v0, v1;
	_ =	sdelay $0x1  }
0x4f: {  	[tilespmem:$0x1CA00] =	vst v0  }
0x50: {  	v0 =	vld [tilespmem:s14+$0x7810]  }
0x51: {  	v1 =	vld [tilespmem:s14+$0xA010];
	_ =	sdelay $0x6  }
0x52: {  	v2 =	vld.idx.msk [tilespmem:v0+s20+$0x0], $0xffff  }
0x53: {  	v3 =	vld.idx.msk [tilespmem:v1+s20+$0x0], $0xffff;
	_ =	sdelay $0x4  }
0x54: {  	v2 =	vsub.f32 v2, v3;
	_ =	sdelay $0x1  }
0x55: {  	[tilespmem:$0x1C810] =	vst v2  }
0x56: {  	v2 =	vld.idx.msk [tilespmem:v0+s17+$0x0], $0xffff  }
0x57: {  	v3 =	vld.idx.msk [tilespmem:v1+s17+$0x0], $0xffff;
	_ =	sdelay $0x4  }
0x58: {  	v2 =	vsub.f32 v2, v3;
	_ =	sdelay $0x1  }
0x59: {  	[tilespmem:$0x1C910] =	vst v2  }
0x5a: {  	v0 =	vld.idx.msk [tilespmem:v0+s18+$0x0], $0xffff  }
0x5b: {  	v1 =	vld.idx.msk [tilespmem:v1+s18+$0x0], $0xffff;
	_ =	sdelay $0x4  }
0x5c: {  	v0 =	vsub.f32 v0, v1;
	_ =	sdelay $0x1  }
0x5d: {  	[tilespmem:$0x1CA10] =	vst v0  }
0x5e: {  	v0 =	vld [tilespmem:s14+$0x7820]  }
0x5f: {  	v1 =	vld [tilespmem:s14+$0xA020];
	_ =	sdelay $0x6  }
0x60: {  	v2 =	vld.idx.msk [tilespmem:v0+s20+$0x0], $0xffff  }
0x61: {  	v3 =	vld.idx.msk [tilespmem:v1+s20+$0x0], $0xffff;
	_ =	sdelay $0x4  }
0x62: {  	v2 =	vsub.f32 v2, v3;
	_ =	sdelay $0x1  }
0x63: {  	[tilespmem:$0x1C820] =	vst v2  }
0x64: {  	v2 =	vld.idx.msk [tilespmem:v0+s17+$0x0], $0xffff  }
0x65: {  	v3 =	vld.idx.msk [tilespmem:v1+s17+$0x0], $0xffff;
	_ =	sdelay $0x4  }
0x66: {  	v2 =	vsub.f32 v2, v3;
	_ =	sdelay $0x1  }
0x67: {  	[tilespmem:$0x1C920] =	vst v2  }
0x68: {  	v0 =	vld.idx.msk [tilespmem:v0+s18+$0x0], $0xffff  }
0x69: {  	v1 =	vld.idx.msk [tilespmem:v1+s18+$0x0], $0xffff;
	_ =	sdelay $0x4  }
0x6a: {  	v0 =	vsub.f32 v0, v1;
	_ =	sdelay $0x1  }
0x6b: {  	[tilespmem:$0x1CA20] =	vst v0  }
0x6c: {  	v0 =	vld [tilespmem:s14+$0x7830]  }
0x6d: {  	v1 =	vld [tilespmem:s14+$0xA030];
	_ =	sdelay $0x6  }
0x6e: {  	v2 =	vld.idx.msk [tilespmem:v0+s20+$0x0], $0xffff  }
0x6f: {  	v3 =	vld.idx.msk [tilespmem:v1+s20+$0x0], $0xffff;
	_ =	sdelay $0x4  }
0x70: {  	v2 =	vsub.f32 v2, v3;
	_ =	sdelay $0x1  }
0x71: {  	[tilespmem:$0x1C830] =	vst v2  }
0x72: {  	v2 =	vld.idx.msk [tilespmem:v0+s17+$0x0], $0xffff  }
0x73: {  	v3 =	vld.idx.msk [tilespmem:v1+s17+$0x0], $0xffff;
	_ =	sdelay $0x4  }
0x74: {  	v2 =	vsub.f32 v2, v3;
	_ =	sdelay $0x1  }
0x75: {  	[tilespmem:$0x1C930] =	vst v2  }
0x76: {  	v0 =	vld.idx.msk [tilespmem:v0+s18+$0x0], $0xffff  }
0x77: {  	v1 =	vld.idx.msk [tilespmem:v1+s18+$0x0], $0xffff;
	_ =	sdelay $0x4  }
0x78: {  	v0 =	vsub.f32 v0, v1;
	_ =	sdelay $0x1  }
0x79: {  	[tilespmem:$0x1CA30] =	vst v0  }
0x7a: {  	v0 =	vld [tilespmem:s14+$0x7840]  }
0x7b: {  	v1 =	vld [tilespmem:s14+$0xA040];
	_ =	sdelay $0x6  }
0x7c: {  	v2 =	vld.idx.msk [tilespmem:v0+s20+$0x0], $0xffff  }
0x7d: {  	v3 =	vld.idx.msk [tilespmem:v1+s20+$0x0], $0xffff;
	_ =	sdelay $0x4  }
0x7e: {  	v2 =	vsub.f32 v2, v3;
	_ =	sdelay $0x1  }
0x7f: {  	[tilespmem:$0x1C840] =	vst v2  }
0x80: {  	v2 =	vld.idx.msk [tilespmem:v0+s17+$0x0], $0xffff  }
0x81: {  	v3 =	vld.idx.msk [tilespmem:v1+s17+$0x0], $0xffff;
	_ =	sdelay $0x4  }
0x82: {  	v2 =	vsub.f32 v2, v3;
	_ =	sdelay $0x1  }
0x83: {  	[tilespmem:$0x1C940] =	vst v2  }
0x84: {  	v0 =	vld.idx.msk [tilespmem:v0+s18+$0x0], $0xffff  }
0x85: {  	v1 =	vld.idx.msk [tilespmem:v1+s18+$0x0], $0xffff;
	_ =	sdelay $0x4  }
0x86: {  	v0 =	vsub.f32 v0, v1;
	_ =	sdelay $0x1  }
0x87: {  	[tilespmem:$0x1CA40] =	vst v0  }
0x88: {  	v0 =	vld [tilespmem:s14+$0x7850]  }
0x89: {  	v1 =	vld [tilespmem:s14+$0xA050];
	_ =	sdelay $0x6  }
0x8a: {  	v2 =	vld.idx.msk [tilespmem:v0+s20+$0x0], $0xffff  }
0x8b: {  	v3 =	vld.idx.msk [tilespmem:v1+s20+$0x0], $0xffff;
	_ =	sdelay $0x4  }
0x8c: {  	v2 =	vsub.f32 v2, v3;
	_ =	sdelay $0x1  }
0x8d: {  	[tilespmem:$0x1C850] =	vst v2  }
0x8e: {  	v2 =	vld.idx.msk [tilespmem:v0+s17+$0x0], $0xffff  }
0x8f: {  	v3 =	vld.idx.msk [tilespmem:v1+s17+$0x0], $0xffff;
	_ =	sdelay $0x4  }
0x90: {  	v2 =	vsub.f32 v2, v3;
	_ =	sdelay $0x1  }
0x91: {  	[tilespmem:$0x1C950] =	vst v2  }
0x92: {  	v0 =	vld.idx.msk [tilespmem:v0+s18+$0x0], $0xffff  }
0x93: {  	v1 =	vld.idx.msk [tilespmem:v1+s18+$0x0], $0xffff;
	_ =	sdelay $0x4  }
0x94: {  	v0 =	vsub.f32 v0, v1;
	_ =	sdelay $0x1  }
0x95: {  	[tilespmem:$0x1CA50] =	vst v0  }
0x96: {  	v0 =	vld [tilespmem:s14+$0x7860]  }
0x97: {  	v1 =	vld [tilespmem:s14+$0xA060];
	_ =	sdelay $0x6  }
0x98: {  	v2 =	vld.idx.msk [tilespmem:v0+s20+$0x0], $0xffff  }
0x99: {  	v3 =	vld.idx.msk [tilespmem:v1+s20+$0x0], $0xffff;
	_ =	sdelay $0x4  }
0x9a: {  	v2 =	vsub.f32 v2, v3;
	_ =	sdelay $0x1  }
0x9b: {  	[tilespmem:$0x1C860] =	vst v2  }
0x9c: {  	v2 =	vld.idx.msk [tilespmem:v0+s17+$0x0], $0xffff  }
0x9d: {  	v3 =	vld.idx.msk [tilespmem:v1+s17+$0x0], $0xffff;
	_ =	sdelay $0x4  }
0x9e: {  	v2 =	vsub.f32 v2, v3;
	_ =	sdelay $0x1  }
0x9f: {  	[tilespmem:$0x1C960] =	vst v2  }
0xa0: {  	v0 =	vld.idx.msk [tilespmem:v0+s18+$0x0], $0xffff  }
0xa1: {  	v1 =	vld.idx.msk [tilespmem:v1+s18+$0x0], $0xffff;
	_ =	sdelay $0x4  }
0xa2: {  	v0 =	vsub.f32 v0, v1;
	_ =	sdelay $0x1  }
0xa3: {  	[tilespmem:$0x1CA60] =	vst v0  }
0xa4: {  	v0 =	vld [tilespmem:s14+$0x7870]  }
0xa5: {  	v1 =	vld [tilespmem:s14+$0xA070];
	_ =	sdelay $0x6  }
0xa6: {  	v2 =	vld.idx.msk [tilespmem:v0+s20+$0x0], $0xffff  }
0xa7: {  	v3 =	vld.idx.msk [tilespmem:v1+s20+$0x0], $0xffff;
	_ =	sdelay $0x4  }
0xa8: {  	v2 =	vsub.f32 v2, v3;
	_ =	sdelay $0x1  }
0xa9: {  	[tilespmem:$0x1C870] =	vst v2  }
0xaa: {  	v2 =	vld.idx.msk [tilespmem:v0+s17+$0x0], $0xffff  }
0xab: {  	v3 =	vld.idx.msk [tilespmem:v1+s17+$0x0], $0xffff;
	_ =	sdelay $0x4  }
0xac: {  	v2 =	vsub.f32 v2, v3;
	_ =	sdelay $0x1  }
0xad: {  	[tilespmem:$0x1C970] =	vst v2  }
0xae: {  	v0 =	vld.idx.msk [tilespmem:v0+s18+$0x0], $0xffff  }
0xaf: {  	v1 =	vld.idx.msk [tilespmem:v1+s18+$0x0], $0xffff;
	_ =	sdelay $0x4  }
0xb0: {  	v0 =	vsub.f32 v0, v1;
	_ =	sdelay $0x1  }
0xb1: {  	s19 =	simm.s32 $0x0;
	[tilespmem:$0x1CA70] =	vst v0  }
0xb2: {  	v7 =	vld [tilespmem:s19+$0x14800]  }
0xb3: {  	v11 =	vld [tilespmem:s19+$0x14810]  }
0xb4: {  	v5 =	vld [tilespmem:s19+$0x14820]  }
0xb5: {  	v4 =	vld [tilespmem:s19+$0x14830]  }
0xb6: {  	v3 =	vld [tilespmem:s19+$0x14840]  }
0xb7: {  	v2 =	vld [tilespmem:s19+$0x14850]  }
0xb8: {  	v1 =	vld [tilespmem:s19+$0x14860]  }
0xb9: {  	v0 =	vld [tilespmem:s19+$0x14870]  }
0xba: {  	v12 =	vld [tilespmem:s19+$0xC800]  }
0xbb: {  	v13 =	vld [tilespmem:s19+$0xC810]  }
0xbc: {  	v10 =	vld [tilespmem:s19+$0xC820]  }
0xbd: {  	v9 =	vld [tilespmem:s19+$0xC830]  }
0xbe: {  	v8 =	vld [tilespmem:s19+$0xC840]  }
0xbf: {  	v6 =	vld [tilespmem:s19+$0xC850];
	v12 =	vadd.f32 v7, v12  }
0xc0: {  	s15 =	sor.u32 $0x80, s14;
	s20 =	simm.s32 $0x200;
	v11 =	vadd.f32 v11, v13;
	v7 =	vld [tilespmem:s19+$0xC860]  }
.LBB2_3:
0xc1: {  	s16 =	sshra.s32 s20, $0x2;
	p0 =	sne.s32 s20, $0xFE00;
	[tilespmem:s19+$0xC800] =	vst v12;
	v5 =	vadd.f32 v5, v10;
	v10 =	vld [tilespmem:s19+$0xC870]  }
0xc2: {  	v12 =	vld [tilespmem:s16+$0x14800];
	[tilespmem:s19+$0xC810] =	vst v11;
	v4 =	vadd.f32 v4, v9  }
0xc3: {  	v11 =	vld [tilespmem:s16+$0x14810];
	[tilespmem:s19+$0xC820] =	vst v5;
	v3 =	vadd.f32 v3, v8  }
0xc4: {  	v5 =	vld [tilespmem:s16+$0x14820];
	[tilespmem:s19+$0xC830] =	vst v4;
	v2 =	vadd.f32 v2, v6  }
0xc5: {  	v4 =	vld [tilespmem:s16+$0x14830];
	[tilespmem:s19+$0xC840] =	vst v3;
	v1 =	vadd.f32 v1, v7  }
0xc6: {  	v3 =	vld [tilespmem:s16+$0x14840];
	[tilespmem:s19+$0xC850] =	vst v2;
	v0 =	vadd.f32 v0, v10  }
0xc7: {  	v2 =	vld [tilespmem:s16+$0x14850];
	[tilespmem:s19+$0xC860] =	vst v1  }
0xc8: {  	v1 =	vld [tilespmem:s16+$0x14860];
	[tilespmem:s19+$0xC870] =	vst v0;
	s19 =	smov.u32 s16  }
0xc9: {  	v0 =	vld [tilespmem:s19+$0x14870]  }
0xca: {  	v6 =	vld [tilespmem:s19+$0xC800]  }
0xcb: {  	v7 =	vld [tilespmem:s19+$0xC810]  }
.Ltmp0:
0xcc: {  	v10 =	vld [tilespmem:s19+$0xC820];
	(pc) =	sbr.rel @p0 .LBB2_3-.Ltmp0, $4  }
0xcd: {  	v9 =	vld [tilespmem:s19+$0xC830]  }
0xce: {  	v8 =	vld [tilespmem:s19+$0xC840]  }
0xcf: {  	v12 =	vadd.f32 v12, v6;
	v6 =	vld [tilespmem:s19+$0xC850]  }
0xd0: {  	s20 =	sadd.s32 $0x200, s20;
	v11 =	vadd.f32 v11, v7;
	v7 =	vld [tilespmem:s19+$0xC860]  }
0xd1: {  	[tilespmem:s19+$0xC800] =	vst v12;
	v5 =	vadd.f32 v5, v10;
	v10 =	vld [tilespmem:s19+$0xC870]  }
0xd2: {  	[tilespmem:s19+$0xC810] =	vst v11;
	v4 =	vadd.f32 v4, v9  }
0xd3: {  	[tilespmem:s19+$0xC820] =	vst v5;
	v3 =	vadd.f32 v3, v8  }
0xd4: {  	[tilespmem:s19+$0xC830] =	vst v4;
	v2 =	vadd.f32 v2, v6  }
0xd5: {  	[tilespmem:s19+$0xC840] =	vst v3;
	v1 =	vadd.f32 v1, v7  }
0xd6: {  	s16 =	sadd.s32 s4, s14;
	[tilespmem:s19+$0xC850] =	vst v2;
	v0 =	vadd.f32 v0, v10  }
0xd7: {  	s20 =	sshll.u32 s16, $0x4;
	[tilespmem:s19+$0xC860] =	vst v1  }
0xd8: {  	s16 =	sshrl.u32 s16, $0x3;
	s20 =	sadd.s32 s9, s20;
	[tilespmem:s19+$0xC870] =	vst v0  }
0xd9: {  	[hbm4b:s20+s3] =	stream.linear.scatter [tilespmem:s22], [sflag:$0x5], $0x4000, $0x38;
	[tilespmem:$0x1CB00] =	vst v63  }
0xda: {  	s20 =	sadd.s32 s10, s16  }
0xdb: {  	[hbm4b:s20+s3] =	stream.linear.scatter [tilespmem:s29], [sflag:$0x5], $0x80, $0x38;
	[tilespmem:$0x1CB00] =	vst v63  }
0xdc: {  	s20 =	sadd.s32 s11, s16  }
0xdd: {  	[hbm4b:s20+s3] =	stream.linear.scatter [tilespmem:s30], [sflag:$0x5], $0x80, $0x38;
	[tilespmem:$0x1CB00] =	vst v63  }
0xde: {  	s16 =	sadd.s32 s12, s16  }
0xdf: {  	[hbm4b:s16+s3] =	stream.linear.scatter [tilespmem:s31], [sflag:$0x5], $0x80, $0x38;
	[tilespmem:$0x1CB00] =	vst v63  }
0xe0: {  	_ =	swait.ge [sflag:s0], $0x4000  }
0xe1: {  	[sflag:s0] =	ssyncset.done $0x0  }
0xe2: {  	[sflag:s0] =	ssyncadd.s32 $0xFFFFC000  }
0xe3: {  	_ =	swait.ge [sflag:s1], $0x4000  }
0xe4: {  	[sflag:s1] =	ssyncset.done $0x0  }
0xe5: {  	[sflag:s1] =	ssyncadd.s32 $0xFFFFC000  }
0xe6: {  	_ =	swait.ge [sflag:s2], $0x4000  }
0xe7: {  	[sflag:s2] =	ssyncset.done $0x0  }
0xe8: {  	[sflag:s2] =	ssyncadd.s32 $0xFFFFC000  }
0xe9: {  	_ =	swait.ge [sflag:s2], $0x80  }
0xea: {  	[sflag:s2] =	ssyncset.done $0x0  }
0xeb: {  	[sflag:s2] =	ssyncadd.s32 $0xFFFFFF80  }
0xec: {  	_ =	swait.ge [sflag:s2], $0x80  }
0xed: {  	[sflag:s2] =	ssyncset.done $0x0  }
0xee: {  	[sflag:s2] =	ssyncadd.s32 $0xFFFFFF80  }
0xef: {  	p0 =	seq.s32 s13, $0x27;
	_ =	swait.ge [sflag:s2], $0x80  }
0xf0: {  	s19 =	simm.s32 @!p0 $0x80;
	[sflag:s2] =	ssyncset.done $0x0  }
0xf1: {  	s20 =	simm.s32 @!p0 $0xC800;
	s16 =	sadd.s32 @!p0 $0x7900, s14;
	[sflag:s2] =	ssyncadd.s32 $0xFFFFFF80  }
0xf2: {  	[tilespmem:s20], [sflag:$0x1] =	stream.indirect.gather @!p0 [hbm4b:s5+s19], $0x80, s16, s19, $0xb8;
	[tilespmem:$0x1CB00] =	vst v63  }
0xf3: {  	s16 =	sadd.s32 @!p0 $0xA100, s14;
	s20 =	simm.s32 @!p0 $0x14800  }
0xf4: {  	[tilespmem:s20], [sflag:$0x3] =	stream.indirect.gather @!p0 [hbm4b:s6+s19], $0x80, s16, s19, $0xb8;
	[tilespmem:$0x1CB00] =	vst v63  }
0xf5: {  	v0 =	vld [tilespmem:s15+$0x7800]  }
0xf6: {  	v1 =	vld [tilespmem:s15+$0xA000];
	_ =	sdelay $0x5  }
0xf7: {  	s20 =	simm.s32 $0x0  }
0xf8: {  	v2 =	vld.idx.msk [tilespmem:v0+s20+$0x0], $0xffff  }
0xf9: {  	v3 =	vld.idx.msk [tilespmem:v1+s20+$0x0], $0xffff;
	_ =	sdelay $0x4  }
0xfa: {  	v2 =	vsub.f32 v2, v3;
	_ =	sdelay $0x1  }
0xfb: {  	[tilespmem:$0x1C880] =	vst v2  }
0xfc: {  	v2 =	vld.idx.msk [tilespmem:v0+s17+$0x0], $0xffff  }
0xfd: {  	v3 =	vld.idx.msk [tilespmem:v1+s17+$0x0], $0xffff;
	_ =	sdelay $0x4  }
0xfe: {  	v2 =	vsub.f32 v2, v3;
	_ =	sdelay $0x1  }
0xff: {  	[tilespmem:$0x1C980] =	vst v2  }
0x100: {  	v0 =	vld.idx.msk [tilespmem:v0+s18+$0x0], $0xffff  }
0x101: {  	v1 =	vld.idx.msk [tilespmem:v1+s18+$0x0], $0xffff;
	_ =	sdelay $0x4  }
0x102: {  	v0 =	vsub.f32 v0, v1;
	_ =	sdelay $0x1  }
0x103: {  	[tilespmem:$0x1CA80] =	vst v0  }
0x104: {  	v0 =	vld [tilespmem:s14+$0x7890]  }
0x105: {  	v1 =	vld [tilespmem:s14+$0xA090];
	_ =	sdelay $0x6  }
0x106: {  	v2 =	vld.idx.msk [tilespmem:v0+s20+$0x0], $0xffff  }
0x107: {  	v3 =	vld.idx.msk [tilespmem:v1+s20+$0x0], $0xffff;
	_ =	sdelay $0x4  }
0x108: {  	v2 =	vsub.f32 v2, v3;
	_ =	sdelay $0x1  }
0x109: {  	[tilespmem:$0x1C890] =	vst v2  }
0x10a: {  	v2 =	vld.idx.msk [tilespmem:v0+s17+$0x0], $0xffff  }
0x10b: {  	v3 =	vld.idx.msk [tilespmem:v1+s17+$0x0], $0xffff;
	_ =	sdelay $0x4  }
0x10c: {  	v2 =	vsub.f32 v2, v3;
	_ =	sdelay $0x1  }
0x10d: {  	[tilespmem:$0x1C990] =	vst v2  }
0x10e: {  	v0 =	vld.idx.msk [tilespmem:v0+s18+$0x0], $0xffff  }
0x10f: {  	v1 =	vld.idx.msk [tilespmem:v1+s18+$0x0], $0xffff;
	_ =	sdelay $0x4  }
0x110: {  	v0 =	vsub.f32 v0, v1;
	_ =	sdelay $0x1  }
0x111: {  	[tilespmem:$0x1CA90] =	vst v0  }
0x112: {  	v0 =	vld [tilespmem:s14+$0x78A0]  }
0x113: {  	v1 =	vld [tilespmem:s14+$0xA0A0];
	_ =	sdelay $0x6  }
0x114: {  	v2 =	vld.idx.msk [tilespmem:v0+s20+$0x0], $0xffff  }
0x115: {  	v3 =	vld.idx.msk [tilespmem:v1+s20+$0x0], $0xffff;
	_ =	sdelay $0x4  }
0x116: {  	v2 =	vsub.f32 v2, v3;
	_ =	sdelay $0x1  }
0x117: {  	[tilespmem:$0x1C8A0] =	vst v2  }
0x118: {  	v2 =	vld.idx.msk [tilespmem:v0+s17+$0x0], $0xffff  }
0x119: {  	v3 =	vld.idx.msk [tilespmem:v1+s17+$0x0], $0xffff;
	_ =	sdelay $0x4  }
0x11a: {  	v2 =	vsub.f32 v2, v3;
	_ =	sdelay $0x1  }
0x11b: {  	[tilespmem:$0x1C9A0] =	vst v2  }
0x11c: {  	v0 =	vld.idx.msk [tilespmem:v0+s18+$0x0], $0xffff  }
0x11d: {  	v1 =	vld.idx.msk [tilespmem:v1+s18+$0x0], $0xffff;
	_ =	sdelay $0x4  }
0x11e: {  	v0 =	vsub.f32 v0, v1;
	_ =	sdelay $0x1  }
0x11f: {  	[tilespmem:$0x1CAA0] =	vst v0  }
0x120: {  	v0 =	vld [tilespmem:s14+$0x78B0]  }
0x121: {  	v1 =	vld [tilespmem:s14+$0xA0B0];
	_ =	sdelay $0x6  }
0x122: {  	v2 =	vld.idx.msk [tilespmem:v0+s20+$0x0], $0xffff  }
0x123: {  	v3 =	vld.idx.msk [tilespmem:v1+s20+$0x0], $0xffff;
	_ =	sdelay $0x4  }
0x124: {  	v2 =	vsub.f32 v2, v3;
	_ =	sdelay $0x1  }
0x125: {  	[tilespmem:$0x1C8B0] =	vst v2  }
0x126: {  	v2 =	vld.idx.msk [tilespmem:v0+s17+$0x0], $0xffff  }
0x127: {  	v3 =	vld.idx.msk [tilespmem:v1+s17+$0x0], $0xffff;
	_ =	sdelay $0x4  }
0x128: {  	v2 =	vsub.f32 v2, v3;
	_ =	sdelay $0x1  }
0x129: {  	[tilespmem:$0x1C9B0] =	vst v2  }
0x12a: {  	v0 =	vld.idx.msk [tilespmem:v0+s18+$0x0], $0xffff  }
0x12b: {  	v1 =	vld.idx.msk [tilespmem:v1+s18+$0x0], $0xffff;
	_ =	sdelay $0x4  }
0x12c: {  	v0 =	vsub.f32 v0, v1;
	_ =	sdelay $0x1  }
0x12d: {  	[tilespmem:$0x1CAB0] =	vst v0  }
0x12e: {  	v0 =	vld [tilespmem:s14+$0x78C0]  }
0x12f: {  	v1 =	vld [tilespmem:s14+$0xA0C0];
	_ =	sdelay $0x6  }
0x130: {  	v2 =	vld.idx.msk [tilespmem:v0+s20+$0x0], $0xffff  }
0x131: {  	v3 =	vld.idx.msk [tilespmem:v1+s20+$0x0], $0xffff;
	_ =	sdelay $0x4  }
0x132: {  	v2 =	vsub.f32 v2, v3;
	_ =	sdelay $0x1  }
0x133: {  	[tilespmem:$0x1C8C0] =	vst v2  }
0x134: {  	v2 =	vld.idx.msk [tilespmem:v0+s17+$0x0], $0xffff  }
0x135: {  	v3 =	vld.idx.msk [tilespmem:v1+s17+$0x0], $0xffff;
	_ =	sdelay $0x4  }
0x136: {  	v2 =	vsub.f32 v2, v3;
	_ =	sdelay $0x1  }
0x137: {  	[tilespmem:$0x1C9C0] =	vst v2  }
0x138: {  	v0 =	vld.idx.msk [tilespmem:v0+s18+$0x0], $0xffff  }
0x139: {  	v1 =	vld.idx.msk [tilespmem:v1+s18+$0x0], $0xffff;
	_ =	sdelay $0x4  }
0x13a: {  	v0 =	vsub.f32 v0, v1;
	_ =	sdelay $0x1  }
0x13b: {  	[tilespmem:$0x1CAC0] =	vst v0  }
0x13c: {  	v0 =	vld [tilespmem:s14+$0x78D0]  }
0x13d: {  	v1 =	vld [tilespmem:s14+$0xA0D0];
	_ =	sdelay $0x6  }
0x13e: {  	v2 =	vld.idx.msk [tilespmem:v0+s20+$0x0], $0xffff  }
0x13f: {  	v3 =	vld.idx.msk [tilespmem:v1+s20+$0x0], $0xffff;
	_ =	sdelay $0x4  }
0x140: {  	v2 =	vsub.f32 v2, v3;
	_ =	sdelay $0x1  }
0x141: {  	[tilespmem:$0x1C8D0] =	vst v2  }
0x142: {  	v2 =	vld.idx.msk [tilespmem:v0+s17+$0x0], $0xffff  }
0x143: {  	v3 =	vld.idx.msk [tilespmem:v1+s17+$0x0], $0xffff;
	_ =	sdelay $0x4  }
0x144: {  	v2 =	vsub.f32 v2, v3;
	_ =	sdelay $0x1  }
0x145: {  	[tilespmem:$0x1C9D0] =	vst v2  }
0x146: {  	v0 =	vld.idx.msk [tilespmem:v0+s18+$0x0], $0xffff  }
0x147: {  	v1 =	vld.idx.msk [tilespmem:v1+s18+$0x0], $0xffff;
	_ =	sdelay $0x4  }
0x148: {  	v0 =	vsub.f32 v0, v1;
	_ =	sdelay $0x1  }
0x149: {  	[tilespmem:$0x1CAD0] =	vst v0  }
0x14a: {  	v0 =	vld [tilespmem:s14+$0x78E0]  }
0x14b: {  	v1 =	vld [tilespmem:s14+$0xA0E0];
	_ =	sdelay $0x6  }
0x14c: {  	v2 =	vld.idx.msk [tilespmem:v0+s20+$0x0], $0xffff  }
0x14d: {  	v3 =	vld.idx.msk [tilespmem:v1+s20+$0x0], $0xffff;
	_ =	sdelay $0x4  }
0x14e: {  	v2 =	vsub.f32 v2, v3;
	_ =	sdelay $0x1  }
0x14f: {  	[tilespmem:$0x1C8E0] =	vst v2  }
0x150: {  	v2 =	vld.idx.msk [tilespmem:v0+s17+$0x0], $0xffff  }
0x151: {  	v3 =	vld.idx.msk [tilespmem:v1+s17+$0x0], $0xffff;
	_ =	sdelay $0x4  }
0x152: {  	v2 =	vsub.f32 v2, v3;
	_ =	sdelay $0x1  }
0x153: {  	[tilespmem:$0x1C9E0] =	vst v2  }
0x154: {  	v0 =	vld.idx.msk [tilespmem:v0+s18+$0x0], $0xffff  }
0x155: {  	v1 =	vld.idx.msk [tilespmem:v1+s18+$0x0], $0xffff;
	_ =	sdelay $0x4  }
0x156: {  	v0 =	vsub.f32 v0, v1;
	_ =	sdelay $0x1  }
0x157: {  	[tilespmem:$0x1CAE0] =	vst v0  }
0x158: {  	v0 =	vld [tilespmem:s14+$0x78F0]  }
0x159: {  	v1 =	vld [tilespmem:s14+$0xA0F0];
	_ =	sdelay $0x6  }
0x15a: {  	v2 =	vld.idx.msk [tilespmem:v0+s20+$0x0], $0xffff  }
0x15b: {  	v3 =	vld.idx.msk [tilespmem:v1+s20+$0x0], $0xffff;
	_ =	sdelay $0x4  }
0x15c: {  	v2 =	vsub.f32 v2, v3;
	_ =	sdelay $0x1  }
0x15d: {  	[tilespmem:$0x1C8F0] =	vst v2  }
0x15e: {  	v2 =	vld.idx.msk [tilespmem:v0+s17+$0x0], $0xffff  }
0x15f: {  	v3 =	vld.idx.msk [tilespmem:v1+s17+$0x0], $0xffff;
	_ =	sdelay $0x4  }
0x160: {  	v2 =	vsub.f32 v2, v3;
	_ =	sdelay $0x1  }
0x161: {  	[tilespmem:$0x1C9F0] =	vst v2  }
0x162: {  	v0 =	vld.idx.msk [tilespmem:v0+s18+$0x0], $0xffff  }
0x163: {  	v1 =	vld.idx.msk [tilespmem:v1+s18+$0x0], $0xffff;
	_ =	sdelay $0x4  }
0x164: {  	v0 =	vsub.f32 v0, v1;
	_ =	sdelay $0x1  }
0x165: {  	s14 =	simm.s32 $0x0;
	[tilespmem:$0x1CAF0] =	vst v0  }
0x166: {  	v7 =	vld [tilespmem:s14+$0x18800]  }
0x167: {  	v11 =	vld [tilespmem:s14+$0x18810]  }
0x168: {  	v5 =	vld [tilespmem:s14+$0x18820]  }
0x169: {  	v4 =	vld [tilespmem:s14+$0x18830]  }
0x16a: {  	v3 =	vld [tilespmem:s14+$0x18840]  }
0x16b: {  	v2 =	vld [tilespmem:s14+$0x18850]  }
0x16c: {  	v1 =	vld [tilespmem:s14+$0x18860]  }
0x16d: {  	v0 =	vld [tilespmem:s14+$0x18870]  }
0x16e: {  	v12 =	vld [tilespmem:s14+$0x10800]  }
0x16f: {  	v13 =	vld [tilespmem:s14+$0x10810]  }
0x170: {  	v10 =	vld [tilespmem:s14+$0x10820]  }
0x171: {  	v9 =	vld [tilespmem:s14+$0x10830]  }
0x172: {  	v8 =	vld [tilespmem:s14+$0x10840]  }
0x173: {  	v6 =	vld [tilespmem:s14+$0x10850];
	v12 =	vadd.f32 v7, v12  }
0x174: {  	s19 =	simm.s32 $0x200;
	v11 =	vadd.f32 v11, v13;
	v7 =	vld [tilespmem:s14+$0x10860]  }
.LBB2_5:
0x175: {  	s16 =	sshra.s32 s19, $0x2;
	p0 =	sne.s32 s19, $0xFE00;
	[tilespmem:s14+$0x10800] =	vst v12;
	v5 =	vadd.f32 v5, v10;
	v10 =	vld [tilespmem:s14+$0x10870]  }
0x176: {  	v12 =	vld [tilespmem:s16+$0x18800];
	[tilespmem:s14+$0x10810] =	vst v11;
	v4 =	vadd.f32 v4, v9  }
0x177: {  	v11 =	vld [tilespmem:s16+$0x18810];
	[tilespmem:s14+$0x10820] =	vst v5;
	v3 =	vadd.f32 v3, v8  }
0x178: {  	v5 =	vld [tilespmem:s16+$0x18820];
	[tilespmem:s14+$0x10830] =	vst v4;
	v2 =	vadd.f32 v2, v6  }
0x179: {  	v4 =	vld [tilespmem:s16+$0x18830];
	[tilespmem:s14+$0x10840] =	vst v3;
	v1 =	vadd.f32 v1, v7  }
0x17a: {  	v3 =	vld [tilespmem:s16+$0x18840];
	[tilespmem:s14+$0x10850] =	vst v2;
	v0 =	vadd.f32 v0, v10  }
0x17b: {  	v2 =	vld [tilespmem:s16+$0x18850];
	[tilespmem:s14+$0x10860] =	vst v1  }
0x17c: {  	v1 =	vld [tilespmem:s16+$0x18860];
	[tilespmem:s14+$0x10870] =	vst v0;
	s14 =	smov.u32 s16  }
0x17d: {  	v0 =	vld [tilespmem:s14+$0x18870]  }
0x17e: {  	v6 =	vld [tilespmem:s14+$0x10800]  }
0x17f: {  	v7 =	vld [tilespmem:s14+$0x10810]  }
.Ltmp1:
0x180: {  	v10 =	vld [tilespmem:s14+$0x10820];
	(pc) =	sbr.rel @p0 .LBB2_5-.Ltmp1, $4  }
0x181: {  	v9 =	vld [tilespmem:s14+$0x10830]  }
0x182: {  	v8 =	vld [tilespmem:s14+$0x10840]  }
0x183: {  	v12 =	vadd.f32 v12, v6;
	v6 =	vld [tilespmem:s14+$0x10850]  }
0x184: {  	s19 =	sadd.s32 $0x200, s19;
	v11 =	vadd.f32 v11, v7;
	v7 =	vld [tilespmem:s14+$0x10860]  }
0x185: {  	[tilespmem:s14+$0x10800] =	vst v12;
	v5 =	vadd.f32 v5, v10;
	v63 =	vld [tilespmem:s14+$0x10870]  }
0x186: {  	[tilespmem:s14+$0x10810] =	vst v11;
	v4 =	vadd.f32 v4, v9  }
0x187: {  	[tilespmem:s14+$0x10820] =	vst v5;
	v3 =	vadd.f32 v3, v8  }
0x188: {  	[tilespmem:s14+$0x10830] =	vst v4;
	v2 =	vadd.f32 v2, v6  }
0x189: {  	[tilespmem:s14+$0x10840] =	vst v3;
	v1 =	vadd.f32 v1, v7  }
0x18a: {  	s15 =	sadd.s32 s4, s15;
	[tilespmem:s14+$0x10850] =	vst v2;
	v0 =	vadd.f32 v0, v63  }
0x18b: {  	s16 =	sshll.u32 s15, $0x4;
	[tilespmem:s14+$0x10860] =	vst v1  }
0x18c: {  	s13 =	sadd.s32 $0x1, s13;
	s19 =	sshrl.u32 s15, $0x3;
	s16 =	sadd.s32 s9, s16;
	[tilespmem:s14+$0x10870] =	vst v0  }
0x18d: {  	[hbm4b:s16+s3] =	stream.linear.scatter [tilespmem:s26], [sflag:$0x6], $0x4000, $0x38;
	[tilespmem:$0x1CB00] =	vst v63  }
0x18e: {  	p0 =	sne.s32 s13, $0x28;
	s15 =	sadd.s32 s10, s19  }
0x18f: {  	[hbm4b:s15+s3] =	stream.linear.scatter [tilespmem:s23], [sflag:$0x6], $0x80, $0x38;
	[tilespmem:$0x1CB00] =	vst v63  }
.Ltmp2:
0x190: {  	_ = 	snop;
	(pc) =	sbr.rel @p0 .LBB2_2-.Ltmp2, $4  }
0x191: {  	s20 =	sadd.s32 s11, s19  }
0x192: {  	[hbm4b:s20+s3] =	stream.linear.scatter [tilespmem:s7], [sflag:$0x6], $0x80, $0x38;
	[tilespmem:$0x1CB00] =	vst v63  }
0x193: {  	s14 =	sadd.s32 s12, s19  }
0x194: {  	[hbm4b:s14+s3] =	stream.linear.scatter [tilespmem:s8], [sflag:$0x6], $0x80, $0x38;
	[tilespmem:$0x1CB00] =	vst v63  }
0x195: {  	s14 =	simm.s32 $0x6  }
0x196: {  	_ =	swait.ge [sflag:s14], $0x4000  }
0x197: {  	[sflag:s14] =	ssyncset.done $0x0  }
0x198: {  	[sflag:s14] =	ssyncadd.s32 $0xFFFFC000  }
0x199: {  	_ =	swait.ge [sflag:s14], $0x80  }
0x19a: {  	[sflag:s14] =	ssyncset.done $0x0  }
0x19b: {  	[sflag:s14] =	ssyncadd.s32 $0xFFFFFF80  }
0x19c: {  	_ =	swait.ge [sflag:s14], $0x80  }
0x19d: {  	[sflag:s14] =	ssyncset.done $0x0  }
0x19e: {  	[sflag:s14] =	ssyncadd.s32 $0xFFFFFF80  }
0x19f: {  	_ =	swait.ge [sflag:s14], $0x80  }
0x1a0: {  	s15 =	rddreg [dreg:$0x8]  }
0x1a1: {  	s13 =	rddreg [dreg:$0x7];
	s15 =	sadd.s32 $0x1, s15  }
0x1a2: {  	p0 =	sne.s32 s15, s13  }
.Ltmp3:
0x1a3: {  	_ = 	snop;
	(pc) =	sbr.rel @p0 .LBB2_1-.Ltmp3, $3  }
0x1a4: {  	_ =	sdelay $0x1  }
0x1a5: {  	[sflag:s14] =	ssyncset.done $0x0  }
0x1a6: {  	[sflag:s14] =	ssyncadd.s32 $0xFFFFFF80  }
0x1a7: {  	_ =	sfence.sel $0x180000  }
0x1a8: {  	[bflag:$0x0] =	sbarrier.arrive $0xFFFF  }
0x1a9: {  	_ =	strace $0x90000047  }
0x1aa: {  	s0 =	stileid.u32;
	[bflag:$0x2] =	sbarrier.arrive $0xFFFF  }
0x1ab: {  	p0 =	sne.s32 s0, $0x0;
	s0 =	rddreg [dreg:$0x2]  }
0x1ac: {  	s0 =	sadd.s32 @!p0 $0x100000, s0  }
0x1ad: {  	[sflag:s0] =	ssyncadd.tile.s32 @!p0 $0x1;
	_ =	shalt  }
.Lfunc_end2:
_tile_overlayer_lowered:
.L_overlay_start_2:
0x1ae: {  	(tag) =	ssettag $0x2  }
0x1af: {  	s0 =	rddreg [dreg:$0x0];
	s2 =	stileid.u32  }
0x1b0: {  	s1 =	rddreg [dreg:$0x1];
	p0 =	sne.s32 s2, $0x0  }
0x1b1: {  	s3 =	rddreg [dreg:$0x2];
	[bflag:$0x3] =	sbarrier.arrive $0xFFFF;
	s2 =	simm.s32 @!p0 $0x1C07  }
0x1b2: {  	[timem:s3], [sflag:s2] =	dma.local @!p0 [hbm:s0], s1  }
0x1b3: {  	s0 =	simm.s32 @!p0 $0x7  }
0x1b4: {  	_ =	swait.ge @!p0 [sflag:s0], s1  }
0x1b5: {  	s1 =	ssub.s32 @!p0 $0x0, s1;
	[sflag:s0] =	ssyncset.done @!p0 $0x0  }
0x1b6: {  	[sflag:s0] =	ssyncadd.s32 @!p0 s1  }
0x1b7: {  	[bflag:$0x3] =	sbarrier.arrive $0xFFFF  }
0x1b8: {  	_ =	shalt  }

</sc_bundles>
